<compile_context>
chip_gen: v7x
topology: tpu7x:2x2x1
jax: 0.10.2.dev20260603
libtpu: 0.0.44.dev20260713+nightly
codegen_flags: <defaults>
</compile_context>

<pallas_src>
import functools

import jax
import jax.numpy as jnp
from jax import lax
from jax.experimental import pallas as pl
from jax.experimental.pallas import tpu as pltpu
from jax.experimental.pallas import tpu_sc as plsc

N = 10000
E = 320000
C = 128
NUM_LAYERS = 3
NUM_GRAPHS = 64

NC = 2
NS = 16
NW = NC * NS
EPW = E // NW
CHUNK = 64
NCHUNK = EPW // CHUNK
TAIL = EPW - NCHUNK * CHUNK
NRING = 4
NROUND = NCHUNK // NRING
NA = N
RPT = 624
ZROWS = 16

ROWS_BLK = 1000
NBLK = N // ROWS_BLK


def _sc_scatter_kernel(m_hbm, src_hbm, dst_hbm, out_hbm,
                       sidx, didxb, dtail, rows, acc, gsems, isems):
    c = lax.axis_index("c")
    s = lax.axis_index("s")
    wid = c * NS + s

    zero16 = jnp.zeros((16,), jnp.float32)

    def zero_row(r, carry):
        for lane in range(C // 16):
            rows[0][r, pl.ds(lane * 16, 16)] = zero16
        return carry

    lax.fori_loop(0, ZROWS, zero_row, 0)
    zsrc = rows[0].at[pl.ds(0, ZROWS)]

    def zero_acc(t, carry):
        pltpu.sync_copy(zsrc, acc.at[pl.ds(s * RPT + t * ZROWS, ZROWS)])
        return carry

    lax.fori_loop(0, RPT // ZROWS, zero_acc, 0)

    @pl.when(s == NS - 1)
    def _():
        pltpu.sync_copy(zsrc, acc.at[pl.ds(NS * RPT, ZROWS)])

    plsc.subcore_barrier()

    pltpu.sync_copy(src_hbm.at[pl.ds(wid * EPW, EPW)], sidx)

    def start_chunk(j, b):
        pltpu.async_copy(dst_hbm.at[pl.ds(wid * EPW + j * CHUNK, CHUNK)],
                         didxb[b], isems[b])
        pltpu.async_copy(m_hbm.at[sidx.at[pl.ds(j * CHUNK, CHUNK)]],
                         rows[b], gsems[b])

    def wait_chunk(b):
        pltpu.make_async_copy(dst_hbm.at[pl.ds(0, CHUNK)],
                              didxb[b], isems[b]).wait()
        pltpu.make_async_copy(m_hbm.at[pl.ds(0, CHUNK)],
                              rows[b], gsems[b]).wait()

    for b in range(NRING):
        start_chunk(b, b)

    def ring_round(r, carry):
        j0 = r * NRING
        for b in range(NRING):
            j = j0 + b
            wait_chunk(b)
            pltpu.sync_copy(rows[b], acc.at[didxb[b]], add=True)

            @pl.when(j + NRING < NCHUNK)
            def _():
                start_chunk(j + NRING, b)
        return carry

    lax.fori_loop(0, NROUND, ring_round, 0)

    tbase = wid * EPW + NCHUNK * CHUNK
    pltpu.sync_copy(dst_hbm.at[pl.ds(tbase, TAIL)], dtail)
    rtail = rows[0].at[pl.ds(0, TAIL)]
    pltpu.async_copy(m_hbm.at[sidx.at[pl.ds(NCHUNK * CHUNK, TAIL)]],
                     rtail, gsems[0])
    pltpu.make_async_copy(m_hbm.at[pl.ds(0, TAIL)], rtail, gsems[0]).wait()
    pltpu.sync_copy(rtail, acc.at[dtail], add=True)
    plsc.subcore_barrier()

    pltpu.sync_copy(acc.at[pl.ds(s * RPT, RPT)],
                    out_hbm.at[pl.ds(c * N + s * RPT, RPT)])

    @pl.when(s == NS - 1)
    def _():
        pltpu.sync_copy(acc.at[pl.ds(NS * RPT, N - NS * RPT)],
                        out_hbm.at[pl.ds(c * N + NS * RPT, N - NS * RPT)])


def _sc_scatter(m, srcp, dstp):
    mesh = plsc.VectorSubcoreMesh(core_axis_name="c", subcore_axis_name="s")
    return pl.kernel(
        _sc_scatter_kernel,
        out_type=jax.ShapeDtypeStruct((NC * N, C), jnp.float32),
        mesh=mesh,
        scratch_types=[
            pltpu.VMEM((EPW,), jnp.int32),
            [pltpu.VMEM((CHUNK,), jnp.int32) for _ in range(NRING)],
            pltpu.VMEM((TAIL,), jnp.int32),
            [pltpu.VMEM((CHUNK, C), jnp.float32) for _ in range(NRING)],
            pltpu.VMEM_SHARED((NA, C), jnp.float32),
            [pltpu.SemaphoreType.DMA for _ in range(NRING)],
            [pltpu.SemaphoreType.DMA for _ in range(NRING)],
        ],
    )(m, srcp, dstp)


def _mm_kernel(x_ref, w_ref, o_ref):
    o_ref[...] = jnp.dot(x_ref[...], w_ref[...],
                         preferred_element_type=jnp.float32)


def _tc_matmul(x, w):
    return pl.pallas_call(
        _mm_kernel,
        grid=(NBLK,),
        in_specs=[
            pl.BlockSpec((ROWS_BLK, C), lambda i: (i, 0)),
            pl.BlockSpec((C, C), lambda i: (0, 0)),
        ],
        out_specs=pl.BlockSpec((ROWS_BLK, C), lambda i: (i, 0)),
        out_shape=jax.ShapeDtypeStruct((N, C), jnp.float32),
    )(x, w)


def _gru_math(parts_ref, h_ref, wih_ref, whh_ref, bih_ref, bhh_ref):
    agg = parts_ref[0] + parts_ref[1]
    h = h_ref[...]
    gi = jnp.dot(agg, wih_ref[...], preferred_element_type=jnp.float32) \
        + bih_ref[...]
    gh = jnp.dot(h, whh_ref[...], preferred_element_type=jnp.float32) \
        + bhh_ref[...]
    r = jax.nn.sigmoid(gi[:, :C] + gh[:, :C])
    z = jax.nn.sigmoid(gi[:, C:2 * C] + gh[:, C:2 * C])
    n = jnp.tanh(gi[:, 2 * C:] + r * gh[:, 2 * C:])
    return (1.0 - z) * n + z * h


def _gru_next_kernel(parts_ref, h_ref, wih_ref, whh_ref, bih_ref, bhh_ref,
                     wn_ref, h_out, m_out):
    h_new = _gru_math(parts_ref, h_ref, wih_ref, whh_ref, bih_ref, bhh_ref)
    h_out[...] = h_new
    m_out[...] = jnp.dot(h_new, wn_ref[...], preferred_element_type=jnp.float32)


def _gru_last_kernel(parts_ref, h_ref, wih_ref, whh_ref, bih_ref, bhh_ref,
                     h_out):
    h_out[...] = _gru_math(parts_ref, h_ref, wih_ref, whh_ref, bih_ref,
                           bhh_ref)


def _tc_gru(parts, h, wih_t, whh_t, bih2, bhh2, w_next):
    blk = pl.BlockSpec((ROWS_BLK, C), lambda i: (i, 0))
    in_specs = [
        pl.BlockSpec((NC, ROWS_BLK, C), lambda i: (0, i, 0)),
        blk,
        pl.BlockSpec((C, 3 * C), lambda i: (0, 0)),
        pl.BlockSpec((C, 3 * C), lambda i: (0, 0)),
        pl.BlockSpec((1, 3 * C), lambda i: (0, 0)),
        pl.BlockSpec((1, 3 * C), lambda i: (0, 0)),
    ]
    if w_next is not None:
        return pl.pallas_call(
            _gru_next_kernel,
            grid=(NBLK,),
            in_specs=in_specs + [pl.BlockSpec((C, C), lambda i: (0, 0))],
            out_specs=[blk, blk],
            out_shape=[jax.ShapeDtypeStruct((N, C), jnp.float32),
                       jax.ShapeDtypeStruct((N, C), jnp.float32)],
        )(parts, h, wih_t, whh_t, bih2, bhh2, w_next)
    return pl.pallas_call(
        _gru_last_kernel,
        grid=(NBLK,),
        in_specs=in_specs,
        out_specs=blk,
        out_shape=jax.ShapeDtypeStruct((N, C), jnp.float32),
    )(parts, h, wih_t, whh_t, bih2, bhh2)


def _readout_kernel(h_ref, x_ref, b_ref, w1_ref, b1_ref, w2_ref, b2_ref,
                    wo_ref, bo_ref, o_ref, g_acc):
    i = pl.program_id(0)

    @pl.when(i == 0)
    def _():
        g_acc[...] = jnp.zeros_like(g_acc)

    f1 = jax.nn.relu(
        jnp.dot(h_ref[...], w1_ref[:C], preferred_element_type=jnp.float32)
        + jnp.dot(x_ref[...], w1_ref[C:], preferred_element_type=jnp.float32)
        + b1_ref[...])
    f2 = jax.nn.relu(
        jnp.dot(f1, w2_ref[...], preferred_element_type=jnp.float32)
        + b2_ref[...])
    bids = b_ref[0, 0, :]
    seg = lax.broadcasted_iota(jnp.int32, (ROWS_BLK, NUM_GRAPHS), 1)
    onehot = (bids[:, None] == seg).astype(jnp.float32)
    g_acc[...] += lax.dot_general(onehot, f2, (((0,), (0,)), ((), ())),
                                  preferred_element_type=jnp.float32)

    @pl.when(i == NBLK - 1)
    def _():
        o_ref[...] = jax.nn.sigmoid(
            jnp.dot(g_acc[...], wo_ref[...],
                    preferred_element_type=jnp.float32) + bo_ref[...])


def _tc_readout(h, x, batch3, w1_t, b1_2, w2_t, b2_2, wo_t, bo_2):
    blk = pl.BlockSpec((ROWS_BLK, C), lambda i: (i, 0))
    return pl.pallas_call(
        _readout_kernel,
        grid=(NBLK,),
        in_specs=[
            blk,
            blk,
            pl.BlockSpec((1, 1, ROWS_BLK), lambda i: (i, 0, 0)),
            pl.BlockSpec((2 * C, 256), lambda i: (0, 0)),
            pl.BlockSpec((1, 256), lambda i: (0, 0)),
            pl.BlockSpec((256, NUM_GRAPHS), lambda i: (0, 0)),
            pl.BlockSpec((1, NUM_GRAPHS), lambda i: (0, 0)),
            pl.BlockSpec((NUM_GRAPHS, 1), lambda i: (0, 0)),
            pl.BlockSpec((1, 1), lambda i: (0, 0)),
        ],
        out_specs=pl.BlockSpec((NUM_GRAPHS, 1), lambda i: (0, 0)),
        out_shape=jax.ShapeDtypeStruct((NUM_GRAPHS, 1), jnp.float32),
        scratch_shapes=[pltpu.VMEM((NUM_GRAPHS, NUM_GRAPHS), jnp.float32)],
    )(h, x, batch3, w1_t, b1_2, w2_t, b2_2, wo_t, bo_2)


def kernel(x, edge_index, batch, W_ggc, w_ih, w_hh, b_ih, b_hh,
           W1, b1, W2, b2, Wout, bout):
    srcp = edge_index[0].astype(jnp.int32)
    dstp = edge_index[1].astype(jnp.int32)
    batch3 = batch.astype(jnp.int32).reshape(NBLK, 1, ROWS_BLK)

    wih_t = w_ih.T
    whh_t = w_hh.T
    bih2 = b_ih.reshape(1, 3 * C)
    bhh2 = b_hh.reshape(1, 3 * C)
    w1_t = W1.T
    b1_2 = b1.reshape(1, 256)
    w2_t = W2.T
    b2_2 = b2.reshape(1, NUM_GRAPHS)
    wo_t = Wout.T
    bo_2 = bout.reshape(1, 1)

    h = x
    m = _tc_matmul(x, W_ggc[0])
    for i in range(NUM_LAYERS):
        parts = _sc_scatter(m, srcp, dstp).reshape(NC, N, C)
        if i + 1 < NUM_LAYERS:
            h, m = _tc_gru(parts, h, wih_t, whh_t, bih2, bhh2, W_ggc[i + 1])
        else:
            h = _tc_gru(parts, h, wih_t, whh_t, bih2, bhh2, None)
    out = _tc_readout(h, x, batch3, w1_t, b1_2, w2_t, b2_2, wo_t, bo_2)
    return out.reshape(NUM_GRAPHS)

# --- scband reference (transcript-rebuilt; emitter-appended) ---
"""Pipeline reference for scband-net-25890062860969 (READ-ONLY COPY).

The authoritative reference and input builder live on the scoring server;
editing this copy changes nothing except your own understanding.
"""

import jax, jax.numpy as jnp
import numpy as np

N = 10000
E = 320000
C = 128          # out_channels == emb_size, so no zero-padding branch
NUM_LAYERS = 3
NUM_GRAPHS = 64

def setup_inputs(seed: int = 0) -> dict:
    key = jax.random.key(seed)
    ks = jax.random.split(key, 16)
    x = jax.random.normal(ks[0], (N, C), dtype=jnp.float32)
    edge_index = jax.random.randint(ks[1], (2, E), 0, N, dtype=jnp.int64)
    batch = jnp.sort(jax.random.randint(ks[2], (N,), 0, NUM_GRAPHS, dtype=jnp.int64))
    s = 0.05
    W_ggc = jax.random.normal(ks[3], (NUM_LAYERS, C, C), dtype=jnp.float32) * s
    w_ih = jax.random.normal(ks[4], (3 * C, C), dtype=jnp.float32) * s
    w_hh = jax.random.normal(ks[5], (3 * C, C), dtype=jnp.float32) * s
    b_ih = jax.random.normal(ks[6], (3 * C,), dtype=jnp.float32) * s
    b_hh = jax.random.normal(ks[7], (3 * C,), dtype=jnp.float32) * s
    W1 = jax.random.normal(ks[8], (256, C + C), dtype=jnp.float32) * s
    b1 = jax.random.normal(ks[9], (256,), dtype=jnp.float32) * s
    W2 = jax.random.normal(ks[10], (64, 256), dtype=jnp.float32) * s
    b2 = jax.random.normal(ks[11], (64,), dtype=jnp.float32) * s
    Wout = jax.random.normal(ks[12], (1, 64), dtype=jnp.float32) * s
    bout = jax.random.normal(ks[13], (1,), dtype=jnp.float32) * s
    return {"x": x, "edge_index": edge_index, "batch": batch,
            "W_ggc": W_ggc, "w_ih": w_ih, "w_hh": w_hh, "b_ih": b_ih, "b_hh": b_hh,
            "W1": W1, "b1": b1, "W2": W2, "b2": b2, "Wout": Wout, "bout": bout}

def _gru_cell(m, h, w_ih, w_hh, b_ih, b_hh):
    gi = m @ w_ih.T + b_ih
    gh = h @ w_hh.T + b_hh
    i_r, i_z, i_n = jnp.split(gi, 3, axis=-1)
    h_r, h_z, h_n = jnp.split(gh, 3, axis=-1)
    r = jax.nn.sigmoid(i_r + h_r)
    z = jax.nn.sigmoid(i_z + h_z)
    n = jnp.tanh(i_n + r * h_n)
    return (1.0 - z) * n + z * h

def reference(x, edge_index, batch, W_ggc, w_ih, w_hh, b_ih, b_hh, W1, b1, W2, b2, Wout, bout):
    src = edge_index[0]
    dst = edge_index[1]
    h = x  # in_channels == out_channels, no padding
    for i in range(NUM_LAYERS):
        m = h @ W_ggc[i]
        # message = m[src], aggregated (add) at dst  -- GatedGraphConv propagate
        agg = jnp.zeros_like(m).at[dst].add(m[src])
        h = _gru_cell(agg, h, w_ih, w_hh, b_ih, b_hh)
    # Readout
    feat = jnp.concatenate([h, x], axis=-1)
    feat = jax.nn.relu(feat @ W1.T + b1)
    feat = jax.nn.relu(feat @ W2.T + b2)
    g = jax.ops.segment_sum(feat, batch, num_segments=NUM_GRAPHS)
    out = jax.nn.sigmoid(jnp.squeeze(g @ Wout.T + bout, axis=-1))
    return out

if __name__ == "__main__":
    import jax
    _d = setup_inputs()
    print(jax.jit(kernel)(*tuple(_d.values())))

</pallas_src>

<mosaic_0001>
#map = affine_map<(d0, d1) -> (0, 0)>
#map1 = affine_map<(d0, d1) -> (0)>
module attributes {stable_mosaic.version = 14 : i64} {
  func.func @_sc_scatter_kernel(%arg0: i32, %arg1: i32, %arg2: memref<10000x128xf32, #tpu.memory_space<hbm>>, %arg3: memref<320000xi32, #tpu.memory_space<hbm>>, %arg4: memref<320000xi32, #tpu.memory_space<hbm>>, %arg5: memref<20000x128xf32, #tpu.memory_space<hbm>>, %arg6: memref<10000xi32, #tpu.memory_space<vmem>>, %arg7: memref<64xi32, #tpu.memory_space<vmem>>, %arg8: memref<64xi32, #tpu.memory_space<vmem>>, %arg9: memref<64xi32, #tpu.memory_space<vmem>>, %arg10: memref<64xi32, #tpu.memory_space<vmem>>, %arg11: memref<16xi32, #tpu.memory_space<vmem>>, %arg12: memref<64x128xf32, #tpu.memory_space<vmem>>, %arg13: memref<64x128xf32, #tpu.memory_space<vmem>>, %arg14: memref<64x128xf32, #tpu.memory_space<vmem>>, %arg15: memref<64x128xf32, #tpu.memory_space<vmem>>, %arg16: memref<10000x128xf32, #tpu.memory_space<vmem_shared>>, %arg17: memref<!tpu.dma_semaphore, #tpu.memory_space<semaphore_mem>>, %arg18: memref<!tpu.dma_semaphore, #tpu.memory_space<semaphore_mem>>, %arg19: memref<!tpu.dma_semaphore, #tpu.memory_space<semaphore_mem>>, %arg20: memref<!tpu.dma_semaphore, #tpu.memory_space<semaphore_mem>>, %arg21: memref<!tpu.dma_semaphore, #tpu.memory_space<semaphore_mem>>, %arg22: memref<!tpu.dma_semaphore, #tpu.memory_space<semaphore_mem>>, %arg23: memref<!tpu.dma_semaphore, #tpu.memory_space<semaphore_mem>>, %arg24: memref<!tpu.dma_semaphore, #tpu.memory_space<semaphore_mem>>) attributes {dimension_semantics = [#tpu.dimension_semantics<core_parallel>, #tpu.dimension_semantics<subcore_parallel>], iteration_bounds = array<i64: 2, 16>, scalar_prefetch = 0 : i64, scratch_operands = 19 : i64, tpu.core_type = #tpu.core_type<sc_vector_subcore>, window_params = [{transform_indices = #map}, {transform_indices = #map1}, {transform_indices = #map1}, {transform_indices = #map}]} {
    %mul3A = arith.constant 16 : i32
    %mul3A_0 = arith.muli %arg0, %mul3A : i32
    %add3A = arith.addi %mul3A_0, %arg1 : i32
    %broadcast_in_dim3A = arith.constant 0.000000e+00 : f32
    %broadcast_in_dim3A_1 = vector.broadcast %broadcast_in_dim3A : f32 to vector<16xf32>
    %scan3A = arith.constant 0 : i32
    %scan3A_2 = arith.constant 0 : i32
    %scan3A_3 = arith.constant 16 : i32
    %scan3A_4 = arith.addi %scan3A_2, %scan3A_3 : i32
    %scan3A_5 = arith.constant 1 : i32
    scf.for %scan3A_102 = %scan3A_2 to %scan3A_4 step %scan3A_5  : i32 {
      %swap3A = arith.index_cast %scan3A_102 : i32 to index
      %swap3A_103 = arith.constant 0 : index
      %swap3A_104 = tpu.vector_load %arg12[%swap3A, %swap3A_103] {strides = array<i32>} : memref<64x128xf32, #tpu.memory_space<vmem>>, vector<1x16xf32>,
      %swap3A_105 = vector.shape_cast %swap3A_104 : vector<1x16xf32> to vector<16xf32>
      %swap3A_106 = vector.shape_cast %broadcast_in_dim3A_1 : vector<16xf32> to vector<1x16xf32>
      tpu.vector_store %arg12[%swap3A, %swap3A_103], %swap3A_106 {strides = array<i32>} : memref<64x128xf32, #tpu.memory_space<vmem>>, vector<1x16xf32>,
      %swap3A_107 = arith.index_cast %scan3A_102 : i32 to index
      %swap3A_108 = arith.constant 16 : index
      %swap3A_109 = tpu.vector_load %arg12[%swap3A_107, %swap3A_108] {strides = array<i32>} : memref<64x128xf32, #tpu.memory_space<vmem>>, vector<1x16xf32>,
      %swap3A_110 = vector.shape_cast %swap3A_109 : vector<1x16xf32> to vector<16xf32>
      %swap3A_111 = vector.shape_cast %broadcast_in_dim3A_1 : vector<16xf32> to vector<1x16xf32>
      tpu.vector_store %arg12[%swap3A_107, %swap3A_108], %swap3A_111 {strides = array<i32>} : memref<64x128xf32, #tpu.memory_space<vmem>>, vector<1x16xf32>,
      %swap3A_112 = arith.index_cast %scan3A_102 : i32 to index
      %swap3A_113 = arith.constant 32 : index
      %swap3A_114 = tpu.vector_load %arg12[%swap3A_112, %swap3A_113] {strides = array<i32>} : memref<64x128xf32, #tpu.memory_space<vmem>>, vector<1x16xf32>,
      %swap3A_115 = vector.shape_cast %swap3A_114 : vector<1x16xf32> to vector<16xf32>
      %swap3A_116 = vector.shape_cast %broadcast_in_dim3A_1 : vector<16xf32> to vector<1x16xf32>
      tpu.vector_store %arg12[%swap3A_112, %swap3A_113], %swap3A_116 {strides = array<i32>} : memref<64x128xf32, #tpu.memory_space<vmem>>, vector<1x16xf32>,
      %swap3A_117 = arith.index_cast %scan3A_102 : i32 to index
      %swap3A_118 = arith.constant 48 : index
      %swap3A_119 = tpu.vector_load %arg12[%swap3A_117, %swap3A_118] {strides = array<i32>} : memref<64x128xf32, #tpu.memory_space<vmem>>, vector<1x16xf32>,
      %swap3A_120 = vector.shape_cast %swap3A_119 : vector<1x16xf32> to vector<16xf32>
      %swap3A_121 = vector.shape_cast %broadcast_in_dim3A_1 : vector<16xf32> to vector<1x16xf32>
      tpu.vector_store %arg12[%swap3A_117, %swap3A_118], %swap3A_121 {strides = array<i32>} : memref<64x128xf32, #tpu.memory_space<vmem>>, vector<1x16xf32>,
      %swap3A_122 = arith.index_cast %scan3A_102 : i32 to index
      %swap3A_123 = arith.constant 64 : index
      %swap3A_124 = tpu.vector_load %arg12[%swap3A_122, %swap3A_123] {strides = array<i32>} : memref<64x128xf32, #tpu.memory_space<vmem>>, vector<1x16xf32>,
      %swap3A_125 = vector.shape_cast %swap3A_124 : vector<1x16xf32> to vector<16xf32>
      %swap3A_126 = vector.shape_cast %broadcast_in_dim3A_1 : vector<16xf32> to vector<1x16xf32>
      tpu.vector_store %arg12[%swap3A_122, %swap3A_123], %swap3A_126 {strides = array<i32>} : memref<64x128xf32, #tpu.memory_space<vmem>>, vector<1x16xf32>,
      %swap3A_127 = arith.index_cast %scan3A_102 : i32 to index
      %swap3A_128 = arith.constant 80 : index
      %swap3A_129 = tpu.vector_load %arg12[%swap3A_127, %swap3A_128] {strides = array<i32>} : memref<64x128xf32, #tpu.memory_space<vmem>>, vector<1x16xf32>,
      %swap3A_130 = vector.shape_cast %swap3A_129 : vector<1x16xf32> to vector<16xf32>
      %swap3A_131 = vector.shape_cast %broadcast_in_dim3A_1 : vector<16xf32> to vector<1x16xf32>
      tpu.vector_store %arg12[%swap3A_127, %swap3A_128], %swap3A_131 {strides = array<i32>} : memref<64x128xf32, #tpu.memory_space<vmem>>, vector<1x16xf32>,
      %swap3A_132 = arith.index_cast %scan3A_102 : i32 to index
      %swap3A_133 = arith.constant 96 : index
      %swap3A_134 = tpu.vector_load %arg12[%swap3A_132, %swap3A_133] {strides = array<i32>} : memref<64x128xf32, #tpu.memory_space<vmem>>, vector<1x16xf32>,
      %swap3A_135 = vector.shape_cast %swap3A_134 : vector<1x16xf32> to vector<16xf32>
      %swap3A_136 = vector.shape_cast %broadcast_in_dim3A_1 : vector<16xf32> to vector<1x16xf32>
      tpu.vector_store %arg12[%swap3A_132, %swap3A_133], %swap3A_136 {strides = array<i32>} : memref<64x128xf32, #tpu.memory_space<vmem>>, vector<1x16xf32>,
      %swap3A_137 = arith.index_cast %scan3A_102 : i32 to index
      %swap3A_138 = arith.constant 112 : index
      %swap3A_139 = tpu.vector_load %arg12[%swap3A_137, %swap3A_138] {strides = array<i32>} : memref<64x128xf32, #tpu.memory_space<vmem>>, vector<1x16xf32>,
      %swap3A_140 = vector.shape_cast %swap3A_139 : vector<1x16xf32> to vector<16xf32>
      %swap3A_141 = vector.shape_cast %broadcast_in_dim3A_1 : vector<16xf32> to vector<1x16xf32>
      tpu.vector_store %arg12[%swap3A_137, %swap3A_138], %swap3A_141 {strides = array<i32>} : memref<64x128xf32, #tpu.memory_space<vmem>>, vector<1x16xf32>,
    }
    %scan3A_6 = arith.constant 16 : i32
    %scan3A_7 = arith.constant 0 : i32
    %scan3A_8 = arith.constant 0 : i32
    %scan3A_9 = arith.constant 39 : i32
    %scan3A_10 = arith.addi %scan3A_8, %scan3A_9 : i32
    %scan3A_11 = arith.constant 1 : i32
    scf.for %scan3A_102 = %scan3A_8 to %scan3A_10 step %scan3A_11  : i32 {
      %mul3A_103 = arith.constant 624 : i32
      %mul3A_104 = arith.muli %arg1, %mul3A_103 : i32
      %mul3A_105 = arith.constant 16 : i32
      %mul3A_106 = arith.muli %scan3A_102, %mul3A_105 : i32
      %add3A_107 = arith.addi %mul3A_104, %mul3A_106 : i32
      "tpu.region"() ({
        %run_scoped3A = tpu.sem_alloc : memref<!tpu.dma_semaphore, #tpu.memory_space<semaphore_mem>>
        %dma_start3A_108 = arith.constant 0 : i32
        %dma_start3A_109 = arith.constant 0 : i32
        %dma_start3A_110 = tpu.memref_slice %arg12[%dma_start3A_108, %dma_start3A_109] : memref<64x128xf32, #tpu.memory_space<vmem>> -> memref<16x128xf32, #tpu.memory_space<vmem>>
        %dma_start3A_111 = arith.constant 0 : i32
        %dma_start3A_112 = tpu.memref_slice %arg16[%add3A_107, %dma_start3A_111] : memref<10000x128xf32, #tpu.memory_space<vmem_shared>> -> memref<16x128xf32, #tpu.memory_space<vmem_shared>>
        %dma_start3A_113 = arith.constant 0 : i32
        %dma_start3A_114 = tpu.memref_slice %arg16[%add3A_107, %dma_start3A_113] : memref<10000x128xf32, #tpu.memory_space<vmem_shared>> -> memref<16x128xf32, #tpu.memory_space<vmem_shared>>
        %dma_start3A_115 = arith.constant 0 : i32
        %dma_start3A_116 = arith.constant 0 : i32
        %dma_start3A_117 = tpu.memref_slice %arg12[%dma_start3A_115, %dma_start3A_116] : memref<64x128xf32, #tpu.memory_space<vmem>> -> memref<16x128xf32, #tpu.memory_space<vmem>>
        tpu.enqueue_dma source(%dma_start3A_117 : memref<16x128xf32, #tpu.memory_space<vmem>>) target(%dma_start3A_114 : memref<16x128xf32, #tpu.memory_space<vmem_shared>>) target_semaphore(%run_scoped3A : memref<!tpu.dma_semaphore, #tpu.memory_space<semaphore_mem>>)
        %dma_wait3A_118 = arith.constant 0 : i32
        %dma_wait3A_119 = arith.constant 0 : i32
        %dma_wait3A_120 = tpu.memref_slice %arg12[%dma_wait3A_118, %dma_wait3A_119] : memref<64x128xf32, #tpu.memory_space<vmem>> -> memref<16x128xf32, #tpu.memory_space<vmem>>
        %dma_wait3A_121 = arith.constant 0 : i32
        %dma_wait3A_122 = tpu.memref_slice %arg16[%add3A_107, %dma_wait3A_121] : memref<10000x128xf32, #tpu.memory_space<vmem_shared>> -> memref<16x128xf32, #tpu.memory_space<vmem_shared>>
        %dma_wait3A_123 = arith.constant 0 : i32
        %dma_wait3A_124 = tpu.memref_slice %arg16[%add3A_107, %dma_wait3A_123] : memref<10000x128xf32, #tpu.memory_space<vmem_shared>> -> memref<16x128xf32, #tpu.memory_space<vmem_shared>>
        %dma_wait3A_125 = arith.constant 0 : i32
        %dma_wait3A_126 = arith.constant 0 : i32
        %dma_wait3A_127 = tpu.memref_slice %arg12[%dma_wait3A_125, %dma_wait3A_126] : memref<64x128xf32, #tpu.memory_space<vmem>> -> memref<16x128xf32, #tpu.memory_space<vmem>>
        tpu.wait_dma2 semaphore(%run_scoped3A : memref<!tpu.dma_semaphore, #tpu.memory_space<semaphore_mem>>) src(%dma_wait3A_127 : memref<16x128xf32, #tpu.memory_space<vmem>>) dst(%dma_wait3A_124 : memref<16x128xf32, #tpu.memory_space<vmem_shared>>)
        tpu.yield
      }) : () -> ()
    }
    %scan3A_12 = arith.constant 39 : i32
    %eq3A = arith.constant 15 : i32
    %eq3A_13 = arith.cmpi eq, %arg1, %eq3A : i32
    %convert_element_type3A = arith.extui %eq3A_13 : i1 to i32
    %cond3A = arith.constant 0 : i32
    %cond3A_14 = arith.cmpi ne, %convert_element_type3A, %cond3A : i32
    scf.if %cond3A_14 {
      "tpu.region"() ({
        %run_scoped3A = tpu.sem_alloc : memref<!tpu.dma_semaphore, #tpu.memory_space<semaphore_mem>>
        %dma_start3A_102 = arith.constant 0 : i32
        %dma_start3A_103 = arith.constant 0 : i32
        %dma_start3A_104 = tpu.memref_slice %arg12[%dma_start3A_102, %dma_start3A_103] : memref<64x128xf32, #tpu.memory_space<vmem>> -> memref<16x128xf32, #tpu.memory_space<vmem>>
        %dma_start3A_105 = arith.constant 9984 : i32
        %dma_start3A_106 = arith.constant 0 : i32
        %dma_start3A_107 = tpu.memref_slice %arg16[%dma_start3A_105, %dma_start3A_106] : memref<10000x128xf32, #tpu.memory_space<vmem_shared>> -> memref<16x128xf32, #tpu.memory_space<vmem_shared>>
        %dma_start3A_108 = arith.constant 9984 : i32
        %dma_start3A_109 = arith.constant 0 : i32
        %dma_start3A_110 = tpu.memref_slice %arg16[%dma_start3A_108, %dma_start3A_109] : memref<10000x128xf32, #tpu.memory_space<vmem_shared>> -> memref<16x128xf32, #tpu.memory_space<vmem_shared>>
        %dma_start3A_111 = arith.constant 0 : i32
        %dma_start3A_112 = arith.constant 0 : i32
        %dma_start3A_113 = tpu.memref_slice %arg12[%dma_start3A_111, %dma_start3A_112] : memref<64x128xf32, #tpu.memory_space<vmem>> -> memref<16x128xf32, #tpu.memory_space<vmem>>
        tpu.enqueue_dma source(%dma_start3A_113 : memref<16x128xf32, #tpu.memory_space<vmem>>) target(%dma_start3A_110 : memref<16x128xf32, #tpu.memory_space<vmem_shared>>) target_semaphore(%run_scoped3A : memref<!tpu.dma_semaphore, #tpu.memory_space<semaphore_mem>>)
        %dma_wait3A_114 = arith.constant 0 : i32
        %dma_wait3A_115 = arith.constant 0 : i32
        %dma_wait3A_116 = tpu.memref_slice %arg12[%dma_wait3A_114, %dma_wait3A_115] : memref<64x128xf32, #tpu.memory_space<vmem>> -> memref<16x128xf32, #tpu.memory_space<vmem>>
        %dma_wait3A_117 = arith.constant 9984 : i32
        %dma_wait3A_118 = arith.constant 0 : i32
        %dma_wait3A_119 = tpu.memref_slice %arg16[%dma_wait3A_117, %dma_wait3A_118] : memref<10000x128xf32, #tpu.memory_space<vmem_shared>> -> memref<16x128xf32, #tpu.memory_space<vmem_shared>>
        %dma_wait3A_120 = arith.constant 9984 : i32
        %dma_wait3A_121 = arith.constant 0 : i32
        %dma_wait3A_122 = tpu.memref_slice %arg16[%dma_wait3A_120, %dma_wait3A_121] : memref<10000x128xf32, #tpu.memory_space<vmem_shared>> -> memref<16x128xf32, #tpu.memory_space<vmem_shared>>
        %dma_wait3A_123 = arith.constant 0 : i32
        %dma_wait3A_124 = arith.constant 0 : i32
        %dma_wait3A_125 = tpu.memref_slice %arg12[%dma_wait3A_123, %dma_wait3A_124] : memref<64x128xf32, #tpu.memory_space<vmem>> -> memref<16x128xf32, #tpu.memory_space<vmem>>
        tpu.wait_dma2 semaphore(%run_scoped3A : memref<!tpu.dma_semaphore, #tpu.memory_space<semaphore_mem>>) src(%dma_wait3A_125 : memref<16x128xf32, #tpu.memory_space<vmem>>) dst(%dma_wait3A_122 : memref<16x128xf32, #tpu.memory_space<vmem_shared>>)
        tpu.yield
      }) : () -> ()
    } else {
    }
    %barrier3A = arith.constant 0 : index
    tpu.barrier barrier_id(%barrier3A)
    %mul3A_15 = arith.constant 10000 : i32
    %mul3A_16 = arith.muli %add3A, %mul3A_15 : i32
    "tpu.region"() ({
      %run_scoped3A = tpu.sem_alloc : memref<!tpu.dma_semaphore, #tpu.memory_space<semaphore_mem>>
      %dma_start3A_102 = tpu.memref_slice %arg3[%mul3A_16] : memref<320000xi32, #tpu.memory_space<hbm>> -> memref<10000xi32, #tpu.memory_space<hbm>>
      %dma_start3A_103 = tpu.memref_slice %arg3[%mul3A_16] : memref<320000xi32, #tpu.memory_space<hbm>> -> memref<10000xi32, #tpu.memory_space<hbm>>
      tpu.enqueue_dma source(%dma_start3A_103 : memref<10000xi32, #tpu.memory_space<hbm>>) target(%arg6 : memref<10000xi32, #tpu.memory_space<vmem>>) target_semaphore(%run_scoped3A : memref<!tpu.dma_semaphore, #tpu.memory_space<semaphore_mem>>)
      %dma_wait3A_104 = tpu.memref_slice %arg3[%mul3A_16] : memref<320000xi32, #tpu.memory_space<hbm>> -> memref<10000xi32, #tpu.memory_space<hbm>>
      %dma_wait3A_105 = tpu.memref_slice %arg3[%mul3A_16] : memref<320000xi32, #tpu.memory_space<hbm>> -> memref<10000xi32, #tpu.memory_space<hbm>>
      tpu.wait_dma2 semaphore(%run_scoped3A : memref<!tpu.dma_semaphore, #tpu.memory_space<semaphore_mem>>) src(%dma_wait3A_105 : memref<10000xi32, #tpu.memory_space<hbm>>) dst(%arg6 : memref<10000xi32, #tpu.memory_space<vmem>>)
      tpu.yield
    }) : () -> ()
    %mul3A_17 = arith.constant 10000 : i32
    %mul3A_18 = arith.muli %add3A, %mul3A_17 : i32
    %add3A_19 = arith.constant 0 : i32
    %add3A_20 = arith.addi %mul3A_18, %add3A_19 : i32
    %dma_start3A = tpu.memref_slice %arg4[%add3A_20] : memref<320000xi32, #tpu.memory_space<hbm>> -> memref<64xi32, #tpu.memory_space<hbm>>
    %dma_start3A_21 = tpu.memref_slice %arg4[%add3A_20] : memref<320000xi32, #tpu.memory_space<hbm>> -> memref<64xi32, #tpu.memory_space<hbm>>
    tpu.enqueue_dma source(%dma_start3A_21 : memref<64xi32, #tpu.memory_space<hbm>>) target(%arg7 : memref<64xi32, #tpu.memory_space<vmem>>) target_semaphore(%arg21 : memref<!tpu.dma_semaphore, #tpu.memory_space<semaphore_mem>>)
    %dma_start3A_22 = arith.constant 0 : i32
    %dma_start3A_23 = tpu.memref_slice %arg6[%dma_start3A_22] : memref<10000xi32, #tpu.memory_space<vmem>> -> memref<64xi32, #tpu.memory_space<vmem>>
    %dma_start3A_24 = arith.constant 0 : i32
    %dma_start3A_25 = arith.constant 0 : i32
    %dma_start3A_26 = tpu.memref_slice %arg2[%dma_start3A_24, %dma_start3A_25] : memref<10000x128xf32, #tpu.memory_space<hbm>> -> memref<10000x128xf32, #tpu.memory_space<hbm>>
    tpu.enqueue_indirect_dma source(%dma_start3A_26 : memref<10000x128xf32, #tpu.memory_space<hbm>>) target(%arg12 : memref<64x128xf32, #tpu.memory_space<vmem>>) offsets(%dma_start3A_23 : memref<64xi32, #tpu.memory_space<vmem>>) semaphore(%arg17 : memref<!tpu.dma_semaphore, #tpu.memory_space<semaphore_mem>>)
    %mul3A_27 = arith.constant 10000 : i32
    %mul3A_28 = arith.muli %add3A, %mul3A_27 : i32
    %add3A_29 = arith.constant 64 : i32
    %add3A_30 = arith.addi %mul3A_28, %add3A_29 : i32
    %dma_start3A_31 = tpu.memref_slice %arg4[%add3A_30] : memref<320000xi32, #tpu.memory_space<hbm>> -> memref<64xi32, #tpu.memory_space<hbm>>
    %dma_start3A_32 = tpu.memref_slice %arg4[%add3A_30] : memref<320000xi32, #tpu.memory_space<hbm>> -> memref<64xi32, #tpu.memory_space<hbm>>
    tpu.enqueue_dma source(%dma_start3A_32 : memref<64xi32, #tpu.memory_space<hbm>>) target(%arg8 : memref<64xi32, #tpu.memory_space<vmem>>) target_semaphore(%arg22 : memref<!tpu.dma_semaphore, #tpu.memory_space<semaphore_mem>>)
    %dma_start3A_33 = arith.constant 64 : i32
    %dma_start3A_34 = tpu.memref_slice %arg6[%dma_start3A_33] : memref<10000xi32, #tpu.memory_space<vmem>> -> memref<64xi32, #tpu.memory_space<vmem>>
    %dma_start3A_35 = arith.constant 0 : i32
    %dma_start3A_36 = arith.constant 0 : i32
    %dma_start3A_37 = tpu.memref_slice %arg2[%dma_start3A_35, %dma_start3A_36] : memref<10000x128xf32, #tpu.memory_space<hbm>> -> memref<10000x128xf32, #tpu.memory_space<hbm>>
    tpu.enqueue_indirect_dma source(%dma_start3A_37 : memref<10000x128xf32, #tpu.memory_space<hbm>>) target(%arg13 : memref<64x128xf32, #tpu.memory_space<vmem>>) offsets(%dma_start3A_34 : memref<64xi32, #tpu.memory_space<vmem>>) semaphore(%arg18 : memref<!tpu.dma_semaphore, #tpu.memory_space<semaphore_mem>>)
    %mul3A_38 = arith.constant 10000 : i32
    %mul3A_39 = arith.muli %add3A, %mul3A_38 : i32
    %add3A_40 = arith.constant 128 : i32
    %add3A_41 = arith.addi %mul3A_39, %add3A_40 : i32
    %dma_start3A_42 = tpu.memref_slice %arg4[%add3A_41] : memref<320000xi32, #tpu.memory_space<hbm>> -> memref<64xi32, #tpu.memory_space<hbm>>
    %dma_start3A_43 = tpu.memref_slice %arg4[%add3A_41] : memref<320000xi32, #tpu.memory_space<hbm>> -> memref<64xi32, #tpu.memory_space<hbm>>
    tpu.enqueue_dma source(%dma_start3A_43 : memref<64xi32, #tpu.memory_space<hbm>>) target(%arg9 : memref<64xi32, #tpu.memory_space<vmem>>) target_semaphore(%arg23 : memref<!tpu.dma_semaphore, #tpu.memory_space<semaphore_mem>>)
    %dma_start3A_44 = arith.constant 128 : i32
    %dma_start3A_45 = tpu.memref_slice %arg6[%dma_start3A_44] : memref<10000xi32, #tpu.memory_space<vmem>> -> memref<64xi32, #tpu.memory_space<vmem>>
    %dma_start3A_46 = arith.constant 0 : i32
    %dma_start3A_47 = arith.constant 0 : i32
    %dma_start3A_48 = tpu.memref_slice %arg2[%dma_start3A_46, %dma_start3A_47] : memref<10000x128xf32, #tpu.memory_space<hbm>> -> memref<10000x128xf32, #tpu.memory_space<hbm>>
    tpu.enqueue_indirect_dma source(%dma_start3A_48 : memref<10000x128xf32, #tpu.memory_space<hbm>>) target(%arg14 : memref<64x128xf32, #tpu.memory_space<vmem>>) offsets(%dma_start3A_45 : memref<64xi32, #tpu.memory_space<vmem>>) semaphore(%arg19 : memref<!tpu.dma_semaphore, #tpu.memory_space<semaphore_mem>>)
    %mul3A_49 = arith.constant 10000 : i32
    %mul3A_50 = arith.muli %add3A, %mul3A_49 : i32
    %add3A_51 = arith.constant 192 : i32
    %add3A_52 = arith.addi %mul3A_50, %add3A_51 : i32
    %dma_start3A_53 = tpu.memref_slice %arg4[%add3A_52] : memref<320000xi32, #tpu.memory_space<hbm>> -> memref<64xi32, #tpu.memory_space<hbm>>
    %dma_start3A_54 = tpu.memref_slice %arg4[%add3A_52] : memref<320000xi32, #tpu.memory_space<hbm>> -> memref<64xi32, #tpu.memory_space<hbm>>
    tpu.enqueue_dma source(%dma_start3A_54 : memref<64xi32, #tpu.memory_space<hbm>>) target(%arg10 : memref<64xi32, #tpu.memory_space<vmem>>) target_semaphore(%arg24 : memref<!tpu.dma_semaphore, #tpu.memory_space<semaphore_mem>>)
    %dma_start3A_55 = arith.constant 192 : i32
    %dma_start3A_56 = tpu.memref_slice %arg6[%dma_start3A_55] : memref<10000xi32, #tpu.memory_space<vmem>> -> memref<64xi32, #tpu.memory_space<vmem>>
    %dma_start3A_57 = arith.constant 0 : i32
    %dma_start3A_58 = arith.constant 0 : i32
    %dma_start3A_59 = tpu.memref_slice %arg2[%dma_start3A_57, %dma_start3A_58] : memref<10000x128xf32, #tpu.memory_space<hbm>> -> memref<10000x128xf32, #tpu.memory_space<hbm>>
    tpu.enqueue_indirect_dma source(%dma_start3A_59 : memref<10000x128xf32, #tpu.memory_space<hbm>>) target(%arg15 : memref<64x128xf32, #tpu.memory_space<vmem>>) offsets(%dma_start3A_56 : memref<64xi32, #tpu.memory_space<vmem>>) semaphore(%arg20 : memref<!tpu.dma_semaphore, #tpu.memory_space<semaphore_mem>>)
    %scan3A_60 = arith.constant 0 : i32
    %scan3A_61 = arith.constant 0 : i32
    %scan3A_62 = arith.constant 39 : i32
    %scan3A_63 = arith.addi %scan3A_61, %scan3A_62 : i32
    %scan3A_64 = arith.constant 1 : i32
    scf.for %scan3A_102 = %scan3A_61 to %scan3A_63 step %scan3A_64  : i32 {
      %mul3A_103 = arith.constant 4 : i32
      %mul3A_104 = arith.muli %scan3A_102, %mul3A_103 : i32
      %add3A_105 = arith.constant 0 : i32
      %add3A_106 = arith.addi %mul3A_104, %add3A_105 : i32
      %dma_wait3A_107 = arith.constant 0 : i32
      %dma_wait3A_108 = tpu.memref_slice %arg4[%dma_wait3A_107] : memref<320000xi32, #tpu.memory_space<hbm>> -> memref<64xi32, #tpu.memory_space<hbm>>
      %dma_wait3A_109 = arith.constant 0 : i32
      %dma_wait3A_110 = tpu.memref_slice %arg4[%dma_wait3A_109] : memref<320000xi32, #tpu.memory_space<hbm>> -> memref<64xi32, #tpu.memory_space<hbm>>
      tpu.wait_dma2 semaphore(%arg21 : memref<!tpu.dma_semaphore, #tpu.memory_space<semaphore_mem>>) src(%dma_wait3A_110 : memref<64xi32, #tpu.memory_space<hbm>>) dst(%arg7 : memref<64xi32, #tpu.memory_space<vmem>>)
      %dma_wait3A_111 = arith.constant 0 : i32
      %dma_wait3A_112 = arith.constant 0 : i32
      %dma_wait3A_113 = tpu.memref_slice %arg2[%dma_wait3A_111, %dma_wait3A_112] : memref<10000x128xf32, #tpu.memory_space<hbm>> -> memref<64x128xf32, #tpu.memory_space<hbm>>
      %dma_wait3A_114 = arith.constant 0 : i32
      %dma_wait3A_115 = arith.constant 0 : i32
      %dma_wait3A_116 = tpu.memref_slice %arg2[%dma_wait3A_114, %dma_wait3A_115] : memref<10000x128xf32, #tpu.memory_space<hbm>> -> memref<64x128xf32, #tpu.memory_space<hbm>>
      tpu.wait_dma2 semaphore(%arg17 : memref<!tpu.dma_semaphore, #tpu.memory_space<semaphore_mem>>) src(%dma_wait3A_116 : memref<64x128xf32, #tpu.memory_space<hbm>>) dst(%arg12 : memref<64x128xf32, #tpu.memory_space<vmem>>)
      "tpu.region"() ({
        %run_scoped3A = tpu.sem_alloc : memref<!tpu.dma_semaphore, #tpu.memory_space<semaphore_mem>>
        %dma_start3A_180 = arith.constant 0 : i32
        %dma_start3A_181 = arith.constant 0 : i32
        %dma_start3A_182 = tpu.memref_slice %arg16[%dma_start3A_180, %dma_start3A_181] : memref<10000x128xf32, #tpu.memory_space<vmem_shared>> -> memref<10000x128xf32, #tpu.memory_space<vmem_shared>>
        tpu.enqueue_indirect_dma source(%arg12 : memref<64x128xf32, #tpu.memory_space<vmem>>) target(%dma_start3A_182 : memref<10000x128xf32, #tpu.memory_space<vmem_shared>>) offsets(%arg7 : memref<64xi32, #tpu.memory_space<vmem>>) semaphore(%run_scoped3A : memref<!tpu.dma_semaphore, #tpu.memory_space<semaphore_mem>>) {add = true}
        %dma_wait3A_183 = arith.constant 0 : i32
        %dma_wait3A_184 = arith.constant 0 : i32
        %dma_wait3A_185 = tpu.memref_slice %arg16[%dma_wait3A_183, %dma_wait3A_184] : memref<10000x128xf32, #tpu.memory_space<vmem_shared>> -> memref<10000x128xf32, #tpu.memory_space<vmem_shared>>
        tpu.wait_indirect_dma semaphore(%run_scoped3A : memref<!tpu.dma_semaphore, #tpu.memory_space<semaphore_mem>>) src(%arg12 : memref<64x128xf32, #tpu.memory_space<vmem>>) dst(%dma_wait3A_185 : memref<10000x128xf32, #tpu.memory_space<vmem_shared>>)
        tpu.yield
      }) : () -> ()
      %add3A_117 = arith.constant 4 : i32
      %add3A_118 = arith.addi %add3A_106, %add3A_117 : i32
      %lt3A = arith.constant 156 : i32
      %lt3A_119 = arith.cmpi slt, %add3A_118, %lt3A : i32
      %convert_element_type3A_120 = arith.extui %lt3A_119 : i1 to i32
      %cond3A_121 = arith.constant 0 : i32
      %cond3A_122 = arith.cmpi ne, %convert_element_type3A_120, %cond3A_121 : i32
      scf.if %cond3A_122 {
        %add3A_180 = arith.constant 4 : i32
        %add3A_181 = arith.addi %add3A_106, %add3A_180 : i32
        %mul3A_182 = arith.constant 10000 : i32
        %mul3A_183 = arith.muli %add3A, %mul3A_182 : i32
        %mul3A_184 = arith.constant 64 : i32
        %mul3A_185 = arith.muli %add3A_181, %mul3A_184 : i32
        %add3A_186 = arith.addi %mul3A_183, %mul3A_185 : i32
        %dma_start3A_187 = tpu.memref_slice %arg4[%add3A_186] : memref<320000xi32, #tpu.memory_space<hbm>> -> memref<64xi32, #tpu.memory_space<hbm>>
        %dma_start3A_188 = tpu.memref_slice %arg4[%add3A_186] : memref<320000xi32, #tpu.memory_space<hbm>> -> memref<64xi32, #tpu.memory_space<hbm>>
        tpu.enqueue_dma source(%dma_start3A_188 : memref<64xi32, #tpu.memory_space<hbm>>) target(%arg7 : memref<64xi32, #tpu.memory_space<vmem>>) target_semaphore(%arg21 : memref<!tpu.dma_semaphore, #tpu.memory_space<semaphore_mem>>)
        %mul3A_189 = arith.constant 64 : i32
        %mul3A_190 = arith.muli %add3A_181, %mul3A_189 : i32
        %dma_start3A_191 = tpu.memref_slice %arg6[%mul3A_190] : memref<10000xi32, #tpu.memory_space<vmem>> -> memref<64xi32, #tpu.memory_space<vmem>>
        %dma_start3A_192 = arith.constant 0 : i32
        %dma_start3A_193 = arith.constant 0 : i32
        %dma_start3A_194 = tpu.memref_slice %arg2[%dma_start3A_192, %dma_start3A_193] : memref<10000x128xf32, #tpu.memory_space<hbm>> -> memref<10000x128xf32, #tpu.memory_space<hbm>>
        tpu.enqueue_indirect_dma source(%dma_start3A_194 : memref<10000x128xf32, #tpu.memory_space<hbm>>) target(%arg12 : memref<64x128xf32, #tpu.memory_space<vmem>>) offsets(%dma_start3A_191 : memref<64xi32, #tpu.memory_space<vmem>>) semaphore(%arg17 : memref<!tpu.dma_semaphore, #tpu.memory_space<semaphore_mem>>)
      } else {
      }
      %add3A_123 = arith.constant 1 : i32
      %add3A_124 = arith.addi %mul3A_104, %add3A_123 : i32
      %dma_wait3A_125 = arith.constant 0 : i32
      %dma_wait3A_126 = tpu.memref_slice %arg4[%dma_wait3A_125] : memref<320000xi32, #tpu.memory_space<hbm>> -> memref<64xi32, #tpu.memory_space<hbm>>
      %dma_wait3A_127 = arith.constant 0 : i32
      %dma_wait3A_128 = tpu.memref_slice %arg4[%dma_wait3A_127] : memref<320000xi32, #tpu.memory_space<hbm>> -> memref<64xi32, #tpu.memory_space<hbm>>
      tpu.wait_dma2 semaphore(%arg22 : memref<!tpu.dma_semaphore, #tpu.memory_space<semaphore_mem>>) src(%dma_wait3A_128 : memref<64xi32, #tpu.memory_space<hbm>>) dst(%arg8 : memref<64xi32, #tpu.memory_space<vmem>>)
      %dma_wait3A_129 = arith.constant 0 : i32
      %dma_wait3A_130 = arith.constant 0 : i32
      %dma_wait3A_131 = tpu.memref_slice %arg2[%dma_wait3A_129, %dma_wait3A_130] : memref<10000x128xf32, #tpu.memory_space<hbm>> -> memref<64x128xf32, #tpu.memory_space<hbm>>
      %dma_wait3A_132 = arith.constant 0 : i32
      %dma_wait3A_133 = arith.constant 0 : i32
      %dma_wait3A_134 = tpu.memref_slice %arg2[%dma_wait3A_132, %dma_wait3A_133] : memref<10000x128xf32, #tpu.memory_space<hbm>> -> memref<64x128xf32, #tpu.memory_space<hbm>>
      tpu.wait_dma2 semaphore(%arg18 : memref<!tpu.dma_semaphore, #tpu.memory_space<semaphore_mem>>) src(%dma_wait3A_134 : memref<64x128xf32, #tpu.memory_space<hbm>>) dst(%arg13 : memref<64x128xf32, #tpu.memory_space<vmem>>)
      "tpu.region"() ({
        %run_scoped3A = tpu.sem_alloc : memref<!tpu.dma_semaphore, #tpu.memory_space<semaphore_mem>>
        %dma_start3A_180 = arith.constant 0 : i32
        %dma_start3A_181 = arith.constant 0 : i32
        %dma_start3A_182 = tpu.memref_slice %arg16[%dma_start3A_180, %dma_start3A_181] : memref<10000x128xf32, #tpu.memory_space<vmem_shared>> -> memref<10000x128xf32, #tpu.memory_space<vmem_shared>>
        tpu.enqueue_indirect_dma source(%arg13 : memref<64x128xf32, #tpu.memory_space<vmem>>) target(%dma_start3A_182 : memref<10000x128xf32, #tpu.memory_space<vmem_shared>>) offsets(%arg8 : memref<64xi32, #tpu.memory_space<vmem>>) semaphore(%run_scoped3A : memref<!tpu.dma_semaphore, #tpu.memory_space<semaphore_mem>>) {add = true}
        %dma_wait3A_183 = arith.constant 0 : i32
        %dma_wait3A_184 = arith.constant 0 : i32
        %dma_wait3A_185 = tpu.memref_slice %arg16[%dma_wait3A_183, %dma_wait3A_184] : memref<10000x128xf32, #tpu.memory_space<vmem_shared>> -> memref<10000x128xf32, #tpu.memory_space<vmem_shared>>
        tpu.wait_indirect_dma semaphore(%run_scoped3A : memref<!tpu.dma_semaphore, #tpu.memory_space<semaphore_mem>>) src(%arg13 : memref<64x128xf32, #tpu.memory_space<vmem>>) dst(%dma_wait3A_185 : memref<10000x128xf32, #tpu.memory_space<vmem_shared>>)
        tpu.yield
      }) : () -> ()
      %add3A_135 = arith.constant 4 : i32
      %add3A_136 = arith.addi %add3A_124, %add3A_135 : i32
      %lt3A_137 = arith.constant 156 : i32
      %lt3A_138 = arith.cmpi slt, %add3A_136, %lt3A_137 : i32
      %convert_element_type3A_139 = arith.extui %lt3A_138 : i1 to i32
      %cond3A_140 = arith.constant 0 : i32
      %cond3A_141 = arith.cmpi ne, %convert_element_type3A_139, %cond3A_140 : i32
      scf.if %cond3A_141 {
        %add3A_180 = arith.constant 4 : i32
        %add3A_181 = arith.addi %add3A_124, %add3A_180 : i32
        %mul3A_182 = arith.constant 10000 : i32
        %mul3A_183 = arith.muli %add3A, %mul3A_182 : i32
        %mul3A_184 = arith.constant 64 : i32
        %mul3A_185 = arith.muli %add3A_181, %mul3A_184 : i32
        %add3A_186 = arith.addi %mul3A_183, %mul3A_185 : i32
        %dma_start3A_187 = tpu.memref_slice %arg4[%add3A_186] : memref<320000xi32, #tpu.memory_space<hbm>> -> memref<64xi32, #tpu.memory_space<hbm>>
        %dma_start3A_188 = tpu.memref_slice %arg4[%add3A_186] : memref<320000xi32, #tpu.memory_space<hbm>> -> memref<64xi32, #tpu.memory_space<hbm>>
        tpu.enqueue_dma source(%dma_start3A_188 : memref<64xi32, #tpu.memory_space<hbm>>) target(%arg8 : memref<64xi32, #tpu.memory_space<vmem>>) target_semaphore(%arg22 : memref<!tpu.dma_semaphore, #tpu.memory_space<semaphore_mem>>)
        %mul3A_189 = arith.constant 64 : i32
        %mul3A_190 = arith.muli %add3A_181, %mul3A_189 : i32
        %dma_start3A_191 = tpu.memref_slice %arg6[%mul3A_190] : memref<10000xi32, #tpu.memory_space<vmem>> -> memref<64xi32, #tpu.memory_space<vmem>>
        %dma_start3A_192 = arith.constant 0 : i32
        %dma_start3A_193 = arith.constant 0 : i32
        %dma_start3A_194 = tpu.memref_slice %arg2[%dma_start3A_192, %dma_start3A_193] : memref<10000x128xf32, #tpu.memory_space<hbm>> -> memref<10000x128xf32, #tpu.memory_space<hbm>>
        tpu.enqueue_indirect_dma source(%dma_start3A_194 : memref<10000x128xf32, #tpu.memory_space<hbm>>) target(%arg13 : memref<64x128xf32, #tpu.memory_space<vmem>>) offsets(%dma_start3A_191 : memref<64xi32, #tpu.memory_space<vmem>>) semaphore(%arg18 : memref<!tpu.dma_semaphore, #tpu.memory_space<semaphore_mem>>)
      } else {
      }
      %add3A_142 = arith.constant 2 : i32
      %add3A_143 = arith.addi %mul3A_104, %add3A_142 : i32
      %dma_wait3A_144 = arith.constant 0 : i32
      %dma_wait3A_145 = tpu.memref_slice %arg4[%dma_wait3A_144] : memref<320000xi32, #tpu.memory_space<hbm>> -> memref<64xi32, #tpu.memory_space<hbm>>
      %dma_wait3A_146 = arith.constant 0 : i32
      %dma_wait3A_147 = tpu.memref_slice %arg4[%dma_wait3A_146] : memref<320000xi32, #tpu.memory_space<hbm>> -> memref<64xi32, #tpu.memory_space<hbm>>
      tpu.wait_dma2 semaphore(%arg23 : memref<!tpu.dma_semaphore, #tpu.memory_space<semaphore_mem>>) src(%dma_wait3A_147 : memref<64xi32, #tpu.memory_space<hbm>>) dst(%arg9 : memref<64xi32, #tpu.memory_space<vmem>>)
      %dma_wait3A_148 = arith.constant 0 : i32
      %dma_wait3A_149 = arith.constant 0 : i32
      %dma_wait3A_150 = tpu.memref_slice %arg2[%dma_wait3A_148, %dma_wait3A_149] : memref<10000x128xf32, #tpu.memory_space<hbm>> -> memref<64x128xf32, #tpu.memory_space<hbm>>
      %dma_wait3A_151 = arith.constant 0 : i32
      %dma_wait3A_152 = arith.constant 0 : i32
      %dma_wait3A_153 = tpu.memref_slice %arg2[%dma_wait3A_151, %dma_wait3A_152] : memref<10000x128xf32, #tpu.memory_space<hbm>> -> memref<64x128xf32, #tpu.memory_space<hbm>>
      tpu.wait_dma2 semaphore(%arg19 : memref<!tpu.dma_semaphore, #tpu.memory_space<semaphore_mem>>) src(%dma_wait3A_153 : memref<64x128xf32, #tpu.memory_space<hbm>>) dst(%arg14 : memref<64x128xf32, #tpu.memory_space<vmem>>)
      "tpu.region"() ({
        %run_scoped3A = tpu.sem_alloc : memref<!tpu.dma_semaphore, #tpu.memory_space<semaphore_mem>>
        %dma_start3A_180 = arith.constant 0 : i32
        %dma_start3A_181 = arith.constant 0 : i32
        %dma_start3A_182 = tpu.memref_slice %arg16[%dma_start3A_180, %dma_start3A_181] : memref<10000x128xf32, #tpu.memory_space<vmem_shared>> -> memref<10000x128xf32, #tpu.memory_space<vmem_shared>>
        tpu.enqueue_indirect_dma source(%arg14 : memref<64x128xf32, #tpu.memory_space<vmem>>) target(%dma_start3A_182 : memref<10000x128xf32, #tpu.memory_space<vmem_shared>>) offsets(%arg9 : memref<64xi32, #tpu.memory_space<vmem>>) semaphore(%run_scoped3A : memref<!tpu.dma_semaphore, #tpu.memory_space<semaphore_mem>>) {add = true}
        %dma_wait3A_183 = arith.constant 0 : i32
        %dma_wait3A_184 = arith.constant 0 : i32
        %dma_wait3A_185 = tpu.memref_slice %arg16[%dma_wait3A_183, %dma_wait3A_184] : memref<10000x128xf32, #tpu.memory_space<vmem_shared>> -> memref<10000x128xf32, #tpu.memory_space<vmem_shared>>
        tpu.wait_indirect_dma semaphore(%run_scoped3A : memref<!tpu.dma_semaphore, #tpu.memory_space<semaphore_mem>>) src(%arg14 : memref<64x128xf32, #tpu.memory_space<vmem>>) dst(%dma_wait3A_185 : memref<10000x128xf32, #tpu.memory_space<vmem_shared>>)
        tpu.yield
      }) : () -> ()
      %add3A_154 = arith.constant 4 : i32
      %add3A_155 = arith.addi %add3A_143, %add3A_154 : i32
      %lt3A_156 = arith.constant 156 : i32
      %lt3A_157 = arith.cmpi slt, %add3A_155, %lt3A_156 : i32
      %convert_element_type3A_158 = arith.extui %lt3A_157 : i1 to i32
      %cond3A_159 = arith.constant 0 : i32
      %cond3A_160 = arith.cmpi ne, %convert_element_type3A_158, %cond3A_159 : i32
      scf.if %cond3A_160 {
        %add3A_180 = arith.constant 4 : i32
        %add3A_181 = arith.addi %add3A_143, %add3A_180 : i32
        %mul3A_182 = arith.constant 10000 : i32
        %mul3A_183 = arith.muli %add3A, %mul3A_182 : i32
        %mul3A_184 = arith.constant 64 : i32
        %mul3A_185 = arith.muli %add3A_181, %mul3A_184 : i32
        %add3A_186 = arith.addi %mul3A_183, %mul3A_185 : i32
        %dma_start3A_187 = tpu.memref_slice %arg4[%add3A_186] : memref<320000xi32, #tpu.memory_space<hbm>> -> memref<64xi32, #tpu.memory_space<hbm>>
        %dma_start3A_188 = tpu.memref_slice %arg4[%add3A_186] : memref<320000xi32, #tpu.memory_space<hbm>> -> memref<64xi32, #tpu.memory_space<hbm>>
        tpu.enqueue_dma source(%dma_start3A_188 : memref<64xi32, #tpu.memory_space<hbm>>) target(%arg9 : memref<64xi32, #tpu.memory_space<vmem>>) target_semaphore(%arg23 : memref<!tpu.dma_semaphore, #tpu.memory_space<semaphore_mem>>)
        %mul3A_189 = arith.constant 64 : i32
        %mul3A_190 = arith.muli %add3A_181, %mul3A_189 : i32
        %dma_start3A_191 = tpu.memref_slice %arg6[%mul3A_190] : memref<10000xi32, #tpu.memory_space<vmem>> -> memref<64xi32, #tpu.memory_space<vmem>>
        %dma_start3A_192 = arith.constant 0 : i32
        %dma_start3A_193 = arith.constant 0 : i32
        %dma_start3A_194 = tpu.memref_slice %arg2[%dma_start3A_192, %dma_start3A_193] : memref<10000x128xf32, #tpu.memory_space<hbm>> -> memref<10000x128xf32, #tpu.memory_space<hbm>>
        tpu.enqueue_indirect_dma source(%dma_start3A_194 : memref<10000x128xf32, #tpu.memory_space<hbm>>) target(%arg14 : memref<64x128xf32, #tpu.memory_space<vmem>>) offsets(%dma_start3A_191 : memref<64xi32, #tpu.memory_space<vmem>>) semaphore(%arg19 : memref<!tpu.dma_semaphore, #tpu.memory_space<semaphore_mem>>)
      } else {
      }
      %add3A_161 = arith.constant 3 : i32
      %add3A_162 = arith.addi %mul3A_104, %add3A_161 : i32
      %dma_wait3A_163 = arith.constant 0 : i32
      %dma_wait3A_164 = tpu.memref_slice %arg4[%dma_wait3A_163] : memref<320000xi32, #tpu.memory_space<hbm>> -> memref<64xi32, #tpu.memory_space<hbm>>
      %dma_wait3A_165 = arith.constant 0 : i32
      %dma_wait3A_166 = tpu.memref_slice %arg4[%dma_wait3A_165] : memref<320000xi32, #tpu.memory_space<hbm>> -> memref<64xi32, #tpu.memory_space<hbm>>
      tpu.wait_dma2 semaphore(%arg24 : memref<!tpu.dma_semaphore, #tpu.memory_space<semaphore_mem>>) src(%dma_wait3A_166 : memref<64xi32, #tpu.memory_space<hbm>>) dst(%arg10 : memref<64xi32, #tpu.memory_space<vmem>>)
      %dma_wait3A_167 = arith.constant 0 : i32
      %dma_wait3A_168 = arith.constant 0 : i32
      %dma_wait3A_169 = tpu.memref_slice %arg2[%dma_wait3A_167, %dma_wait3A_168] : memref<10000x128xf32, #tpu.memory_space<hbm>> -> memref<64x128xf32, #tpu.memory_space<hbm>>
      %dma_wait3A_170 = arith.constant 0 : i32
      %dma_wait3A_171 = arith.constant 0 : i32
      %dma_wait3A_172 = tpu.memref_slice %arg2[%dma_wait3A_170, %dma_wait3A_171] : memref<10000x128xf32, #tpu.memory_space<hbm>> -> memref<64x128xf32, #tpu.memory_space<hbm>>
      tpu.wait_dma2 semaphore(%arg20 : memref<!tpu.dma_semaphore, #tpu.memory_space<semaphore_mem>>) src(%dma_wait3A_172 : memref<64x128xf32, #tpu.memory_space<hbm>>) dst(%arg15 : memref<64x128xf32, #tpu.memory_space<vmem>>)
      "tpu.region"() ({
        %run_scoped3A = tpu.sem_alloc : memref<!tpu.dma_semaphore, #tpu.memory_space<semaphore_mem>>
        %dma_start3A_180 = arith.constant 0 : i32
        %dma_start3A_181 = arith.constant 0 : i32
        %dma_start3A_182 = tpu.memref_slice %arg16[%dma_start3A_180, %dma_start3A_181] : memref<10000x128xf32, #tpu.memory_space<vmem_shared>> -> memref<10000x128xf32, #tpu.memory_space<vmem_shared>>
        tpu.enqueue_indirect_dma source(%arg15 : memref<64x128xf32, #tpu.memory_space<vmem>>) target(%dma_start3A_182 : memref<10000x128xf32, #tpu.memory_space<vmem_shared>>) offsets(%arg10 : memref<64xi32, #tpu.memory_space<vmem>>) semaphore(%run_scoped3A : memref<!tpu.dma_semaphore, #tpu.memory_space<semaphore_mem>>) {add = true}
        %dma_wait3A_183 = arith.constant 0 : i32
        %dma_wait3A_184 = arith.constant 0 : i32
        %dma_wait3A_185 = tpu.memref_slice %arg16[%dma_wait3A_183, %dma_wait3A_184] : memref<10000x128xf32, #tpu.memory_space<vmem_shared>> -> memref<10000x128xf32, #tpu.memory_space<vmem_shared>>
        tpu.wait_indirect_dma semaphore(%run_scoped3A : memref<!tpu.dma_semaphore, #tpu.memory_space<semaphore_mem>>) src(%arg15 : memref<64x128xf32, #tpu.memory_space<vmem>>) dst(%dma_wait3A_185 : memref<10000x128xf32, #tpu.memory_space<vmem_shared>>)
        tpu.yield
      }) : () -> ()
      %add3A_173 = arith.constant 4 : i32
      %add3A_174 = arith.addi %add3A_162, %add3A_173 : i32
      %lt3A_175 = arith.constant 156 : i32
      %lt3A_176 = arith.cmpi slt, %add3A_174, %lt3A_175 : i32
      %convert_element_type3A_177 = arith.extui %lt3A_176 : i1 to i32
      %cond3A_178 = arith.constant 0 : i32
      %cond3A_179 = arith.cmpi ne, %convert_element_type3A_177, %cond3A_178 : i32
      scf.if %cond3A_179 {
        %add3A_180 = arith.constant 4 : i32
        %add3A_181 = arith.addi %add3A_162, %add3A_180 : i32
        %mul3A_182 = arith.constant 10000 : i32
        %mul3A_183 = arith.muli %add3A, %mul3A_182 : i32
        %mul3A_184 = arith.constant 64 : i32
        %mul3A_185 = arith.muli %add3A_181, %mul3A_184 : i32
        %add3A_186 = arith.addi %mul3A_183, %mul3A_185 : i32
        %dma_start3A_187 = tpu.memref_slice %arg4[%add3A_186] : memref<320000xi32, #tpu.memory_space<hbm>> -> memref<64xi32, #tpu.memory_space<hbm>>
        %dma_start3A_188 = tpu.memref_slice %arg4[%add3A_186] : memref<320000xi32, #tpu.memory_space<hbm>> -> memref<64xi32, #tpu.memory_space<hbm>>
        tpu.enqueue_dma source(%dma_start3A_188 : memref<64xi32, #tpu.memory_space<hbm>>) target(%arg10 : memref<64xi32, #tpu.memory_space<vmem>>) target_semaphore(%arg24 : memref<!tpu.dma_semaphore, #tpu.memory_space<semaphore_mem>>)
        %mul3A_189 = arith.constant 64 : i32
        %mul3A_190 = arith.muli %add3A_181, %mul3A_189 : i32
        %dma_start3A_191 = tpu.memref_slice %arg6[%mul3A_190] : memref<10000xi32, #tpu.memory_space<vmem>> -> memref<64xi32, #tpu.memory_space<vmem>>
        %dma_start3A_192 = arith.constant 0 : i32
        %dma_start3A_193 = arith.constant 0 : i32
        %dma_start3A_194 = tpu.memref_slice %arg2[%dma_start3A_192, %dma_start3A_193] : memref<10000x128xf32, #tpu.memory_space<hbm>> -> memref<10000x128xf32, #tpu.memory_space<hbm>>
        tpu.enqueue_indirect_dma source(%dma_start3A_194 : memref<10000x128xf32, #tpu.memory_space<hbm>>) target(%arg15 : memref<64x128xf32, #tpu.memory_space<vmem>>) offsets(%dma_start3A_191 : memref<64xi32, #tpu.memory_space<vmem>>) semaphore(%arg20 : memref<!tpu.dma_semaphore, #tpu.memory_space<semaphore_mem>>)
      } else {
      }
    }
    %scan3A_65 = arith.constant 39 : i32
    %mul3A_66 = arith.constant 10000 : i32
    %mul3A_67 = arith.muli %add3A, %mul3A_66 : i32
    %add3A_68 = arith.constant 9984 : i32
    %add3A_69 = arith.addi %mul3A_67, %add3A_68 : i32
    "tpu.region"() ({
      %run_scoped3A = tpu.sem_alloc : memref<!tpu.dma_semaphore, #tpu.memory_space<semaphore_mem>>
      %dma_start3A_102 = tpu.memref_slice %arg4[%add3A_69] : memref<320000xi32, #tpu.memory_space<hbm>> -> memref<16xi32, #tpu.memory_space<hbm>>
      %dma_start3A_103 = tpu.memref_slice %arg4[%add3A_69] : memref<320000xi32, #tpu.memory_space<hbm>> -> memref<16xi32, #tpu.memory_space<hbm>>
      tpu.enqueue_dma source(%dma_start3A_103 : memref<16xi32, #tpu.memory_space<hbm>>) target(%arg11 : memref<16xi32, #tpu.memory_space<vmem>>) target_semaphore(%run_scoped3A : memref<!tpu.dma_semaphore, #tpu.memory_space<semaphore_mem>>)
      %dma_wait3A_104 = tpu.memref_slice %arg4[%add3A_69] : memref<320000xi32, #tpu.memory_space<hbm>> -> memref<16xi32, #tpu.memory_space<hbm>>
      %dma_wait3A_105 = tpu.memref_slice %arg4[%add3A_69] : memref<320000xi32, #tpu.memory_space<hbm>> -> memref<16xi32, #tpu.memory_space<hbm>>
      tpu.wait_dma2 semaphore(%run_scoped3A : memref<!tpu.dma_semaphore, #tpu.memory_space<semaphore_mem>>) src(%dma_wait3A_105 : memref<16xi32, #tpu.memory_space<hbm>>) dst(%arg11 : memref<16xi32, #tpu.memory_space<vmem>>)
      tpu.yield
    }) : () -> ()
    %dma_start3A_70 = arith.constant 0 : i32
    %dma_start3A_71 = arith.constant 0 : i32
    %dma_start3A_72 = tpu.memref_slice %arg12[%dma_start3A_70, %dma_start3A_71] : memref<64x128xf32, #tpu.memory_space<vmem>> -> memref<16x128xf32, #tpu.memory_space<vmem>>
    %dma_start3A_73 = arith.constant 9984 : i32
    %dma_start3A_74 = tpu.memref_slice %arg6[%dma_start3A_73] : memref<10000xi32, #tpu.memory_space<vmem>> -> memref<16xi32, #tpu.memory_space<vmem>>
    %dma_start3A_75 = arith.constant 0 : i32
    %dma_start3A_76 = arith.constant 0 : i32
    %dma_start3A_77 = tpu.memref_slice %arg2[%dma_start3A_75, %dma_start3A_76] : memref<10000x128xf32, #tpu.memory_space<hbm>> -> memref<10000x128xf32, #tpu.memory_space<hbm>>
    tpu.enqueue_indirect_dma source(%dma_start3A_77 : memref<10000x128xf32, #tpu.memory_space<hbm>>) target(%dma_start3A_72 : memref<16x128xf32, #tpu.memory_space<vmem>>) offsets(%dma_start3A_74 : memref<16xi32, #tpu.memory_space<vmem>>) semaphore(%arg17 : memref<!tpu.dma_semaphore, #tpu.memory_space<semaphore_mem>>)
    %dma_wait3A = arith.constant 0 : i32
    %dma_wait3A_78 = arith.constant 0 : i32
    %dma_wait3A_79 = tpu.memref_slice %arg12[%dma_wait3A, %dma_wait3A_78] : memref<64x128xf32, #tpu.memory_space<vmem>> -> memref<16x128xf32, #tpu.memory_space<vmem>>
    %dma_wait3A_80 = arith.constant 0 : i32
    %dma_wait3A_81 = arith.constant 0 : i32
    %dma_wait3A_82 = tpu.memref_slice %arg2[%dma_wait3A_80, %dma_wait3A_81] : memref<10000x128xf32, #tpu.memory_space<hbm>> -> memref<16x128xf32, #tpu.memory_space<hbm>>
    %dma_wait3A_83 = arith.constant 0 : i32
    %dma_wait3A_84 = arith.constant 0 : i32
    %dma_wait3A_85 = tpu.memref_slice %arg12[%dma_wait3A_83, %dma_wait3A_84] : memref<64x128xf32, #tpu.memory_space<vmem>> -> memref<16x128xf32, #tpu.memory_space<vmem>>
    %dma_wait3A_86 = arith.constant 0 : i32
    %dma_wait3A_87 = arith.constant 0 : i32
    %dma_wait3A_88 = tpu.memref_slice %arg2[%dma_wait3A_86, %dma_wait3A_87] : memref<10000x128xf32, #tpu.memory_space<hbm>> -> memref<16x128xf32, #tpu.memory_space<hbm>>
    tpu.wait_dma2 semaphore(%arg17 : memref<!tpu.dma_semaphore, #tpu.memory_space<semaphore_mem>>) src(%dma_wait3A_88 : memref<16x128xf32, #tpu.memory_space<hbm>>) dst(%dma_wait3A_85 : memref<16x128xf32, #tpu.memory_space<vmem>>)
    "tpu.region"() ({
      %run_scoped3A = tpu.sem_alloc : memref<!tpu.dma_semaphore, #tpu.memory_space<semaphore_mem>>
      %dma_start3A_102 = arith.constant 0 : i32
      %dma_start3A_103 = arith.constant 0 : i32
      %dma_start3A_104 = tpu.memref_slice %arg12[%dma_start3A_102, %dma_start3A_103] : memref<64x128xf32, #tpu.memory_space<vmem>> -> memref<16x128xf32, #tpu.memory_space<vmem>>
      %dma_start3A_105 = arith.constant 0 : i32
      %dma_start3A_106 = arith.constant 0 : i32
      %dma_start3A_107 = tpu.memref_slice %arg16[%dma_start3A_105, %dma_start3A_106] : memref<10000x128xf32, #tpu.memory_space<vmem_shared>> -> memref<10000x128xf32, #tpu.memory_space<vmem_shared>>
      tpu.enqueue_indirect_dma source(%dma_start3A_104 : memref<16x128xf32, #tpu.memory_space<vmem>>) target(%dma_start3A_107 : memref<10000x128xf32, #tpu.memory_space<vmem_shared>>) offsets(%arg11 : memref<16xi32, #tpu.memory_space<vmem>>) semaphore(%run_scoped3A : memref<!tpu.dma_semaphore, #tpu.memory_space<semaphore_mem>>) {add = true}
      %dma_wait3A_108 = arith.constant 0 : i32
      %dma_wait3A_109 = arith.constant 0 : i32
      %dma_wait3A_110 = tpu.memref_slice %arg12[%dma_wait3A_108, %dma_wait3A_109] : memref<64x128xf32, #tpu.memory_space<vmem>> -> memref<16x128xf32, #tpu.memory_space<vmem>>
      %dma_wait3A_111 = arith.constant 0 : i32
      %dma_wait3A_112 = arith.constant 0 : i32
      %dma_wait3A_113 = tpu.memref_slice %arg16[%dma_wait3A_111, %dma_wait3A_112] : memref<10000x128xf32, #tpu.memory_space<vmem_shared>> -> memref<10000x128xf32, #tpu.memory_space<vmem_shared>>
      tpu.wait_indirect_dma semaphore(%run_scoped3A : memref<!tpu.dma_semaphore, #tpu.memory_space<semaphore_mem>>) src(%dma_wait3A_110 : memref<16x128xf32, #tpu.memory_space<vmem>>) dst(%dma_wait3A_113 : memref<10000x128xf32, #tpu.memory_space<vmem_shared>>)
      tpu.yield
    }) : () -> ()
    %barrier3A_89 = arith.constant 0 : index
    tpu.barrier barrier_id(%barrier3A_89)
    %mul3A_90 = arith.constant 624 : i32
    %mul3A_91 = arith.muli %arg1, %mul3A_90 : i32
    %mul3A_92 = arith.constant 10000 : i32
    %mul3A_93 = arith.muli %arg0, %mul3A_92 : i32
    %mul3A_94 = arith.constant 624 : i32
    %mul3A_95 = arith.muli %arg1, %mul3A_94 : i32
    %add3A_96 = arith.addi %mul3A_93, %mul3A_95 : i32
    "tpu.region"() ({
      %run_scoped3A = tpu.sem_alloc : memref<!tpu.dma_semaphore, #tpu.memory_space<semaphore_mem>>
      %dma_start3A_102 = arith.constant 0 : i32
      %dma_start3A_103 = tpu.memref_slice %arg5[%add3A_96, %dma_start3A_102] : memref<20000x128xf32, #tpu.memory_space<hbm>> -> memref<624x128xf32, #tpu.memory_space<hbm>>
      %dma_start3A_104 = arith.constant 0 : i32
      %dma_start3A_105 = tpu.memref_slice %arg16[%mul3A_91, %dma_start3A_104] : memref<10000x128xf32, #tpu.memory_space<vmem_shared>> -> memref<624x128xf32, #tpu.memory_space<vmem_shared>>
      tpu.enqueue_dma source(%dma_start3A_105 : memref<624x128xf32, #tpu.memory_space<vmem_shared>>) target(%dma_start3A_103 : memref<624x128xf32, #tpu.memory_space<hbm>>) target_semaphore(%run_scoped3A : memref<!tpu.dma_semaphore, #tpu.memory_space<semaphore_mem>>)
      %dma_wait3A_106 = arith.constant 0 : i32
      %dma_wait3A_107 = tpu.memref_slice %arg5[%add3A_96, %dma_wait3A_106] : memref<20000x128xf32, #tpu.memory_space<hbm>> -> memref<624x128xf32, #tpu.memory_space<hbm>>
      %dma_wait3A_108 = arith.constant 0 : i32
      %dma_wait3A_109 = tpu.memref_slice %arg16[%mul3A_91, %dma_wait3A_108] : memref<10000x128xf32, #tpu.memory_space<vmem_shared>> -> memref<624x128xf32, #tpu.memory_space<vmem_shared>>
      tpu.wait_dma2 semaphore(%run_scoped3A : memref<!tpu.dma_semaphore, #tpu.memory_space<semaphore_mem>>) src(%dma_wait3A_109 : memref<624x128xf32, #tpu.memory_space<vmem_shared>>) dst(%dma_wait3A_107 : memref<624x128xf32, #tpu.memory_space<hbm>>)
      tpu.yield
    }) : () -> ()
    %eq3A_97 = arith.constant 15 : i32
    %eq3A_98 = arith.cmpi eq, %arg1, %eq3A_97 : i32
    %convert_element_type3A_99 = arith.extui %eq3A_98 : i1 to i32
    %cond3A_100 = arith.constant 0 : i32
    %cond3A_101 = arith.cmpi ne, %convert_element_type3A_99, %cond3A_100 : i32
    scf.if %cond3A_101 {
      %mul3A_102 = arith.constant 10000 : i32
      %mul3A_103 = arith.muli %arg0, %mul3A_102 : i32
      %add3A_104 = arith.constant 9984 : i32
      %add3A_105 = arith.addi %mul3A_103, %add3A_104 : i32
      "tpu.region"() ({
        %run_scoped3A = tpu.sem_alloc : memref<!tpu.dma_semaphore, #tpu.memory_space<semaphore_mem>>
        %dma_start3A_106 = arith.constant 0 : i32
        %dma_start3A_107 = tpu.memref_slice %arg5[%add3A_105, %dma_start3A_106] : memref<20000x128xf32, #tpu.memory_space<hbm>> -> memref<16x128xf32, #tpu.memory_space<hbm>>
        %dma_start3A_108 = arith.constant 9984 : i32
        %dma_start3A_109 = arith.constant 0 : i32
        %dma_start3A_110 = tpu.memref_slice %arg16[%dma_start3A_108, %dma_start3A_109] : memref<10000x128xf32, #tpu.memory_space<vmem_shared>> -> memref<16x128xf32, #tpu.memory_space<vmem_shared>>
        tpu.enqueue_dma source(%dma_start3A_110 : memref<16x128xf32, #tpu.memory_space<vmem_shared>>) target(%dma_start3A_107 : memref<16x128xf32, #tpu.memory_space<hbm>>) target_semaphore(%run_scoped3A : memref<!tpu.dma_semaphore, #tpu.memory_space<semaphore_mem>>)
        %dma_wait3A_111 = arith.constant 0 : i32
        %dma_wait3A_112 = tpu.memref_slice %arg5[%add3A_105, %dma_wait3A_111] : memref<20000x128xf32, #tpu.memory_space<hbm>> -> memref<16x128xf32, #tpu.memory_space<hbm>>
        %dma_wait3A_113 = arith.constant 9984 : i32
        %dma_wait3A_114 = arith.constant 0 : i32
        %dma_wait3A_115 = tpu.memref_slice %arg16[%dma_wait3A_113, %dma_wait3A_114] : memref<10000x128xf32, #tpu.memory_space<vmem_shared>> -> memref<16x128xf32, #tpu.memory_space<vmem_shared>>
        tpu.wait_dma2 semaphore(%run_scoped3A : memref<!tpu.dma_semaphore, #tpu.memory_space<semaphore_mem>>) src(%dma_wait3A_115 : memref<16x128xf32, #tpu.memory_space<vmem_shared>>) dst(%dma_wait3A_112 : memref<16x128xf32, #tpu.memory_space<hbm>>)
        tpu.yield
      }) : () -> ()
    } else {
    }
    return
  }
}

#map = affine_map<(d0, d1) -> (0, 0)>
#map1 = affine_map<(d0, d1) -> (0)>
module attributes {stable_mosaic.version = 14 : i64} {
  func.func @_sc_scatter_kernel(%arg0: i32, %arg1: i32, %arg2: memref<10000x128xf32, #tpu.memory_space<hbm>>, %arg3: memref<320000xi32, #tpu.memory_space<hbm>>, %arg4: memref<320000xi32, #tpu.memory_space<hbm>>, %arg5: memref<20000x128xf32, #tpu.memory_space<hbm>>, %arg6: memref<10000xi32, #tpu.memory_space<vmem>>, %arg7: memref<64xi32, #tpu.memory_space<vmem>>, %arg8: memref<64xi32, #tpu.memory_space<vmem>>, %arg9: memref<64xi32, #tpu.memory_space<vmem>>, %arg10: memref<64xi32, #tpu.memory_space<vmem>>, %arg11: memref<16xi32, #tpu.memory_space<vmem>>, %arg12: memref<64x128xf32, #tpu.memory_space<vmem>>, %arg13: memref<64x128xf32, #tpu.memory_space<vmem>>, %arg14: memref<64x128xf32, #tpu.memory_space<vmem>>, %arg15: memref<64x128xf32, #tpu.memory_space<vmem>>, %arg16: memref<10000x128xf32, #tpu.memory_space<vmem_shared>>, %arg17: memref<!tpu.dma_semaphore, #tpu.memory_space<semaphore_mem>>, %arg18: memref<!tpu.dma_semaphore, #tpu.memory_space<semaphore_mem>>, %arg19: memref<!tpu.dma_semaphore, #tpu.memory_space<semaphore_mem>>, %arg20: memref<!tpu.dma_semaphore, #tpu.memory_space<semaphore_mem>>, %arg21: memref<!tpu.dma_semaphore, #tpu.memory_space<semaphore_mem>>, %arg22: memref<!tpu.dma_semaphore, #tpu.memory_space<semaphore_mem>>, %arg23: memref<!tpu.dma_semaphore, #tpu.memory_space<semaphore_mem>>, %arg24: memref<!tpu.dma_semaphore, #tpu.memory_space<semaphore_mem>>) attributes {dimension_semantics = [#tpu.dimension_semantics<core_parallel>, #tpu.dimension_semantics<subcore_parallel>], iteration_bounds = array<i64: 2, 16>, scalar_prefetch = 0 : i64, scratch_operands = 19 : i64, tpu.core_type = #tpu.core_type<sc_vector_subcore>, window_params = [{transform_indices = #map}, {transform_indices = #map1}, {transform_indices = #map1}, {transform_indices = #map}]} {
    %mul3A = arith.constant 16 : i32
    %mul3A_0 = arith.muli %arg0, %mul3A : i32
    %add3A = arith.addi %mul3A_0, %arg1 : i32
    %broadcast_in_dim3A = arith.constant 0.000000e+00 : f32
    %broadcast_in_dim3A_1 = vector.broadcast %broadcast_in_dim3A : f32 to vector<16xf32>
    %scan3A = arith.constant 0 : i32
    %scan3A_2 = arith.constant 0 : i32
    %scan3A_3 = arith.constant 16 : i32
    %scan3A_4 = arith.addi %scan3A_2, %scan3A_3 : i32
    %scan3A_5 = arith.constant 1 : i32
    scf.for %scan3A_102 = %scan3A_2 to %scan3A_4 step %scan3A_5  : i32 {
      %swap3A = arith.index_cast %scan3A_102 : i32 to index
      %swap3A_103 = arith.constant 0 : index
      %swap3A_104 = tpu.vector_load %arg12[%swap3A, %swap3A_103] {strides = array<i32>} : memref<64x128xf32, #tpu.memory_space<vmem>>, vector<1x16xf32>,
      %swap3A_105 = vector.shape_cast %swap3A_104 : vector<1x16xf32> to vector<16xf32>
      %swap3A_106 = vector.shape_cast %broadcast_in_dim3A_1 : vector<16xf32> to vector<1x16xf32>
      tpu.vector_store %arg12[%swap3A, %swap3A_103], %swap3A_106 {strides = array<i32>} : memref<64x128xf32, #tpu.memory_space<vmem>>, vector<1x16xf32>,
      %swap3A_107 = arith.index_cast %scan3A_102 : i32 to index
      %swap3A_108 = arith.constant 16 : index
      %swap3A_109 = tpu.vector_load %arg12[%swap3A_107, %swap3A_108] {strides = array<i32>} : memref<64x128xf32, #tpu.memory_space<vmem>>, vector<1x16xf32>,
      %swap3A_110 = vector.shape_cast %swap3A_109 : vector<1x16xf32> to vector<16xf32>
      %swap3A_111 = vector.shape_cast %broadcast_in_dim3A_1 : vector<16xf32> to vector<1x16xf32>
      tpu.vector_store %arg12[%swap3A_107, %swap3A_108], %swap3A_111 {strides = array<i32>} : memref<64x128xf32, #tpu.memory_space<vmem>>, vector<1x16xf32>,
      %swap3A_112 = arith.index_cast %scan3A_102 : i32 to index
      %swap3A_113 = arith.constant 32 : index
      %swap3A_114 = tpu.vector_load %arg12[%swap3A_112, %swap3A_113] {strides = array<i32>} : memref<64x128xf32, #tpu.memory_space<vmem>>, vector<1x16xf32>,
      %swap3A_115 = vector.shape_cast %swap3A_114 : vector<1x16xf32> to vector<16xf32>
      %swap3A_116 = vector.shape_cast %broadcast_in_dim3A_1 : vector<16xf32> to vector<1x16xf32>
      tpu.vector_store %arg12[%swap3A_112, %swap3A_113], %swap3A_116 {strides = array<i32>} : memref<64x128xf32, #tpu.memory_space<vmem>>, vector<1x16xf32>,
      %swap3A_117 = arith.index_cast %scan3A_102 : i32 to index
      %swap3A_118 = arith.constant 48 : index
      %swap3A_119 = tpu.vector_load %arg12[%swap3A_117, %swap3A_118] {strides = array<i32>} : memref<64x128xf32, #tpu.memory_space<vmem>>, vector<1x16xf32>,
      %swap3A_120 = vector.shape_cast %swap3A_119 : vector<1x16xf32> to vector<16xf32>
      %swap3A_121 = vector.shape_cast %broadcast_in_dim3A_1 : vector<16xf32> to vector<1x16xf32>
      tpu.vector_store %arg12[%swap3A_117, %swap3A_118], %swap3A_121 {strides = array<i32>} : memref<64x128xf32, #tpu.memory_space<vmem>>, vector<1x16xf32>,
      %swap3A_122 = arith.index_cast %scan3A_102 : i32 to index
      %swap3A_123 = arith.constant 64 : index
      %swap3A_124 = tpu.vector_load %arg12[%swap3A_122, %swap3A_123] {strides = array<i32>} : memref<64x128xf32, #tpu.memory_space<vmem>>, vector<1x16xf32>,
      %swap3A_125 = vector.shape_cast %swap3A_124 : vector<1x16xf32> to vector<16xf32>
      %swap3A_126 = vector.shape_cast %broadcast_in_dim3A_1 : vector<16xf32> to vector<1x16xf32>
      tpu.vector_store %arg12[%swap3A_122, %swap3A_123], %swap3A_126 {strides = array<i32>} : memref<64x128xf32, #tpu.memory_space<vmem>>, vector<1x16xf32>,
      %swap3A_127 = arith.index_cast %scan3A_102 : i32 to index
      %swap3A_128 = arith.constant 80 : index
      %swap3A_129 = tpu.vector_load %arg12[%swap3A_127, %swap3A_128] {strides = array<i32>} : memref<64x128xf32, #tpu.memory_space<vmem>>, vector<1x16xf32>,
      %swap3A_130 = vector.shape_cast %swap3A_129 : vector<1x16xf32> to vector<16xf32>
      %swap3A_131 = vector.shape_cast %broadcast_in_dim3A_1 : vector<16xf32> to vector<1x16xf32>
      tpu.vector_store %arg12[%swap3A_127, %swap3A_128], %swap3A_131 {strides = array<i32>} : memref<64x128xf32, #tpu.memory_space<vmem>>, vector<1x16xf32>,
      %swap3A_132 = arith.index_cast %scan3A_102 : i32 to index
      %swap3A_133 = arith.constant 96 : index
      %swap3A_134 = tpu.vector_load %arg12[%swap3A_132, %swap3A_133] {strides = array<i32>} : memref<64x128xf32, #tpu.memory_space<vmem>>, vector<1x16xf32>,
      %swap3A_135 = vector.shape_cast %swap3A_134 : vector<1x16xf32> to vector<16xf32>
      %swap3A_136 = vector.shape_cast %broadcast_in_dim3A_1 : vector<16xf32> to vector<1x16xf32>
      tpu.vector_store %arg12[%swap3A_132, %swap3A_133], %swap3A_136 {strides = array<i32>} : memref<64x128xf32, #tpu.memory_space<vmem>>, vector<1x16xf32>,
      %swap3A_137 = arith.index_cast %scan3A_102 : i32 to index
      %swap3A_138 = arith.constant 112 : index
      %swap3A_139 = tpu.vector_load %arg12[%swap3A_137, %swap3A_138] {strides = array<i32>} : memref<64x128xf32, #tpu.memory_space<vmem>>, vector<1x16xf32>,
      %swap3A_140 = vector.shape_cast %swap3A_139 : vector<1x16xf32> to vector<16xf32>
      %swap3A_141 = vector.shape_cast %broadcast_in_dim3A_1 : vector<16xf32> to vector<1x16xf32>
      tpu.vector_store %arg12[%swap3A_137, %swap3A_138], %swap3A_141 {strides = array<i32>} : memref<64x128xf32, #tpu.memory_space<vmem>>, vector<1x16xf32>,
    }
    %scan3A_6 = arith.constant 16 : i32
    %scan3A_7 = arith.constant 0 : i32
    %scan3A_8 = arith.constant 0 : i32
    %scan3A_9 = arith.constant 39 : i32
    %scan3A_10 = arith.addi %scan3A_8, %scan3A_9 : i32
    %scan3A_11 = arith.constant 1 : i32
    scf.for %scan3A_102 = %scan3A_8 to %scan3A_10 step %scan3A_11  : i32 {
      %mul3A_103 = arith.constant 624 : i32
      %mul3A_104 = arith.muli %arg1, %mul3A_103 : i32
      %mul3A_105 = arith.constant 16 : i32
      %mul3A_106 = arith.muli %scan3A_102, %mul3A_105 : i32
      %add3A_107 = arith.addi %mul3A_104, %mul3A_106 : i32
      "tpu.region"() ({
        %run_scoped3A = tpu.sem_alloc : memref<!tpu.dma_semaphore, #tpu.memory_space<semaphore_mem>>
        %dma_start3A_108 = arith.constant 0 : i32
        %dma_start3A_109 = arith.constant 0 : i32
        %dma_start3A_110 = tpu.memref_slice %arg12[%dma_start3A_108, %dma_start3A_109] : memref<64x128xf32, #tpu.memory_space<vmem>> -> memref<16x128xf32, #tpu.memory_space<vmem>>
        %dma_start3A_111 = arith.constant 0 : i32
        %dma_start3A_112 = tpu.memref_slice %arg16[%add3A_107, %dma_start3A_111] : memref<10000x128xf32, #tpu.memory_space<vmem_shared>> -> memref<16x128xf32, #tpu.memory_space<vmem_shared>>
        %dma_start3A_113 = arith.constant 0 : i32
        %dma_start3A_114 = tpu.memref_slice %arg16[%add3A_107, %dma_start3A_113] : memref<10000x128xf32, #tpu.memory_space<vmem_shared>> -> memref<16x128xf32, #tpu.memory_space<vmem_shared>>
        %dma_start3A_115 = arith.constant 0 : i32
        %dma_start3A_116 = arith.constant 0 : i32
        %dma_start3A_117 = tpu.memref_slice %arg12[%dma_start3A_115, %dma_start3A_116] : memref<64x128xf32, #tpu.memory_space<vmem>> -> memref<16x128xf32, #tpu.memory_space<vmem>>
        tpu.enqueue_dma source(%dma_start3A_117 : memref<16x128xf32, #tpu.memory_space<vmem>>) target(%dma_start3A_114 : memref<16x128xf32, #tpu.memory_space<vmem_shared>>) target_semaphore(%run_scoped3A : memref<!tpu.dma_semaphore, #tpu.memory_space<semaphore_mem>>)
        %dma_wait3A_118 = arith.constant 0 : i32
        %dma_wait3A_119 = arith.constant 0 : i32
        %dma_wait3A_120 = tpu.memref_slice %arg12[%dma_wait3A_118, %dma_wait3A_119] : memref<64x128xf32, #tpu.memory_space<vmem>> -> memref<16x128xf32, #tpu.memory_space<vmem>>
        %dma_wait3A_121 = arith.constant 0 : i32
        %dma_wait3A_122 = tpu.memref_slice %arg16[%add3A_107, %dma_wait3A_121] : memref<10000x128xf32, #tpu.memory_space<vmem_shared>> -> memref<16x128xf32, #tpu.memory_space<vmem_shared>>
        %dma_wait3A_123 = arith.constant 0 : i32
        %dma_wait3A_124 = tpu.memref_slice %arg16[%add3A_107, %dma_wait3A_123] : memref<10000x128xf32, #tpu.memory_space<vmem_shared>> -> memref<16x128xf32, #tpu.memory_space<vmem_shared>>
        %dma_wait3A_125 = arith.constant 0 : i32
        %dma_wait3A_126 = arith.constant 0 : i32
        %dma_wait3A_127 = tpu.memref_slice %arg12[%dma_wait3A_125, %dma_wait3A_126] : memref<64x128xf32, #tpu.memory_space<vmem>> -> memref<16x128xf32, #tpu.memory_space<vmem>>
        tpu.wait_dma2 semaphore(%run_scoped3A : memref<!tpu.dma_semaphore, #tpu.memory_space<semaphore_mem>>) src(%dma_wait3A_127 : memref<16x128xf32, #tpu.memory_space<vmem>>) dst(%dma_wait3A_124 : memref<16x128xf32, #tpu.memory_space<vmem_shared>>)
        tpu.yield
      }) : () -> ()
    }
    %scan3A_12 = arith.constant 39 : i32
    %eq3A = arith.constant 15 : i32
    %eq3A_13 = arith.cmpi eq, %arg1, %eq3A : i32
    %convert_element_type3A = arith.extui %eq3A_13 : i1 to i32
    %cond3A = arith.constant 0 : i32
    %cond3A_14 = arith.cmpi ne, %convert_element_type3A, %cond3A : i32
    scf.if %cond3A_14 {
      "tpu.region"() ({
        %run_scoped3A = tpu.sem_alloc : memref<!tpu.dma_semaphore, #tpu.memory_space<semaphore_mem>>
        %dma_start3A_102 = arith.constant 0 : i32
        %dma_start3A_103 = arith.constant 0 : i32
        %dma_start3A_104 = tpu.memref_slice %arg12[%dma_start3A_102, %dma_start3A_103] : memref<64x128xf32, #tpu.memory_space<vmem>> -> memref<16x128xf32, #tpu.memory_space<vmem>>
        %dma_start3A_105 = arith.constant 9984 : i32
        %dma_start3A_106 = arith.constant 0 : i32
        %dma_start3A_107 = tpu.memref_slice %arg16[%dma_start3A_105, %dma_start3A_106] : memref<10000x128xf32, #tpu.memory_space<vmem_shared>> -> memref<16x128xf32, #tpu.memory_space<vmem_shared>>
        %dma_start3A_108 = arith.constant 9984 : i32
        %dma_start3A_109 = arith.constant 0 : i32
        %dma_start3A_110 = tpu.memref_slice %arg16[%dma_start3A_108, %dma_start3A_109] : memref<10000x128xf32, #tpu.memory_space<vmem_shared>> -> memref<16x128xf32, #tpu.memory_space<vmem_shared>>
        %dma_start3A_111 = arith.constant 0 : i32
        %dma_start3A_112 = arith.constant 0 : i32
        %dma_start3A_113 = tpu.memref_slice %arg12[%dma_start3A_111, %dma_start3A_112] : memref<64x128xf32, #tpu.memory_space<vmem>> -> memref<16x128xf32, #tpu.memory_space<vmem>>
        tpu.enqueue_dma source(%dma_start3A_113 : memref<16x128xf32, #tpu.memory_space<vmem>>) target(%dma_start3A_110 : memref<16x128xf32, #tpu.memory_space<vmem_shared>>) target_semaphore(%run_scoped3A : memref<!tpu.dma_semaphore, #tpu.memory_space<semaphore_mem>>)
        %dma_wait3A_114 = arith.constant 0 : i32
        %dma_wait3A_115 = arith.constant 0 : i32
        %dma_wait3A_116 = tpu.memref_slice %arg12[%dma_wait3A_114, %dma_wait3A_115] : memref<64x128xf32, #tpu.memory_space<vmem>> -> memref<16x128xf32, #tpu.memory_space<vmem>>
        %dma_wait3A_117 = arith.constant 9984 : i32
        %dma_wait3A_118 = arith.constant 0 : i32
        %dma_wait3A_119 = tpu.memref_slice %arg16[%dma_wait3A_117, %dma_wait3A_118] : memref<10000x128xf32, #tpu.memory_space<vmem_shared>> -> memref<16x128xf32, #tpu.memory_space<vmem_shared>>
        %dma_wait3A_120 = arith.constant 9984 : i32
        %dma_wait3A_121 = arith.constant 0 : i32
        %dma_wait3A_122 = tpu.memref_slice %arg16[%dma_wait3A_120, %dma_wait3A_121] : memref<10000x128xf32, #tpu.memory_space<vmem_shared>> -> memref<16x128xf32, #tpu.memory_space<vmem_shared>>
        %dma_wait3A_123 = arith.constant 0 : i32
        %dma_wait3A_124 = arith.constant 0 : i32
        %dma_wait3A_125 = tpu.memref_slice %arg12[%dma_wait3A_123, %dma_wait3A_124] : memref<64x128xf32, #tpu.memory_space<vmem>> -> memref<16x128xf32, #tpu.memory_space<vmem>>
        tpu.wait_dma2 semaphore(%run_scoped3A : memref<!tpu.dma_semaphore, #tpu.memory_space<semaphore_mem>>) src(%dma_wait3A_125 : memref<16x128xf32, #tpu.memory_space<vmem>>) dst(%dma_wait3A_122 : memref<16x128xf32, #tpu.memory_space<vmem_shared>>)
        tpu.yield
      }) : () -> ()
    } else {
    }
    %barrier3A = arith.constant 0 : index
    tpu.barrier barrier_id(%barrier3A)
    %mul3A_15 = arith.constant 10000 : i32
    %mul3A_16 = arith.muli %add3A, %mul3A_15 : i32
    "tpu.region"() ({
      %run_scoped3A = tpu.sem_alloc : memref<!tpu.dma_semaphore, #tpu.memory_space<semaphore_mem>>
      %dma_start3A_102 = tpu.memref_slice %arg3[%mul3A_16] : memref<320000xi32, #tpu.memory_space<hbm>> -> memref<10000xi32, #tpu.memory_space<hbm>>
      %dma_start3A_103 = tpu.memref_slice %arg3[%mul3A_16] : memref<320000xi32, #tpu.memory_space<hbm>> -> memref<10000xi32, #tpu.memory_space<hbm>>
      tpu.enqueue_dma source(%dma_start3A_103 : memref<10000xi32, #tpu.memory_space<hbm>>) target(%arg6 : memref<10000xi32, #tpu.memory_space<vmem>>) target_semaphore(%run_scoped3A : memref<!tpu.dma_semaphore, #tpu.memory_space<semaphore_mem>>)
      %dma_wait3A_104 = tpu.memref_slice %arg3[%mul3A_16] : memref<320000xi32, #tpu.memory_space<hbm>> -> memref<10000xi32, #tpu.memory_space<hbm>>
      %dma_wait3A_105 = tpu.memref_slice %arg3[%mul3A_16] : memref<320000xi32, #tpu.memory_space<hbm>> -> memref<10000xi32, #tpu.memory_space<hbm>>
      tpu.wait_dma2 semaphore(%run_scoped3A : memref<!tpu.dma_semaphore, #tpu.memory_space<semaphore_mem>>) src(%dma_wait3A_105 : memref<10000xi32, #tpu.memory_space<hbm>>) dst(%arg6 : memref<10000xi32, #tpu.memory_space<vmem>>)
      tpu.yield
    }) : () -> ()
    %mul3A_17 = arith.constant 10000 : i32
    %mul3A_18 = arith.muli %add3A, %mul3A_17 : i32
    %add3A_19 = arith.constant 0 : i32
    %add3A_20 = arith.addi %mul3A_18, %add3A_19 : i32
    %dma_start3A = tpu.memref_slice %arg4[%add3A_20] : memref<320000xi32, #tpu.memory_space<hbm>> -> memref<64xi32, #tpu.memory_space<hbm>>
    %dma_start3A_21 = tpu.memref_slice %arg4[%add3A_20] : memref<320000xi32, #tpu.memory_space<hbm>> -> memref<64xi32, #tpu.memory_space<hbm>>
    tpu.enqueue_dma source(%dma_start3A_21 : memref<64xi32, #tpu.memory_space<hbm>>) target(%arg7 : memref<64xi32, #tpu.memory_space<vmem>>) target_semaphore(%arg21 : memref<!tpu.dma_semaphore, #tpu.memory_space<semaphore_mem>>)
    %dma_start3A_22 = arith.constant 0 : i32
    %dma_start3A_23 = tpu.memref_slice %arg6[%dma_start3A_22] : memref<10000xi32, #tpu.memory_space<vmem>> -> memref<64xi32, #tpu.memory_space<vmem>>
    %dma_start3A_24 = arith.constant 0 : i32
    %dma_start3A_25 = arith.constant 0 : i32
    %dma_start3A_26 = tpu.memref_slice %arg2[%dma_start3A_24, %dma_start3A_25] : memref<10000x128xf32, #tpu.memory_space<hbm>> -> memref<10000x128xf32, #tpu.memory_space<hbm>>
    tpu.enqueue_indirect_dma source(%dma_start3A_26 : memref<10000x128xf32, #tpu.memory_space<hbm>>) target(%arg12 : memref<64x128xf32, #tpu.memory_space<vmem>>) offsets(%dma_start3A_23 : memref<64xi32, #tpu.memory_space<vmem>>) semaphore(%arg17 : memref<!tpu.dma_semaphore, #tpu.memory_space<semaphore_mem>>)
    %mul3A_27 = arith.constant 10000 : i32
    %mul3A_28 = arith.muli %add3A, %mul3A_27 : i32
    %add3A_29 = arith.constant 64 : i32
    %add3A_30 = arith.addi %mul3A_28, %add3A_29 : i32
    %dma_start3A_31 = tpu.memref_slice %arg4[%add3A_30] : memref<320000xi32, #tpu.memory_space<hbm>> -> memref<64xi32, #tpu.memory_space<hbm>>
    %dma_start3A_32 = tpu.memref_slice %arg4[%add3A_30] : memref<320000xi32, #tpu.memory_space<hbm>> -> memref<64xi32, #tpu.memory_space<hbm>>
    tpu.enqueue_dma source(%dma_start3A_32 : memref<64xi32, #tpu.memory_space<hbm>>) target(%arg8 : memref<64xi32, #tpu.memory_space<vmem>>) target_semaphore(%arg22 : memref<!tpu.dma_semaphore, #tpu.memory_space<semaphore_mem>>)
    %dma_start3A_33 = arith.constant 64 : i32
    %dma_start3A_34 = tpu.memref_slice %arg6[%dma_start3A_33] : memref<10000xi32, #tpu.memory_space<vmem>> -> memref<64xi32, #tpu.memory_space<vmem>>
    %dma_start3A_35 = arith.constant 0 : i32
    %dma_start3A_36 = arith.constant 0 : i32
    %dma_start3A_37 = tpu.memref_slice %arg2[%dma_start3A_35, %dma_start3A_36] : memref<10000x128xf32, #tpu.memory_space<hbm>> -> memref<10000x128xf32, #tpu.memory_space<hbm>>
    tpu.enqueue_indirect_dma source(%dma_start3A_37 : memref<10000x128xf32, #tpu.memory_space<hbm>>) target(%arg13 : memref<64x128xf32, #tpu.memory_space<vmem>>) offsets(%dma_start3A_34 : memref<64xi32, #tpu.memory_space<vmem>>) semaphore(%arg18 : memref<!tpu.dma_semaphore, #tpu.memory_space<semaphore_mem>>)
    %mul3A_38 = arith.constant 10000 : i32
    %mul3A_39 = arith.muli %add3A, %mul3A_38 : i32
    %add3A_40 = arith.constant 128 : i32
    %add3A_41 = arith.addi %mul3A_39, %add3A_40 : i32
    %dma_start3A_42 = tpu.memref_slice %arg4[%add3A_41] : memref<320000xi32, #tpu.memory_space<hbm>> -> memref<64xi32, #tpu.memory_space<hbm>>
    %dma_start3A_43 = tpu.memref_slice %arg4[%add3A_41] : memref<320000xi32, #tpu.memory_space<hbm>> -> memref<64xi32, #tpu.memory_space<hbm>>
    tpu.enqueue_dma source(%dma_start3A_43 : memref<64xi32, #tpu.memory_space<hbm>>) target(%arg9 : memref<64xi32, #tpu.memory_space<vmem>>) target_semaphore(%arg23 : memref<!tpu.dma_semaphore, #tpu.memory_space<semaphore_mem>>)
    %dma_start3A_44 = arith.constant 128 : i32
    %dma_start3A_45 = tpu.memref_slice %arg6[%dma_start3A_44] : memref<10000xi32, #tpu.memory_space<vmem>> -> memref<64xi32, #tpu.memory_space<vmem>>
    %dma_start3A_46 = arith.constant 0 : i32
    %dma_start3A_47 = arith.constant 0 : i32
    %dma_start3A_48 = tpu.memref_slice %arg2[%dma_start3A_46, %dma_start3A_47] : memref<10000x128xf32, #tpu.memory_space<hbm>> -> memref<10000x128xf32, #tpu.memory_space<hbm>>
    tpu.enqueue_indirect_dma source(%dma_start3A_48 : memref<10000x128xf32, #tpu.memory_space<hbm>>) target(%arg14 : memref<64x128xf32, #tpu.memory_space<vmem>>) offsets(%dma_start3A_45 : memref<64xi32, #tpu.memory_space<vmem>>) semaphore(%arg19 : memref<!tpu.dma_semaphore, #tpu.memory_space<semaphore_mem>>)
    %mul3A_49 = arith.constant 10000 : i32
    %mul3A_50 = arith.muli %add3A, %mul3A_49 : i32
    %add3A_51 = arith.constant 192 : i32
    %add3A_52 = arith.addi %mul3A_50, %add3A_51 : i32
    %dma_start3A_53 = tpu.memref_slice %arg4[%add3A_52] : memref<320000xi32, #tpu.memory_space<hbm>> -> memref<64xi32, #tpu.memory_space<hbm>>
    %dma_start3A_54 = tpu.memref_slice %arg4[%add3A_52] : memref<320000xi32, #tpu.memory_space<hbm>> -> memref<64xi32, #tpu.memory_space<hbm>>
    tpu.enqueue_dma source(%dma_start3A_54 : memref<64xi32, #tpu.memory_space<hbm>>) target(%arg10 : memref<64xi32, #tpu.memory_space<vmem>>) target_semaphore(%arg24 : memref<!tpu.dma_semaphore, #tpu.memory_space<semaphore_mem>>)
    %dma_start3A_55 = arith.constant 192 : i32
    %dma_start3A_56 = tpu.memref_slice %arg6[%dma_start3A_55] : memref<10000xi32, #tpu.memory_space<vmem>> -> memref<64xi32, #tpu.memory_space<vmem>>
    %dma_start3A_57 = arith.constant 0 : i32
    %dma_start3A_58 = arith.constant 0 : i32
    %dma_start3A_59 = tpu.memref_slice %arg2[%dma_start3A_57, %dma_start3A_58] : memref<10000x128xf32, #tpu.memory_space<hbm>> -> memref<10000x128xf32, #tpu.memory_space<hbm>>
    tpu.enqueue_indirect_dma source(%dma_start3A_59 : memref<10000x128xf32, #tpu.memory_space<hbm>>) target(%arg15 : memref<64x128xf32, #tpu.memory_space<vmem>>) offsets(%dma_start3A_56 : memref<64xi32, #tpu.memory_space<vmem>>) semaphore(%arg20 : memref<!tpu.dma_semaphore, #tpu.memory_space<semaphore_mem>>)
    %scan3A_60 = arith.constant 0 : i32
    %scan3A_61 = arith.constant 0 : i32
    %scan3A_62 = arith.constant 39 : i32
    %scan3A_63 = arith.addi %scan3A_61, %scan3A_62 : i32
    %scan3A_64 = arith.constant 1 : i32
    scf.for %scan3A_102 = %scan3A_61 to %scan3A_63 step %scan3A_64  : i32 {
      %mul3A_103 = arith.constant 4 : i32
      %mul3A_104 = arith.muli %scan3A_102, %mul3A_103 : i32
      %add3A_105 = arith.constant 0 : i32
      %add3A_106 = arith.addi %mul3A_104, %add3A_105 : i32
      %dma_wait3A_107 = arith.constant 0 : i32
      %dma_wait3A_108 = tpu.memref_slice %arg4[%dma_wait3A_107] : memref<320000xi32, #tpu.memory_space<hbm>> -> memref<64xi32, #tpu.memory_space<hbm>>
      %dma_wait3A_109 = arith.constant 0 : i32
      %dma_wait3A_110 = tpu.memref_slice %arg4[%dma_wait3A_109] : memref<320000xi32, #tpu.memory_space<hbm>> -> memref<64xi32, #tpu.memory_space<hbm>>
      tpu.wait_dma2 semaphore(%arg21 : memref<!tpu.dma_semaphore, #tpu.memory_space<semaphore_mem>>) src(%dma_wait3A_110 : memref<64xi32, #tpu.memory_space<hbm>>) dst(%arg7 : memref<64xi32, #tpu.memory_space<vmem>>)
      %dma_wait3A_111 = arith.constant 0 : i32
      %dma_wait3A_112 = arith.constant 0 : i32
      %dma_wait3A_113 = tpu.memref_slice %arg2[%dma_wait3A_111, %dma_wait3A_112] : memref<10000x128xf32, #tpu.memory_space<hbm>> -> memref<64x128xf32, #tpu.memory_space<hbm>>
      %dma_wait3A_114 = arith.constant 0 : i32
      %dma_wait3A_115 = arith.constant 0 : i32
      %dma_wait3A_116 = tpu.memref_slice %arg2[%dma_wait3A_114, %dma_wait3A_115] : memref<10000x128xf32, #tpu.memory_space<hbm>> -> memref<64x128xf32, #tpu.memory_space<hbm>>
      tpu.wait_dma2 semaphore(%arg17 : memref<!tpu.dma_semaphore, #tpu.memory_space<semaphore_mem>>) src(%dma_wait3A_116 : memref<64x128xf32, #tpu.memory_space<hbm>>) dst(%arg12 : memref<64x128xf32, #tpu.memory_space<vmem>>)
      "tpu.region"() ({
        %run_scoped3A = tpu.sem_alloc : memref<!tpu.dma_semaphore, #tpu.memory_space<semaphore_mem>>
        %dma_start3A_180 = arith.constant 0 : i32
        %dma_start3A_181 = arith.constant 0 : i32
        %dma_start3A_182 = tpu.memref_slice %arg16[%dma_start3A_180, %dma_start3A_181] : memref<10000x128xf32, #tpu.memory_space<vmem_shared>> -> memref<10000x128xf32, #tpu.memory_space<vmem_shared>>
        tpu.enqueue_indirect_dma source(%arg12 : memref<64x128xf32, #tpu.memory_space<vmem>>) target(%dma_start3A_182 : memref<10000x128xf32, #tpu.memory_space<vmem_shared>>) offsets(%arg7 : memref<64xi32, #tpu.memory_space<vmem>>) semaphore(%run_scoped3A : memref<!tpu.dma_semaphore, #tpu.memory_space<semaphore_mem>>) {add = true}
        %dma_wait3A_183 = arith.constant 0 : i32
        %dma_wait3A_184 = arith.constant 0 : i32
        %dma_wait3A_185 = tpu.memref_slice %arg16[%dma_wait3A_183, %dma_wait3A_184] : memref<10000x128xf32, #tpu.memory_space<vmem_shared>> -> memref<10000x128xf32, #tpu.memory_space<vmem_shared>>
        tpu.wait_indirect_dma semaphore(%run_scoped3A : memref<!tpu.dma_semaphore, #tpu.memory_space<semaphore_mem>>) src(%arg12 : memref<64x128xf32, #tpu.memory_space<vmem>>) dst(%dma_wait3A_185 : memref<10000x128xf32, #tpu.memory_space<vmem_shared>>)
        tpu.yield
      }) : () -> ()
      %add3A_117 = arith.constant 4 : i32
      %add3A_118 = arith.addi %add3A_106, %add3A_117 : i32
      %lt3A = arith.constant 156 : i32
      %lt3A_119 = arith.cmpi slt, %add3A_118, %lt3A : i32
      %convert_element_type3A_120 = arith.extui %lt3A_119 : i1 to i32
      %cond3A_121 = arith.constant 0 : i32
      %cond3A_122 = arith.cmpi ne, %convert_element_type3A_120, %cond3A_121 : i32
      scf.if %cond3A_122 {
        %add3A_180 = arith.constant 4 : i32
        %add3A_181 = arith.addi %add3A_106, %add3A_180 : i32
        %mul3A_182 = arith.constant 10000 : i32
        %mul3A_183 = arith.muli %add3A, %mul3A_182 : i32
        %mul3A_184 = arith.constant 64 : i32
        %mul3A_185 = arith.muli %add3A_181, %mul3A_184 : i32
        %add3A_186 = arith.addi %mul3A_183, %mul3A_185 : i32
        %dma_start3A_187 = tpu.memref_slice %arg4[%add3A_186] : memref<320000xi32, #tpu.memory_space<hbm>> -> memref<64xi32, #tpu.memory_space<hbm>>
        %dma_start3A_188 = tpu.memref_slice %arg4[%add3A_186] : memref<320000xi32, #tpu.memory_space<hbm>> -> memref<64xi32, #tpu.memory_space<hbm>>
        tpu.enqueue_dma source(%dma_start3A_188 : memref<64xi32, #tpu.memory_space<hbm>>) target(%arg7 : memref<64xi32, #tpu.memory_space<vmem>>) target_semaphore(%arg21 : memref<!tpu.dma_semaphore, #tpu.memory_space<semaphore_mem>>)
        %mul3A_189 = arith.constant 64 : i32
        %mul3A_190 = arith.muli %add3A_181, %mul3A_189 : i32
        %dma_start3A_191 = tpu.memref_slice %arg6[%mul3A_190] : memref<10000xi32, #tpu.memory_space<vmem>> -> memref<64xi32, #tpu.memory_space<vmem>>
        %dma_start3A_192 = arith.constant 0 : i32
        %dma_start3A_193 = arith.constant 0 : i32
        %dma_start3A_194 = tpu.memref_slice %arg2[%dma_start3A_192, %dma_start3A_193] : memref<10000x128xf32, #tpu.memory_space<hbm>> -> memref<10000x128xf32, #tpu.memory_space<hbm>>
        tpu.enqueue_indirect_dma source(%dma_start3A_194 : memref<10000x128xf32, #tpu.memory_space<hbm>>) target(%arg12 : memref<64x128xf32, #tpu.memory_space<vmem>>) offsets(%dma_start3A_191 : memref<64xi32, #tpu.memory_space<vmem>>) semaphore(%arg17 : memref<!tpu.dma_semaphore, #tpu.memory_space<semaphore_mem>>)
      } else {
      }
      %add3A_123 = arith.constant 1 : i32
      %add3A_124 = arith.addi %mul3A_104, %add3A_123 : i32
      %dma_wait3A_125 = arith.constant 0 : i32
      %dma_wait3A_126 = tpu.memref_slice %arg4[%dma_wait3A_125] : memref<320000xi32, #tpu.memory_space<hbm>> -> memref<64xi32, #tpu.memory_space<hbm>>
      %dma_wait3A_127 = arith.constant 0 : i32
      %dma_wait3A_128 = tpu.memref_slice %arg4[%dma_wait3A_127] : memref<320000xi32, #tpu.memory_space<hbm>> -> memref<64xi32, #tpu.memory_space<hbm>>
      tpu.wait_dma2 semaphore(%arg22 : memref<!tpu.dma_semaphore, #tpu.memory_space<semaphore_mem>>) src(%dma_wait3A_128 : memref<64xi32, #tpu.memory_space<hbm>>) dst(%arg8 : memref<64xi32, #tpu.memory_space<vmem>>)
      %dma_wait3A_129 = arith.constant 0 : i32
      %dma_wait3A_130 = arith.constant 0 : i32
      %dma_wait3A_131 = tpu.memref_slice %arg2[%dma_wait3A_129, %dma_wait3A_130] : memref<10000x128xf32, #tpu.memory_space<hbm>> -> memref<64x128xf32, #tpu.memory_space<hbm>>
      %dma_wait3A_132 = arith.constant 0 : i32
      %dma_wait3A_133 = arith.constant 0 : i32
      %dma_wait3A_134 = tpu.memref_slice %arg2[%dma_wait3A_132, %dma_wait3A_133] : memref<10000x128xf32, #tpu.memory_space<hbm>> -> memref<64x128xf32, #tpu.memory_space<hbm>>
      tpu.wait_dma2 semaphore(%arg18 : memref<!tpu.dma_semaphore, #tpu.memory_space<semaphore_mem>>) src(%dma_wait3A_134 : memref<64x128xf32, #tpu.memory_space<hbm>>) dst(%arg13 : memref<64x128xf32, #tpu.memory_space<vmem>>)
      "tpu.region"() ({
        %run_scoped3A = tpu.sem_alloc : memref<!tpu.dma_semaphore, #tpu.memory_space<semaphore_mem>>
        %dma_start3A_180 = arith.constant 0 : i32
        %dma_start3A_181 = arith.constant 0 : i32
        %dma_start3A_182 = tpu.memref_slice %arg16[%dma_start3A_180, %dma_start3A_181] : memref<10000x128xf32, #tpu.memory_space<vmem_shared>> -> memref<10000x128xf32, #tpu.memory_space<vmem_shared>>
        tpu.enqueue_indirect_dma source(%arg13 : memref<64x128xf32, #tpu.memory_space<vmem>>) target(%dma_start3A_182 : memref<10000x128xf32, #tpu.memory_space<vmem_shared>>) offsets(%arg8 : memref<64xi32, #tpu.memory_space<vmem>>) semaphore(%run_scoped3A : memref<!tpu.dma_semaphore, #tpu.memory_space<semaphore_mem>>) {add = true}
        %dma_wait3A_183 = arith.constant 0 : i32
        %dma_wait3A_184 = arith.constant 0 : i32
        %dma_wait3A_185 = tpu.memref_slice %arg16[%dma_wait3A_183, %dma_wait3A_184] : memref<10000x128xf32, #tpu.memory_space<vmem_shared>> -> memref<10000x128xf32, #tpu.memory_space<vmem_shared>>
        tpu.wait_indirect_dma semaphore(%run_scoped3A : memref<!tpu.dma_semaphore, #tpu.memory_space<semaphore_mem>>) src(%arg13 : memref<64x128xf32, #tpu.memory_space<vmem>>) dst(%dma_wait3A_185 : memref<10000x128xf32, #tpu.memory_space<vmem_shared>>)
        tpu.yield
      }) : () -> ()
      %add3A_135 = arith.constant 4 : i32
      %add3A_136 = arith.addi %add3A_124, %add3A_135 : i32
      %lt3A_137 = arith.constant 156 : i32
      %lt3A_138 = arith.cmpi slt, %add3A_136, %lt3A_137 : i32
      %convert_element_type3A_139 = arith.extui %lt3A_138 : i1 to i32
      %cond3A_140 = arith.constant 0 : i32
      %cond3A_141 = arith.cmpi ne, %convert_element_type3A_139, %cond3A_140 : i32
      scf.if %cond3A_141 {
        %add3A_180 = arith.constant 4 : i32
        %add3A_181 = arith.addi %add3A_124, %add3A_180 : i32
        %mul3A_182 = arith.constant 10000 : i32
        %mul3A_183 = arith.muli %add3A, %mul3A_182 : i32
        %mul3A_184 = arith.constant 64 : i32
        %mul3A_185 = arith.muli %add3A_181, %mul3A_184 : i32
        %add3A_186 = arith.addi %mul3A_183, %mul3A_185 : i32
        %dma_start3A_187 = tpu.memref_slice %arg4[%add3A_186] : memref<320000xi32, #tpu.memory_space<hbm>> -> memref<64xi32, #tpu.memory_space<hbm>>
        %dma_start3A_188 = tpu.memref_slice %arg4[%add3A_186] : memref<320000xi32, #tpu.memory_space<hbm>> -> memref<64xi32, #tpu.memory_space<hbm>>
        tpu.enqueue_dma source(%dma_start3A_188 : memref<64xi32, #tpu.memory_space<hbm>>) target(%arg8 : memref<64xi32, #tpu.memory_space<vmem>>) target_semaphore(%arg22 : memref<!tpu.dma_semaphore, #tpu.memory_space<semaphore_mem>>)
        %mul3A_189 = arith.constant 64 : i32
        %mul3A_190 = arith.muli %add3A_181, %mul3A_189 : i32
        %dma_start3A_191 = tpu.memref_slice %arg6[%mul3A_190] : memref<10000xi32, #tpu.memory_space<vmem>> -> memref<64xi32, #tpu.memory_space<vmem>>
        %dma_start3A_192 = arith.constant 0 : i32
        %dma_start3A_193 = arith.constant 0 : i32
        %dma_start3A_194 = tpu.memref_slice %arg2[%dma_start3A_192, %dma_start3A_193] : memref<10000x128xf32, #tpu.memory_space<hbm>> -> memref<10000x128xf32, #tpu.memory_space<hbm>>
        tpu.enqueue_indirect_dma source(%dma_start3A_194 : memref<10000x128xf32, #tpu.memory_space<hbm>>) target(%arg13 : memref<64x128xf32, #tpu.memory_space<vmem>>) offsets(%dma_start3A_191 : memref<64xi32, #tpu.memory_space<vmem>>) semaphore(%arg18 : memref<!tpu.dma_semaphore, #tpu.memory_space<semaphore_mem>>)
      } else {
      }
      %add3A_142 = arith.constant 2 : i32
      %add3A_143 = arith.addi %mul3A_104, %add3A_142 : i32
      %dma_wait3A_144 = arith.constant 0 : i32
      %dma_wait3A_145 = tpu.memref_slice %arg4[%dma_wait3A_144] : memref<320000xi32, #tpu.memory_space<hbm>> -> memref<64xi32, #tpu.memory_space<hbm>>
      %dma_wait3A_146 = arith.constant 0 : i32
      %dma_wait3A_147 = tpu.memref_slice %arg4[%dma_wait3A_146] : memref<320000xi32, #tpu.memory_space<hbm>> -> memref<64xi32, #tpu.memory_space<hbm>>
      tpu.wait_dma2 semaphore(%arg23 : memref<!tpu.dma_semaphore, #tpu.memory_space<semaphore_mem>>) src(%dma_wait3A_147 : memref<64xi32, #tpu.memory_space<hbm>>) dst(%arg9 : memref<64xi32, #tpu.memory_space<vmem>>)
      %dma_wait3A_148 = arith.constant 0 : i32
      %dma_wait3A_149 = arith.constant 0 : i32
      %dma_wait3A_150 = tpu.memref_slice %arg2[%dma_wait3A_148, %dma_wait3A_149] : memref<10000x128xf32, #tpu.memory_space<hbm>> -> memref<64x128xf32, #tpu.memory_space<hbm>>
      %dma_wait3A_151 = arith.constant 0 : i32
      %dma_wait3A_152 = arith.constant 0 : i32
      %dma_wait3A_153 = tpu.memref_slice %arg2[%dma_wait3A_151, %dma_wait3A_152] : memref<10000x128xf32, #tpu.memory_space<hbm>> -> memref<64x128xf32, #tpu.memory_space<hbm>>
      tpu.wait_dma2 semaphore(%arg19 : memref<!tpu.dma_semaphore, #tpu.memory_space<semaphore_mem>>) src(%dma_wait3A_153 : memref<64x128xf32, #tpu.memory_space<hbm>>) dst(%arg14 : memref<64x128xf32, #tpu.memory_space<vmem>>)
      "tpu.region"() ({
        %run_scoped3A = tpu.sem_alloc : memref<!tpu.dma_semaphore, #tpu.memory_space<semaphore_mem>>
        %dma_start3A_180 = arith.constant 0 : i32
        %dma_start3A_181 = arith.constant 0 : i32
        %dma_start3A_182 = tpu.memref_slice %arg16[%dma_start3A_180, %dma_start3A_181] : memref<10000x128xf32, #tpu.memory_space<vmem_shared>> -> memref<10000x128xf32, #tpu.memory_space<vmem_shared>>
        tpu.enqueue_indirect_dma source(%arg14 : memref<64x128xf32, #tpu.memory_space<vmem>>) target(%dma_start3A_182 : memref<10000x128xf32, #tpu.memory_space<vmem_shared>>) offsets(%arg9 : memref<64xi32, #tpu.memory_space<vmem>>) semaphore(%run_scoped3A : memref<!tpu.dma_semaphore, #tpu.memory_space<semaphore_mem>>) {add = true}
        %dma_wait3A_183 = arith.constant 0 : i32
        %dma_wait3A_184 = arith.constant 0 : i32
        %dma_wait3A_185 = tpu.memref_slice %arg16[%dma_wait3A_183, %dma_wait3A_184] : memref<10000x128xf32, #tpu.memory_space<vmem_shared>> -> memref<10000x128xf32, #tpu.memory_space<vmem_shared>>
        tpu.wait_indirect_dma semaphore(%run_scoped3A : memref<!tpu.dma_semaphore, #tpu.memory_space<semaphore_mem>>) src(%arg14 : memref<64x128xf32, #tpu.memory_space<vmem>>) dst(%dma_wait3A_185 : memref<10000x128xf32, #tpu.memory_space<vmem_shared>>)
        tpu.yield
      }) : () -> ()
      %add3A_154 = arith.constant 4 : i32
      %add3A_155 = arith.addi %add3A_143, %add3A_154 : i32
      %lt3A_156 = arith.constant 156 : i32
      %lt3A_157 = arith.cmpi slt, %add3A_155, %lt3A_156 : i32
      %convert_element_type3A_158 = arith.extui %lt3A_157 : i1 to i32
      %cond3A_159 = arith.constant 0 : i32
      %cond3A_160 = arith.cmpi ne, %convert_element_type3A_158, %cond3A_159 : i32
      scf.if %cond3A_160 {
        %add3A_180 = arith.constant 4 : i32
        %add3A_181 = arith.addi %add3A_143, %add3A_180 : i32
        %mul3A_182 = arith.constant 10000 : i32
        %mul3A_183 = arith.muli %add3A, %mul3A_182 : i32
        %mul3A_184 = arith.constant 64 : i32
        %mul3A_185 = arith.muli %add3A_181, %mul3A_184 : i32
        %add3A_186 = arith.addi %mul3A_183, %mul3A_185 : i32
        %dma_start3A_187 = tpu.memref_slice %arg4[%add3A_186] : memref<320000xi32, #tpu.memory_space<hbm>> -> memref<64xi32, #tpu.memory_space<hbm>>
        %dma_start3A_188 = tpu.memref_slice %arg4[%add3A_186] : memref<320000xi32, #tpu.memory_space<hbm>> -> memref<64xi32, #tpu.memory_space<hbm>>
        tpu.enqueue_dma source(%dma_start3A_188 : memref<64xi32, #tpu.memory_space<hbm>>) target(%arg9 : memref<64xi32, #tpu.memory_space<vmem>>) target_semaphore(%arg23 : memref<!tpu.dma_semaphore, #tpu.memory_space<semaphore_mem>>)
        %mul3A_189 = arith.constant 64 : i32
        %mul3A_190 = arith.muli %add3A_181, %mul3A_189 : i32
        %dma_start3A_191 = tpu.memref_slice %arg6[%mul3A_190] : memref<10000xi32, #tpu.memory_space<vmem>> -> memref<64xi32, #tpu.memory_space<vmem>>
        %dma_start3A_192 = arith.constant 0 : i32
        %dma_start3A_193 = arith.constant 0 : i32
        %dma_start3A_194 = tpu.memref_slice %arg2[%dma_start3A_192, %dma_start3A_193] : memref<10000x128xf32, #tpu.memory_space<hbm>> -> memref<10000x128xf32, #tpu.memory_space<hbm>>
        tpu.enqueue_indirect_dma source(%dma_start3A_194 : memref<10000x128xf32, #tpu.memory_space<hbm>>) target(%arg14 : memref<64x128xf32, #tpu.memory_space<vmem>>) offsets(%dma_start3A_191 : memref<64xi32, #tpu.memory_space<vmem>>) semaphore(%arg19 : memref<!tpu.dma_semaphore, #tpu.memory_space<semaphore_mem>>)
      } else {
      }
      %add3A_161 = arith.constant 3 : i32
      %add3A_162 = arith.addi %mul3A_104, %add3A_161 : i32
      %dma_wait3A_163 = arith.constant 0 : i32
      %dma_wait3A_164 = tpu.memref_slice %arg4[%dma_wait3A_163] : memref<320000xi32, #tpu.memory_space<hbm>> -> memref<64xi32, #tpu.memory_space<hbm>>
      %dma_wait3A_165 = arith.constant 0 : i32
      %dma_wait3A_166 = tpu.memref_slice %arg4[%dma_wait3A_165] : memref<320000xi32, #tpu.memory_space<hbm>> -> memref<64xi32, #tpu.memory_space<hbm>>
      tpu.wait_dma2 semaphore(%arg24 : memref<!tpu.dma_semaphore, #tpu.memory_space<semaphore_mem>>) src(%dma_wait3A_166 : memref<64xi32, #tpu.memory_space<hbm>>) dst(%arg10 : memref<64xi32, #tpu.memory_space<vmem>>)
      %dma_wait3A_167 = arith.constant 0 : i32
      %dma_wait3A_168 = arith.constant 0 : i32
      %dma_wait3A_169 = tpu.memref_slice %arg2[%dma_wait3A_167, %dma_wait3A_168] : memref<10000x128xf32, #tpu.memory_space<hbm>> -> memref<64x128xf32, #tpu.memory_space<hbm>>
      %dma_wait3A_170 = arith.constant 0 : i32
      %dma_wait3A_171 = arith.constant 0 : i32
      %dma_wait3A_172 = tpu.memref_slice %arg2[%dma_wait3A_170, %dma_wait3A_171] : memref<10000x128xf32, #tpu.memory_space<hbm>> -> memref<64x128xf32, #tpu.memory_space<hbm>>
      tpu.wait_dma2 semaphore(%arg20 : memref<!tpu.dma_semaphore, #tpu.memory_space<semaphore_mem>>) src(%dma_wait3A_172 : memref<64x128xf32, #tpu.memory_space<hbm>>) dst(%arg15 : memref<64x128xf32, #tpu.memory_space<vmem>>)
      "tpu.region"() ({
        %run_scoped3A = tpu.sem_alloc : memref<!tpu.dma_semaphore, #tpu.memory_space<semaphore_mem>>
        %dma_start3A_180 = arith.constant 0 : i32
        %dma_start3A_181 = arith.constant 0 : i32
        %dma_start3A_182 = tpu.memref_slice %arg16[%dma_start3A_180, %dma_start3A_181] : memref<10000x128xf32, #tpu.memory_space<vmem_shared>> -> memref<10000x128xf32, #tpu.memory_space<vmem_shared>>
        tpu.enqueue_indirect_dma source(%arg15 : memref<64x128xf32, #tpu.memory_space<vmem>>) target(%dma_start3A_182 : memref<10000x128xf32, #tpu.memory_space<vmem_shared>>) offsets(%arg10 : memref<64xi32, #tpu.memory_space<vmem>>) semaphore(%run_scoped3A : memref<!tpu.dma_semaphore, #tpu.memory_space<semaphore_mem>>) {add = true}
        %dma_wait3A_183 = arith.constant 0 : i32
        %dma_wait3A_184 = arith.constant 0 : i32
        %dma_wait3A_185 = tpu.memref_slice %arg16[%dma_wait3A_183, %dma_wait3A_184] : memref<10000x128xf32, #tpu.memory_space<vmem_shared>> -> memref<10000x128xf32, #tpu.memory_space<vmem_shared>>
        tpu.wait_indirect_dma semaphore(%run_scoped3A : memref<!tpu.dma_semaphore, #tpu.memory_space<semaphore_mem>>) src(%arg15 : memref<64x128xf32, #tpu.memory_space<vmem>>) dst(%dma_wait3A_185 : memref<10000x128xf32, #tpu.memory_space<vmem_shared>>)
        tpu.yield
      }) : () -> ()
      %add3A_173 = arith.constant 4 : i32
      %add3A_174 = arith.addi %add3A_162, %add3A_173 : i32
      %lt3A_175 = arith.constant 156 : i32
      %lt3A_176 = arith.cmpi slt, %add3A_174, %lt3A_175 : i32
      %convert_element_type3A_177 = arith.extui %lt3A_176 : i1 to i32
      %cond3A_178 = arith.constant 0 : i32
      %cond3A_179 = arith.cmpi ne, %convert_element_type3A_177, %cond3A_178 : i32
      scf.if %cond3A_179 {
        %add3A_180 = arith.constant 4 : i32
        %add3A_181 = arith.addi %add3A_162, %add3A_180 : i32
        %mul3A_182 = arith.constant 10000 : i32
        %mul3A_183 = arith.muli %add3A, %mul3A_182 : i32
        %mul3A_184 = arith.constant 64 : i32
        %mul3A_185 = arith.muli %add3A_181, %mul3A_184 : i32
        %add3A_186 = arith.addi %mul3A_183, %mul3A_185 : i32
        %dma_start3A_187 = tpu.memref_slice %arg4[%add3A_186] : memref<320000xi32, #tpu.memory_space<hbm>> -> memref<64xi32, #tpu.memory_space<hbm>>
        %dma_start3A_188 = tpu.memref_slice %arg4[%add3A_186] : memref<320000xi32, #tpu.memory_space<hbm>> -> memref<64xi32, #tpu.memory_space<hbm>>
        tpu.enqueue_dma source(%dma_start3A_188 : memref<64xi32, #tpu.memory_space<hbm>>) target(%arg10 : memref<64xi32, #tpu.memory_space<vmem>>) target_semaphore(%arg24 : memref<!tpu.dma_semaphore, #tpu.memory_space<semaphore_mem>>)
        %mul3A_189 = arith.constant 64 : i32
        %mul3A_190 = arith.muli %add3A_181, %mul3A_189 : i32
        %dma_start3A_191 = tpu.memref_slice %arg6[%mul3A_190] : memref<10000xi32, #tpu.memory_space<vmem>> -> memref<64xi32, #tpu.memory_space<vmem>>
        %dma_start3A_192 = arith.constant 0 : i32
        %dma_start3A_193 = arith.constant 0 : i32
        %dma_start3A_194 = tpu.memref_slice %arg2[%dma_start3A_192, %dma_start3A_193] : memref<10000x128xf32, #tpu.memory_space<hbm>> -> memref<10000x128xf32, #tpu.memory_space<hbm>>
        tpu.enqueue_indirect_dma source(%dma_start3A_194 : memref<10000x128xf32, #tpu.memory_space<hbm>>) target(%arg15 : memref<64x128xf32, #tpu.memory_space<vmem>>) offsets(%dma_start3A_191 : memref<64xi32, #tpu.memory_space<vmem>>) semaphore(%arg20 : memref<!tpu.dma_semaphore, #tpu.memory_space<semaphore_mem>>)
      } else {
      }
    }
    %scan3A_65 = arith.constant 39 : i32
    %mul3A_66 = arith.constant 10000 : i32
    %mul3A_67 = arith.muli %add3A, %mul3A_66 : i32
    %add3A_68 = arith.constant 9984 : i32
    %add3A_69 = arith.addi %mul3A_67, %add3A_68 : i32
    "tpu.region"() ({
      %run_scoped3A = tpu.sem_alloc : memref<!tpu.dma_semaphore, #tpu.memory_space<semaphore_mem>>
      %dma_start3A_102 = tpu.memref_slice %arg4[%add3A_69] : memref<320000xi32, #tpu.memory_space<hbm>> -> memref<16xi32, #tpu.memory_space<hbm>>
      %dma_start3A_103 = tpu.memref_slice %arg4[%add3A_69] : memref<320000xi32, #tpu.memory_space<hbm>> -> memref<16xi32, #tpu.memory_space<hbm>>
      tpu.enqueue_dma source(%dma_start3A_103 : memref<16xi32, #tpu.memory_space<hbm>>) target(%arg11 : memref<16xi32, #tpu.memory_space<vmem>>) target_semaphore(%run_scoped3A : memref<!tpu.dma_semaphore, #tpu.memory_space<semaphore_mem>>)
      %dma_wait3A_104 = tpu.memref_slice %arg4[%add3A_69] : memref<320000xi32, #tpu.memory_space<hbm>> -> memref<16xi32, #tpu.memory_space<hbm>>
      %dma_wait3A_105 = tpu.memref_slice %arg4[%add3A_69] : memref<320000xi32, #tpu.memory_space<hbm>> -> memref<16xi32, #tpu.memory_space<hbm>>
      tpu.wait_dma2 semaphore(%run_scoped3A : memref<!tpu.dma_semaphore, #tpu.memory_space<semaphore_mem>>) src(%dma_wait3A_105 : memref<16xi32, #tpu.memory_space<hbm>>) dst(%arg11 : memref<16xi32, #tpu.memory_space<vmem>>)
      tpu.yield
    }) : () -> ()
    %dma_start3A_70 = arith.constant 0 : i32
    %dma_start3A_71 = arith.constant 0 : i32
    %dma_start3A_72 = tpu.memref_slice %arg12[%dma_start3A_70, %dma_start3A_71] : memref<64x128xf32, #tpu.memory_space<vmem>> -> memref<16x128xf32, #tpu.memory_space<vmem>>
    %dma_start3A_73 = arith.constant 9984 : i32
    %dma_start3A_74 = tpu.memref_slice %arg6[%dma_start3A_73] : memref<10000xi32, #tpu.memory_space<vmem>> -> memref<16xi32, #tpu.memory_space<vmem>>
    %dma_start3A_75 = arith.constant 0 : i32
    %dma_start3A_76 = arith.constant 0 : i32
    %dma_start3A_77 = tpu.memref_slice %arg2[%dma_start3A_75, %dma_start3A_76] : memref<10000x128xf32, #tpu.memory_space<hbm>> -> memref<10000x128xf32, #tpu.memory_space<hbm>>
    tpu.enqueue_indirect_dma source(%dma_start3A_77 : memref<10000x128xf32, #tpu.memory_space<hbm>>) target(%dma_start3A_72 : memref<16x128xf32, #tpu.memory_space<vmem>>) offsets(%dma_start3A_74 : memref<16xi32, #tpu.memory_space<vmem>>) semaphore(%arg17 : memref<!tpu.dma_semaphore, #tpu.memory_space<semaphore_mem>>)
    %dma_wait3A = arith.constant 0 : i32
    %dma_wait3A_78 = arith.constant 0 : i32
    %dma_wait3A_79 = tpu.memref_slice %arg12[%dma_wait3A, %dma_wait3A_78] : memref<64x128xf32, #tpu.memory_space<vmem>> -> memref<16x128xf32, #tpu.memory_space<vmem>>
    %dma_wait3A_80 = arith.constant 0 : i32
    %dma_wait3A_81 = arith.constant 0 : i32
    %dma_wait3A_82 = tpu.memref_slice %arg2[%dma_wait3A_80, %dma_wait3A_81] : memref<10000x128xf32, #tpu.memory_space<hbm>> -> memref<16x128xf32, #tpu.memory_space<hbm>>
    %dma_wait3A_83 = arith.constant 0 : i32
    %dma_wait3A_84 = arith.constant 0 : i32
    %dma_wait3A_85 = tpu.memref_slice %arg12[%dma_wait3A_83, %dma_wait3A_84] : memref<64x128xf32, #tpu.memory_space<vmem>> -> memref<16x128xf32, #tpu.memory_space<vmem>>
    %dma_wait3A_86 = arith.constant 0 : i32
    %dma_wait3A_87 = arith.constant 0 : i32
    %dma_wait3A_88 = tpu.memref_slice %arg2[%dma_wait3A_86, %dma_wait3A_87] : memref<10000x128xf32, #tpu.memory_space<hbm>> -> memref<16x128xf32, #tpu.memory_space<hbm>>
    tpu.wait_dma2 semaphore(%arg17 : memref<!tpu.dma_semaphore, #tpu.memory_space<semaphore_mem>>) src(%dma_wait3A_88 : memref<16x128xf32, #tpu.memory_space<hbm>>) dst(%dma_wait3A_85 : memref<16x128xf32, #tpu.memory_space<vmem>>)
    "tpu.region"() ({
      %run_scoped3A = tpu.sem_alloc : memref<!tpu.dma_semaphore, #tpu.memory_space<semaphore_mem>>
      %dma_start3A_102 = arith.constant 0 : i32
      %dma_start3A_103 = arith.constant 0 : i32
      %dma_start3A_104 = tpu.memref_slice %arg12[%dma_start3A_102, %dma_start3A_103] : memref<64x128xf32, #tpu.memory_space<vmem>> -> memref<16x128xf32, #tpu.memory_space<vmem>>
      %dma_start3A_105 = arith.constant 0 : i32
      %dma_start3A_106 = arith.constant 0 : i32
      %dma_start3A_107 = tpu.memref_slice %arg16[%dma_start3A_105, %dma_start3A_106] : memref<10000x128xf32, #tpu.memory_space<vmem_shared>> -> memref<10000x128xf32, #tpu.memory_space<vmem_shared>>
      tpu.enqueue_indirect_dma source(%dma_start3A_104 : memref<16x128xf32, #tpu.memory_space<vmem>>) target(%dma_start3A_107 : memref<10000x128xf32, #tpu.memory_space<vmem_shared>>) offsets(%arg11 : memref<16xi32, #tpu.memory_space<vmem>>) semaphore(%run_scoped3A : memref<!tpu.dma_semaphore, #tpu.memory_space<semaphore_mem>>) {add = true}
      %dma_wait3A_108 = arith.constant 0 : i32
      %dma_wait3A_109 = arith.constant 0 : i32
      %dma_wait3A_110 = tpu.memref_slice %arg12[%dma_wait3A_108, %dma_wait3A_109] : memref<64x128xf32, #tpu.memory_space<vmem>> -> memref<16x128xf32, #tpu.memory_space<vmem>>
      %dma_wait3A_111 = arith.constant 0 : i32
      %dma_wait3A_112 = arith.constant 0 : i32
      %dma_wait3A_113 = tpu.memref_slice %arg16[%dma_wait3A_111, %dma_wait3A_112] : memref<10000x128xf32, #tpu.memory_space<vmem_shared>> -> memref<10000x128xf32, #tpu.memory_space<vmem_shared>>
      tpu.wait_indirect_dma semaphore(%run_scoped3A : memref<!tpu.dma_semaphore, #tpu.memory_space<semaphore_mem>>) src(%dma_wait3A_110 : memref<16x128xf32, #tpu.memory_space<vmem>>) dst(%dma_wait3A_113 : memref<10000x128xf32, #tpu.memory_space<vmem_shared>>)
      tpu.yield
    }) : () -> ()
    %barrier3A_89 = arith.constant 0 : index
    tpu.barrier barrier_id(%barrier3A_89)
    %mul3A_90 = arith.constant 624 : i32
    %mul3A_91 = arith.muli %arg1, %mul3A_90 : i32
    %mul3A_92 = arith.constant 10000 : i32
    %mul3A_93 = arith.muli %arg0, %mul3A_92 : i32
    %mul3A_94 = arith.constant 624 : i32
    %mul3A_95 = arith.muli %arg1, %mul3A_94 : i32
    %add3A_96 = arith.addi %mul3A_93, %mul3A_95 : i32
    "tpu.region"() ({
      %run_scoped3A = tpu.sem_alloc : memref<!tpu.dma_semaphore, #tpu.memory_space<semaphore_mem>>
      %dma_start3A_102 = arith.constant 0 : i32
      %dma_start3A_103 = tpu.memref_slice %arg5[%add3A_96, %dma_start3A_102] : memref<20000x128xf32, #tpu.memory_space<hbm>> -> memref<624x128xf32, #tpu.memory_space<hbm>>
      %dma_start3A_104 = arith.constant 0 : i32
      %dma_start3A_105 = tpu.memref_slice %arg16[%mul3A_91, %dma_start3A_104] : memref<10000x128xf32, #tpu.memory_space<vmem_shared>> -> memref<624x128xf32, #tpu.memory_space<vmem_shared>>
      tpu.enqueue_dma source(%dma_start3A_105 : memref<624x128xf32, #tpu.memory_space<vmem_shared>>) target(%dma_start3A_103 : memref<624x128xf32, #tpu.memory_space<hbm>>) target_semaphore(%run_scoped3A : memref<!tpu.dma_semaphore, #tpu.memory_space<semaphore_mem>>)
      %dma_wait3A_106 = arith.constant 0 : i32
      %dma_wait3A_107 = tpu.memref_slice %arg5[%add3A_96, %dma_wait3A_106] : memref<20000x128xf32, #tpu.memory_space<hbm>> -> memref<624x128xf32, #tpu.memory_space<hbm>>
      %dma_wait3A_108 = arith.constant 0 : i32
      %dma_wait3A_109 = tpu.memref_slice %arg16[%mul3A_91, %dma_wait3A_108] : memref<10000x128xf32, #tpu.memory_space<vmem_shared>> -> memref<624x128xf32, #tpu.memory_space<vmem_shared>>
      tpu.wait_dma2 semaphore(%run_scoped3A : memref<!tpu.dma_semaphore, #tpu.memory_space<semaphore_mem>>) src(%dma_wait3A_109 : memref<624x128xf32, #tpu.memory_space<vmem_shared>>) dst(%dma_wait3A_107 : memref<624x128xf32, #tpu.memory_space<hbm>>)
      tpu.yield
    }) : () -> ()
    %eq3A_97 = arith.constant 15 : i32
    %eq3A_98 = arith.cmpi eq, %arg1, %eq3A_97 : i32
    %convert_element_type3A_99 = arith.extui %eq3A_98 : i1 to i32
    %cond3A_100 = arith.constant 0 : i32
    %cond3A_101 = arith.cmpi ne, %convert_element_type3A_99, %cond3A_100 : i32
    scf.if %cond3A_101 {
      %mul3A_102 = arith.constant 10000 : i32
      %mul3A_103 = arith.muli %arg0, %mul3A_102 : i32
      %add3A_104 = arith.constant 9984 : i32
      %add3A_105 = arith.addi %mul3A_103, %add3A_104 : i32
      "tpu.region"() ({
        %run_scoped3A = tpu.sem_alloc : memref<!tpu.dma_semaphore, #tpu.memory_space<semaphore_mem>>
        %dma_start3A_106 = arith.constant 0 : i32
        %dma_start3A_107 = tpu.memref_slice %arg5[%add3A_105, %dma_start3A_106] : memref<20000x128xf32, #tpu.memory_space<hbm>> -> memref<16x128xf32, #tpu.memory_space<hbm>>
        %dma_start3A_108 = arith.constant 9984 : i32
        %dma_start3A_109 = arith.constant 0 : i32
        %dma_start3A_110 = tpu.memref_slice %arg16[%dma_start3A_108, %dma_start3A_109] : memref<10000x128xf32, #tpu.memory_space<vmem_shared>> -> memref<16x128xf32, #tpu.memory_space<vmem_shared>>
        tpu.enqueue_dma source(%dma_start3A_110 : memref<16x128xf32, #tpu.memory_space<vmem_shared>>) target(%dma_start3A_107 : memref<16x128xf32, #tpu.memory_space<hbm>>) target_semaphore(%run_scoped3A : memref<!tpu.dma_semaphore, #tpu.memory_space<semaphore_mem>>)
        %dma_wait3A_111 = arith.constant 0 : i32
        %dma_wait3A_112 = tpu.memref_slice %arg5[%add3A_105, %dma_wait3A_111] : memref<20000x128xf32, #tpu.memory_space<hbm>> -> memref<16x128xf32, #tpu.memory_space<hbm>>
        %dma_wait3A_113 = arith.constant 9984 : i32
        %dma_wait3A_114 = arith.constant 0 : i32
        %dma_wait3A_115 = tpu.memref_slice %arg16[%dma_wait3A_113, %dma_wait3A_114] : memref<10000x128xf32, #tpu.memory_space<vmem_shared>> -> memref<16x128xf32, #tpu.memory_space<vmem_shared>>
        tpu.wait_dma2 semaphore(%run_scoped3A : memref<!tpu.dma_semaphore, #tpu.memory_space<semaphore_mem>>) src(%dma_wait3A_115 : memref<16x128xf32, #tpu.memory_space<vmem_shared>>) dst(%dma_wait3A_112 : memref<16x128xf32, #tpu.memory_space<hbm>>)
        tpu.yield
      }) : () -> ()
    } else {
    }
    return
  }
}

#map = affine_map<(d0, d1) -> (0, 0)>
#map1 = affine_map<(d0, d1) -> (0)>
module attributes {stable_mosaic.version = 14 : i64} {
  func.func @_sc_scatter_kernel(%arg0: i32, %arg1: i32, %arg2: memref<10000x128xf32, #tpu.memory_space<hbm>>, %arg3: memref<320000xi32, #tpu.memory_space<hbm>>, %arg4: memref<320000xi32, #tpu.memory_space<hbm>>, %arg5: memref<20000x128xf32, #tpu.memory_space<hbm>>, %arg6: memref<10000xi32, #tpu.memory_space<vmem>>, %arg7: memref<64xi32, #tpu.memory_space<vmem>>, %arg8: memref<64xi32, #tpu.memory_space<vmem>>, %arg9: memref<64xi32, #tpu.memory_space<vmem>>, %arg10: memref<64xi32, #tpu.memory_space<vmem>>, %arg11: memref<16xi32, #tpu.memory_space<vmem>>, %arg12: memref<64x128xf32, #tpu.memory_space<vmem>>, %arg13: memref<64x128xf32, #tpu.memory_space<vmem>>, %arg14: memref<64x128xf32, #tpu.memory_space<vmem>>, %arg15: memref<64x128xf32, #tpu.memory_space<vmem>>, %arg16: memref<10000x128xf32, #tpu.memory_space<vmem_shared>>, %arg17: memref<!tpu.dma_semaphore, #tpu.memory_space<semaphore_mem>>, %arg18: memref<!tpu.dma_semaphore, #tpu.memory_space<semaphore_mem>>, %arg19: memref<!tpu.dma_semaphore, #tpu.memory_space<semaphore_mem>>, %arg20: memref<!tpu.dma_semaphore, #tpu.memory_space<semaphore_mem>>, %arg21: memref<!tpu.dma_semaphore, #tpu.memory_space<semaphore_mem>>, %arg22: memref<!tpu.dma_semaphore, #tpu.memory_space<semaphore_mem>>, %arg23: memref<!tpu.dma_semaphore, #tpu.memory_space<semaphore_mem>>, %arg24: memref<!tpu.dma_semaphore, #tpu.memory_space<semaphore_mem>>) attributes {dimension_semantics = [#tpu.dimension_semantics<core_parallel>, #tpu.dimension_semantics<subcore_parallel>], iteration_bounds = array<i64: 2, 16>, scalar_prefetch = 0 : i64, scratch_operands = 19 : i64, tpu.core_type = #tpu.core_type<sc_vector_subcore>, window_params = [{transform_indices = #map}, {transform_indices = #map1}, {transform_indices = #map1}, {transform_indices = #map}]} {
    %mul3A = arith.constant 16 : i32
    %mul3A_0 = arith.muli %arg0, %mul3A : i32
    %add3A = arith.addi %mul3A_0, %arg1 : i32
    %broadcast_in_dim3A = arith.constant 0.000000e+00 : f32
    %broadcast_in_dim3A_1 = vector.broadcast %broadcast_in_dim3A : f32 to vector<16xf32>
    %scan3A = arith.constant 0 : i32
    %scan3A_2 = arith.constant 0 : i32
    %scan3A_3 = arith.constant 16 : i32
    %scan3A_4 = arith.addi %scan3A_2, %scan3A_3 : i32
    %scan3A_5 = arith.constant 1 : i32
    scf.for %scan3A_102 = %scan3A_2 to %scan3A_4 step %scan3A_5  : i32 {
      %swap3A = arith.index_cast %scan3A_102 : i32 to index
      %swap3A_103 = arith.constant 0 : index
      %swap3A_104 = tpu.vector_load %arg12[%swap3A, %swap3A_103] {strides = array<i32>} : memref<64x128xf32, #tpu.memory_space<vmem>>, vector<1x16xf32>,
      %swap3A_105 = vector.shape_cast %swap3A_104 : vector<1x16xf32> to vector<16xf32>
      %swap3A_106 = vector.shape_cast %broadcast_in_dim3A_1 : vector<16xf32> to vector<1x16xf32>
      tpu.vector_store %arg12[%swap3A, %swap3A_103], %swap3A_106 {strides = array<i32>} : memref<64x128xf32, #tpu.memory_space<vmem>>, vector<1x16xf32>,
      %swap3A_107 = arith.index_cast %scan3A_102 : i32 to index
      %swap3A_108 = arith.constant 16 : index
      %swap3A_109 = tpu.vector_load %arg12[%swap3A_107, %swap3A_108] {strides = array<i32>} : memref<64x128xf32, #tpu.memory_space<vmem>>, vector<1x16xf32>,
      %swap3A_110 = vector.shape_cast %swap3A_109 : vector<1x16xf32> to vector<16xf32>
      %swap3A_111 = vector.shape_cast %broadcast_in_dim3A_1 : vector<16xf32> to vector<1x16xf32>
      tpu.vector_store %arg12[%swap3A_107, %swap3A_108], %swap3A_111 {strides = array<i32>} : memref<64x128xf32, #tpu.memory_space<vmem>>, vector<1x16xf32>,
      %swap3A_112 = arith.index_cast %scan3A_102 : i32 to index
      %swap3A_113 = arith.constant 32 : index
      %swap3A_114 = tpu.vector_load %arg12[%swap3A_112, %swap3A_113] {strides = array<i32>} : memref<64x128xf32, #tpu.memory_space<vmem>>, vector<1x16xf32>,
      %swap3A_115 = vector.shape_cast %swap3A_114 : vector<1x16xf32> to vector<16xf32>
      %swap3A_116 = vector.shape_cast %broadcast_in_dim3A_1 : vector<16xf32> to vector<1x16xf32>
      tpu.vector_store %arg12[%swap3A_112, %swap3A_113], %swap3A_116 {strides = array<i32>} : memref<64x128xf32, #tpu.memory_space<vmem>>, vector<1x16xf32>,
      %swap3A_117 = arith.index_cast %scan3A_102 : i32 to index
      %swap3A_118 = arith.constant 48 : index
      %swap3A_119 = tpu.vector_load %arg12[%swap3A_117, %swap3A_118] {strides = array<i32>} : memref<64x128xf32, #tpu.memory_space<vmem>>, vector<1x16xf32>,
      %swap3A_120 = vector.shape_cast %swap3A_119 : vector<1x16xf32> to vector<16xf32>
      %swap3A_121 = vector.shape_cast %broadcast_in_dim3A_1 : vector<16xf32> to vector<1x16xf32>
      tpu.vector_store %arg12[%swap3A_117, %swap3A_118], %swap3A_121 {strides = array<i32>} : memref<64x128xf32, #tpu.memory_space<vmem>>, vector<1x16xf32>,
      %swap3A_122 = arith.index_cast %scan3A_102 : i32 to index
      %swap3A_123 = arith.constant 64 : index
      %swap3A_124 = tpu.vector_load %arg12[%swap3A_122, %swap3A_123] {strides = array<i32>} : memref<64x128xf32, #tpu.memory_space<vmem>>, vector<1x16xf32>,
      %swap3A_125 = vector.shape_cast %swap3A_124 : vector<1x16xf32> to vector<16xf32>
      %swap3A_126 = vector.shape_cast %broadcast_in_dim3A_1 : vector<16xf32> to vector<1x16xf32>
      tpu.vector_store %arg12[%swap3A_122, %swap3A_123], %swap3A_126 {strides = array<i32>} : memref<64x128xf32, #tpu.memory_space<vmem>>, vector<1x16xf32>,
      %swap3A_127 = arith.index_cast %scan3A_102 : i32 to index
      %swap3A_128 = arith.constant 80 : index
      %swap3A_129 = tpu.vector_load %arg12[%swap3A_127, %swap3A_128] {strides = array<i32>} : memref<64x128xf32, #tpu.memory_space<vmem>>, vector<1x16xf32>,
      %swap3A_130 = vector.shape_cast %swap3A_129 : vector<1x16xf32> to vector<16xf32>
      %swap3A_131 = vector.shape_cast %broadcast_in_dim3A_1 : vector<16xf32> to vector<1x16xf32>
      tpu.vector_store %arg12[%swap3A_127, %swap3A_128], %swap3A_131 {strides = array<i32>} : memref<64x128xf32, #tpu.memory_space<vmem>>, vector<1x16xf32>,
      %swap3A_132 = arith.index_cast %scan3A_102 : i32 to index
      %swap3A_133 = arith.constant 96 : index
      %swap3A_134 = tpu.vector_load %arg12[%swap3A_132, %swap3A_133] {strides = array<i32>} : memref<64x128xf32, #tpu.memory_space<vmem>>, vector<1x16xf32>,
      %swap3A_135 = vector.shape_cast %swap3A_134 : vector<1x16xf32> to vector<16xf32>
      %swap3A_136 = vector.shape_cast %broadcast_in_dim3A_1 : vector<16xf32> to vector<1x16xf32>
      tpu.vector_store %arg12[%swap3A_132, %swap3A_133], %swap3A_136 {strides = array<i32>} : memref<64x128xf32, #tpu.memory_space<vmem>>, vector<1x16xf32>,
      %swap3A_137 = arith.index_cast %scan3A_102 : i32 to index
      %swap3A_138 = arith.constant 112 : index
      %swap3A_139 = tpu.vector_load %arg12[%swap3A_137, %swap3A_138] {strides = array<i32>} : memref<64x128xf32, #tpu.memory_space<vmem>>, vector<1x16xf32>,
      %swap3A_140 = vector.shape_cast %swap3A_139 : vector<1x16xf32> to vector<16xf32>
      %swap3A_141 = vector.shape_cast %broadcast_in_dim3A_1 : vector<16xf32> to vector<1x16xf32>
      tpu.vector_store %arg12[%swap3A_137, %swap3A_138], %swap3A_141 {strides = array<i32>} : memref<64x128xf32, #tpu.memory_space<vmem>>, vector<1x16xf32>,
    }
    %scan3A_6 = arith.constant 16 : i32
    %scan3A_7 = arith.constant 0 : i32
    %scan3A_8 = arith.constant 0 : i32
    %scan3A_9 = arith.constant 39 : i32
    %scan3A_10 = arith.addi %scan3A_8, %scan3A_9 : i32
    %scan3A_11 = arith.constant 1 : i32
    scf.for %scan3A_102 = %scan3A_8 to %scan3A_10 step %scan3A_11  : i32 {
      %mul3A_103 = arith.constant 624 : i32
      %mul3A_104 = arith.muli %arg1, %mul3A_103 : i32
      %mul3A_105 = arith.constant 16 : i32
      %mul3A_106 = arith.muli %scan3A_102, %mul3A_105 : i32
      %add3A_107 = arith.addi %mul3A_104, %mul3A_106 : i32
      "tpu.region"() ({
        %run_scoped3A = tpu.sem_alloc : memref<!tpu.dma_semaphore, #tpu.memory_space<semaphore_mem>>
        %dma_start3A_108 = arith.constant 0 : i32
        %dma_start3A_109 = arith.constant 0 : i32
        %dma_start3A_110 = tpu.memref_slice %arg12[%dma_start3A_108, %dma_start3A_109] : memref<64x128xf32, #tpu.memory_space<vmem>> -> memref<16x128xf32, #tpu.memory_space<vmem>>
        %dma_start3A_111 = arith.constant 0 : i32
        %dma_start3A_112 = tpu.memref_slice %arg16[%add3A_107, %dma_start3A_111] : memref<10000x128xf32, #tpu.memory_space<vmem_shared>> -> memref<16x128xf32, #tpu.memory_space<vmem_shared>>
        %dma_start3A_113 = arith.constant 0 : i32
        %dma_start3A_114 = tpu.memref_slice %arg16[%add3A_107, %dma_start3A_113] : memref<10000x128xf32, #tpu.memory_space<vmem_shared>> -> memref<16x128xf32, #tpu.memory_space<vmem_shared>>
        %dma_start3A_115 = arith.constant 0 : i32
        %dma_start3A_116 = arith.constant 0 : i32
        %dma_start3A_117 = tpu.memref_slice %arg12[%dma_start3A_115, %dma_start3A_116] : memref<64x128xf32, #tpu.memory_space<vmem>> -> memref<16x128xf32, #tpu.memory_space<vmem>>
        tpu.enqueue_dma source(%dma_start3A_117 : memref<16x128xf32, #tpu.memory_space<vmem>>) target(%dma_start3A_114 : memref<16x128xf32, #tpu.memory_space<vmem_shared>>) target_semaphore(%run_scoped3A : memref<!tpu.dma_semaphore, #tpu.memory_space<semaphore_mem>>)
        %dma_wait3A_118 = arith.constant 0 : i32
        %dma_wait3A_119 = arith.constant 0 : i32
        %dma_wait3A_120 = tpu.memref_slice %arg12[%dma_wait3A_118, %dma_wait3A_119] : memref<64x128xf32, #tpu.memory_space<vmem>> -> memref<16x128xf32, #tpu.memory_space<vmem>>
        %dma_wait3A_121 = arith.constant 0 : i32
        %dma_wait3A_122 = tpu.memref_slice %arg16[%add3A_107, %dma_wait3A_121] : memref<10000x128xf32, #tpu.memory_space<vmem_shared>> -> memref<16x128xf32, #tpu.memory_space<vmem_shared>>
        %dma_wait3A_123 = arith.constant 0 : i32
        %dma_wait3A_124 = tpu.memref_slice %arg16[%add3A_107, %dma_wait3A_123] : memref<10000x128xf32, #tpu.memory_space<vmem_shared>> -> memref<16x128xf32, #tpu.memory_space<vmem_shared>>
        %dma_wait3A_125 = arith.constant 0 : i32
        %dma_wait3A_126 = arith.constant 0 : i32
        %dma_wait3A_127 = tpu.memref_slice %arg12[%dma_wait3A_125, %dma_wait3A_126] : memref<64x128xf32, #tpu.memory_space<vmem>> -> memref<16x128xf32, #tpu.memory_space<vmem>>
        tpu.wait_dma2 semaphore(%run_scoped3A : memref<!tpu.dma_semaphore, #tpu.memory_space<semaphore_mem>>) src(%dma_wait3A_127 : memref<16x128xf32, #tpu.memory_space<vmem>>) dst(%dma_wait3A_124 : memref<16x128xf32, #tpu.memory_space<vmem_shared>>)
        tpu.yield
      }) : () -> ()
    }
    %scan3A_12 = arith.constant 39 : i32
    %eq3A = arith.constant 15 : i32
    %eq3A_13 = arith.cmpi eq, %arg1, %eq3A : i32
    %convert_element_type3A = arith.extui %eq3A_13 : i1 to i32
    %cond3A = arith.constant 0 : i32
    %cond3A_14 = arith.cmpi ne, %convert_element_type3A, %cond3A : i32
    scf.if %cond3A_14 {
      "tpu.region"() ({
        %run_scoped3A = tpu.sem_alloc : memref<!tpu.dma_semaphore, #tpu.memory_space<semaphore_mem>>
        %dma_start3A_102 = arith.constant 0 : i32
        %dma_start3A_103 = arith.constant 0 : i32
        %dma_start3A_104 = tpu.memref_slice %arg12[%dma_start3A_102, %dma_start3A_103] : memref<64x128xf32, #tpu.memory_space<vmem>> -> memref<16x128xf32, #tpu.memory_space<vmem>>
        %dma_start3A_105 = arith.constant 9984 : i32
        %dma_start3A_106 = arith.constant 0 : i32
        %dma_start3A_107 = tpu.memref_slice %arg16[%dma_start3A_105, %dma_start3A_106] : memref<10000x128xf32, #tpu.memory_space<vmem_shared>> -> memref<16x128xf32, #tpu.memory_space<vmem_shared>>
        %dma_start3A_108 = arith.constant 9984 : i32
        %dma_start3A_109 = arith.constant 0 : i32
        %dma_start3A_110 = tpu.memref_slice %arg16[%dma_start3A_108, %dma_start3A_109] : memref<10000x128xf32, #tpu.memory_space<vmem_shared>> -> memref<16x128xf32, #tpu.memory_space<vmem_shared>>
        %dma_start3A_111 = arith.constant 0 : i32
        %dma_start3A_112 = arith.constant 0 : i32
        %dma_start3A_113 = tpu.memref_slice %arg12[%dma_start3A_111, %dma_start3A_112] : memref<64x128xf32, #tpu.memory_space<vmem>> -> memref<16x128xf32, #tpu.memory_space<vmem>>
        tpu.enqueue_dma source(%dma_start3A_113 : memref<16x128xf32, #tpu.memory_space<vmem>>) target(%dma_start3A_110 : memref<16x128xf32, #tpu.memory_space<vmem_shared>>) target_semaphore(%run_scoped3A : memref<!tpu.dma_semaphore, #tpu.memory_space<semaphore_mem>>)
        %dma_wait3A_114 = arith.constant 0 : i32
        %dma_wait3A_115 = arith.constant 0 : i32
        %dma_wait3A_116 = tpu.memref_slice %arg12[%dma_wait3A_114, %dma_wait3A_115] : memref<64x128xf32, #tpu.memory_space<vmem>> -> memref<16x128xf32, #tpu.memory_space<vmem>>
        %dma_wait3A_117 = arith.constant 9984 : i32
        %dma_wait3A_118 = arith.constant 0 : i32
        %dma_wait3A_119 = tpu.memref_slice %arg16[%dma_wait3A_117, %dma_wait3A_118] : memref<10000x128xf32, #tpu.memory_space<vmem_shared>> -> memref<16x128xf32, #tpu.memory_space<vmem_shared>>
        %dma_wait3A_120 = arith.constant 9984 : i32
        %dma_wait3A_121 = arith.constant 0 : i32
        %dma_wait3A_122 = tpu.memref_slice %arg16[%dma_wait3A_120, %dma_wait3A_121] : memref<10000x128xf32, #tpu.memory_space<vmem_shared>> -> memref<16x128xf32, #tpu.memory_space<vmem_shared>>
        %dma_wait3A_123 = arith.constant 0 : i32
        %dma_wait3A_124 = arith.constant 0 : i32
        %dma_wait3A_125 = tpu.memref_slice %arg12[%dma_wait3A_123, %dma_wait3A_124] : memref<64x128xf32, #tpu.memory_space<vmem>> -> memref<16x128xf32, #tpu.memory_space<vmem>>
        tpu.wait_dma2 semaphore(%run_scoped3A : memref<!tpu.dma_semaphore, #tpu.memory_space<semaphore_mem>>) src(%dma_wait3A_125 : memref<16x128xf32, #tpu.memory_space<vmem>>) dst(%dma_wait3A_122 : memref<16x128xf32, #tpu.memory_space<vmem_shared>>)
        tpu.yield
      }) : () -> ()
    } else {
    }
    %barrier3A = arith.constant 0 : index
    tpu.barrier barrier_id(%barrier3A)
    %mul3A_15 = arith.constant 10000 : i32
    %mul3A_16 = arith.muli %add3A, %mul3A_15 : i32
    "tpu.region"() ({
      %run_scoped3A = tpu.sem_alloc : memref<!tpu.dma_semaphore, #tpu.memory_space<semaphore_mem>>
      %dma_start3A_102 = tpu.memref_slice %arg3[%mul3A_16] : memref<320000xi32, #tpu.memory_space<hbm>> -> memref<10000xi32, #tpu.memory_space<hbm>>
      %dma_start3A_103 = tpu.memref_slice %arg3[%mul3A_16] : memref<320000xi32, #tpu.memory_space<hbm>> -> memref<10000xi32, #tpu.memory_space<hbm>>
      tpu.enqueue_dma source(%dma_start3A_103 : memref<10000xi32, #tpu.memory_space<hbm>>) target(%arg6 : memref<10000xi32, #tpu.memory_space<vmem>>) target_semaphore(%run_scoped3A : memref<!tpu.dma_semaphore, #tpu.memory_space<semaphore_mem>>)
      %dma_wait3A_104 = tpu.memref_slice %arg3[%mul3A_16] : memref<320000xi32, #tpu.memory_space<hbm>> -> memref<10000xi32, #tpu.memory_space<hbm>>
      %dma_wait3A_105 = tpu.memref_slice %arg3[%mul3A_16] : memref<320000xi32, #tpu.memory_space<hbm>> -> memref<10000xi32, #tpu.memory_space<hbm>>
      tpu.wait_dma2 semaphore(%run_scoped3A : memref<!tpu.dma_semaphore, #tpu.memory_space<semaphore_mem>>) src(%dma_wait3A_105 : memref<10000xi32, #tpu.memory_space<hbm>>) dst(%arg6 : memref<10000xi32, #tpu.memory_space<vmem>>)
      tpu.yield
    }) : () -> ()
    %mul3A_17 = arith.constant 10000 : i32
    %mul3A_18 = arith.muli %add3A, %mul3A_17 : i32
    %add3A_19 = arith.constant 0 : i32
    %add3A_20 = arith.addi %mul3A_18, %add3A_19 : i32
    %dma_start3A = tpu.memref_slice %arg4[%add3A_20] : memref<320000xi32, #tpu.memory_space<hbm>> -> memref<64xi32, #tpu.memory_space<hbm>>
    %dma_start3A_21 = tpu.memref_slice %arg4[%add3A_20] : memref<320000xi32, #tpu.memory_space<hbm>> -> memref<64xi32, #tpu.memory_space<hbm>>
    tpu.enqueue_dma source(%dma_start3A_21 : memref<64xi32, #tpu.memory_space<hbm>>) target(%arg7 : memref<64xi32, #tpu.memory_space<vmem>>) target_semaphore(%arg21 : memref<!tpu.dma_semaphore, #tpu.memory_space<semaphore_mem>>)
    %dma_start3A_22 = arith.constant 0 : i32
    %dma_start3A_23 = tpu.memref_slice %arg6[%dma_start3A_22] : memref<10000xi32, #tpu.memory_space<vmem>> -> memref<64xi32, #tpu.memory_space<vmem>>
    %dma_start3A_24 = arith.constant 0 : i32
    %dma_start3A_25 = arith.constant 0 : i32
    %dma_start3A_26 = tpu.memref_slice %arg2[%dma_start3A_24, %dma_start3A_25] : memref<10000x128xf32, #tpu.memory_space<hbm>> -> memref<10000x128xf32, #tpu.memory_space<hbm>>
    tpu.enqueue_indirect_dma source(%dma_start3A_26 : memref<10000x128xf32, #tpu.memory_space<hbm>>) target(%arg12 : memref<64x128xf32, #tpu.memory_space<vmem>>) offsets(%dma_start3A_23 : memref<64xi32, #tpu.memory_space<vmem>>) semaphore(%arg17 : memref<!tpu.dma_semaphore, #tpu.memory_space<semaphore_mem>>)
    %mul3A_27 = arith.constant 10000 : i32
    %mul3A_28 = arith.muli %add3A, %mul3A_27 : i32
    %add3A_29 = arith.constant 64 : i32
    %add3A_30 = arith.addi %mul3A_28, %add3A_29 : i32
    %dma_start3A_31 = tpu.memref_slice %arg4[%add3A_30] : memref<320000xi32, #tpu.memory_space<hbm>> -> memref<64xi32, #tpu.memory_space<hbm>>
    %dma_start3A_32 = tpu.memref_slice %arg4[%add3A_30] : memref<320000xi32, #tpu.memory_space<hbm>> -> memref<64xi32, #tpu.memory_space<hbm>>
    tpu.enqueue_dma source(%dma_start3A_32 : memref<64xi32, #tpu.memory_space<hbm>>) target(%arg8 : memref<64xi32, #tpu.memory_space<vmem>>) target_semaphore(%arg22 : memref<!tpu.dma_semaphore, #tpu.memory_space<semaphore_mem>>)
    %dma_start3A_33 = arith.constant 64 : i32
    %dma_start3A_34 = tpu.memref_slice %arg6[%dma_start3A_33] : memref<10000xi32, #tpu.memory_space<vmem>> -> memref<64xi32, #tpu.memory_space<vmem>>
    %dma_start3A_35 = arith.constant 0 : i32
    %dma_start3A_36 = arith.constant 0 : i32
    %dma_start3A_37 = tpu.memref_slice %arg2[%dma_start3A_35, %dma_start3A_36] : memref<10000x128xf32, #tpu.memory_space<hbm>> -> memref<10000x128xf32, #tpu.memory_space<hbm>>
    tpu.enqueue_indirect_dma source(%dma_start3A_37 : memref<10000x128xf32, #tpu.memory_space<hbm>>) target(%arg13 : memref<64x128xf32, #tpu.memory_space<vmem>>) offsets(%dma_start3A_34 : memref<64xi32, #tpu.memory_space<vmem>>) semaphore(%arg18 : memref<!tpu.dma_semaphore, #tpu.memory_space<semaphore_mem>>)
    %mul3A_38 = arith.constant 10000 : i32
    %mul3A_39 = arith.muli %add3A, %mul3A_38 : i32
    %add3A_40 = arith.constant 128 : i32
    %add3A_41 = arith.addi %mul3A_39, %add3A_40 : i32
    %dma_start3A_42 = tpu.memref_slice %arg4[%add3A_41] : memref<320000xi32, #tpu.memory_space<hbm>> -> memref<64xi32, #tpu.memory_space<hbm>>
    %dma_start3A_43 = tpu.memref_slice %arg4[%add3A_41] : memref<320000xi32, #tpu.memory_space<hbm>> -> memref<64xi32, #tpu.memory_space<hbm>>
    tpu.enqueue_dma source(%dma_start3A_43 : memref<64xi32, #tpu.memory_space<hbm>>) target(%arg9 : memref<64xi32, #tpu.memory_space<vmem>>) target_semaphore(%arg23 : memref<!tpu.dma_semaphore, #tpu.memory_space<semaphore_mem>>)
    %dma_start3A_44 = arith.constant 128 : i32
    %dma_start3A_45 = tpu.memref_slice %arg6[%dma_start3A_44] : memref<10000xi32, #tpu.memory_space<vmem>> -> memref<64xi32, #tpu.memory_space<vmem>>
    %dma_start3A_46 = arith.constant 0 : i32
    %dma_start3A_47 = arith.constant 0 : i32
    %dma_start3A_48 = tpu.memref_slice %arg2[%dma_start3A_46, %dma_start3A_47] : memref<10000x128xf32, #tpu.memory_space<hbm>> -> memref<10000x128xf32, #tpu.memory_space<hbm>>
    tpu.enqueue_indirect_dma source(%dma_start3A_48 : memref<10000x128xf32, #tpu.memory_space<hbm>>) target(%arg14 : memref<64x128xf32, #tpu.memory_space<vmem>>) offsets(%dma_start3A_45 : memref<64xi32, #tpu.memory_space<vmem>>) semaphore(%arg19 : memref<!tpu.dma_semaphore, #tpu.memory_space<semaphore_mem>>)
    %mul3A_49 = arith.constant 10000 : i32
    %mul3A_50 = arith.muli %add3A, %mul3A_49 : i32
    %add3A_51 = arith.constant 192 : i32
    %add3A_52 = arith.addi %mul3A_50, %add3A_51 : i32
    %dma_start3A_53 = tpu.memref_slice %arg4[%add3A_52] : memref<320000xi32, #tpu.memory_space<hbm>> -> memref<64xi32, #tpu.memory_space<hbm>>
    %dma_start3A_54 = tpu.memref_slice %arg4[%add3A_52] : memref<320000xi32, #tpu.memory_space<hbm>> -> memref<64xi32, #tpu.memory_space<hbm>>
    tpu.enqueue_dma source(%dma_start3A_54 : memref<64xi32, #tpu.memory_space<hbm>>) target(%arg10 : memref<64xi32, #tpu.memory_space<vmem>>) target_semaphore(%arg24 : memref<!tpu.dma_semaphore, #tpu.memory_space<semaphore_mem>>)
    %dma_start3A_55 = arith.constant 192 : i32
    %dma_start3A_56 = tpu.memref_slice %arg6[%dma_start3A_55] : memref<10000xi32, #tpu.memory_space<vmem>> -> memref<64xi32, #tpu.memory_space<vmem>>
    %dma_start3A_57 = arith.constant 0 : i32
    %dma_start3A_58 = arith.constant 0 : i32
    %dma_start3A_59 = tpu.memref_slice %arg2[%dma_start3A_57, %dma_start3A_58] : memref<10000x128xf32, #tpu.memory_space<hbm>> -> memref<10000x128xf32, #tpu.memory_space<hbm>>
    tpu.enqueue_indirect_dma source(%dma_start3A_59 : memref<10000x128xf32, #tpu.memory_space<hbm>>) target(%arg15 : memref<64x128xf32, #tpu.memory_space<vmem>>) offsets(%dma_start3A_56 : memref<64xi32, #tpu.memory_space<vmem>>) semaphore(%arg20 : memref<!tpu.dma_semaphore, #tpu.memory_space<semaphore_mem>>)
    %scan3A_60 = arith.constant 0 : i32
    %scan3A_61 = arith.constant 0 : i32
    %scan3A_62 = arith.constant 39 : i32
    %scan3A_63 = arith.addi %scan3A_61, %scan3A_62 : i32
    %scan3A_64 = arith.constant 1 : i32
    scf.for %scan3A_102 = %scan3A_61 to %scan3A_63 step %scan3A_64  : i32 {
      %mul3A_103 = arith.constant 4 : i32
      %mul3A_104 = arith.muli %scan3A_102, %mul3A_103 : i32
      %add3A_105 = arith.constant 0 : i32
      %add3A_106 = arith.addi %mul3A_104, %add3A_105 : i32
      %dma_wait3A_107 = arith.constant 0 : i32
      %dma_wait3A_108 = tpu.memref_slice %arg4[%dma_wait3A_107] : memref<320000xi32, #tpu.memory_space<hbm>> -> memref<64xi32, #tpu.memory_space<hbm>>
      %dma_wait3A_109 = arith.constant 0 : i32
      %dma_wait3A_110 = tpu.memref_slice %arg4[%dma_wait3A_109] : memref<320000xi32, #tpu.memory_space<hbm>> -> memref<64xi32, #tpu.memory_space<hbm>>
      tpu.wait_dma2 semaphore(%arg21 : memref<!tpu.dma_semaphore, #tpu.memory_space<semaphore_mem>>) src(%dma_wait3A_110 : memref<64xi32, #tpu.memory_space<hbm>>) dst(%arg7 : memref<64xi32, #tpu.memory_space<vmem>>)
      %dma_wait3A_111 = arith.constant 0 : i32
      %dma_wait3A_112 = arith.constant 0 : i32
      %dma_wait3A_113 = tpu.memref_slice %arg2[%dma_wait3A_111, %dma_wait3A_112] : memref<10000x128xf32, #tpu.memory_space<hbm>> -> memref<64x128xf32, #tpu.memory_space<hbm>>
      %dma_wait3A_114 = arith.constant 0 : i32
      %dma_wait3A_115 = arith.constant 0 : i32
      %dma_wait3A_116 = tpu.memref_slice %arg2[%dma_wait3A_114, %dma_wait3A_115] : memref<10000x128xf32, #tpu.memory_space<hbm>> -> memref<64x128xf32, #tpu.memory_space<hbm>>
      tpu.wait_dma2 semaphore(%arg17 : memref<!tpu.dma_semaphore, #tpu.memory_space<semaphore_mem>>) src(%dma_wait3A_116 : memref<64x128xf32, #tpu.memory_space<hbm>>) dst(%arg12 : memref<64x128xf32, #tpu.memory_space<vmem>>)
      "tpu.region"() ({
        %run_scoped3A = tpu.sem_alloc : memref<!tpu.dma_semaphore, #tpu.memory_space<semaphore_mem>>
        %dma_start3A_180 = arith.constant 0 : i32
        %dma_start3A_181 = arith.constant 0 : i32
        %dma_start3A_182 = tpu.memref_slice %arg16[%dma_start3A_180, %dma_start3A_181] : memref<10000x128xf32, #tpu.memory_space<vmem_shared>> -> memref<10000x128xf32, #tpu.memory_space<vmem_shared>>
        tpu.enqueue_indirect_dma source(%arg12 : memref<64x128xf32, #tpu.memory_space<vmem>>) target(%dma_start3A_182 : memref<10000x128xf32, #tpu.memory_space<vmem_shared>>) offsets(%arg7 : memref<64xi32, #tpu.memory_space<vmem>>) semaphore(%run_scoped3A : memref<!tpu.dma_semaphore, #tpu.memory_space<semaphore_mem>>) {add = true}
        %dma_wait3A_183 = arith.constant 0 : i32
        %dma_wait3A_184 = arith.constant 0 : i32
        %dma_wait3A_185 = tpu.memref_slice %arg16[%dma_wait3A_183, %dma_wait3A_184] : memref<10000x128xf32, #tpu.memory_space<vmem_shared>> -> memref<10000x128xf32, #tpu.memory_space<vmem_shared>>
        tpu.wait_indirect_dma semaphore(%run_scoped3A : memref<!tpu.dma_semaphore, #tpu.memory_space<semaphore_mem>>) src(%arg12 : memref<64x128xf32, #tpu.memory_space<vmem>>) dst(%dma_wait3A_185 : memref<10000x128xf32, #tpu.memory_space<vmem_shared>>)
        tpu.yield
      }) : () -> ()
      %add3A_117 = arith.constant 4 : i32
      %add3A_118 = arith.addi %add3A_106, %add3A_117 : i32
      %lt3A = arith.constant 156 : i32
      %lt3A_119 = arith.cmpi slt, %add3A_118, %lt3A : i32
      %convert_element_type3A_120 = arith.extui %lt3A_119 : i1 to i32
      %cond3A_121 = arith.constant 0 : i32
      %cond3A_122 = arith.cmpi ne, %convert_element_type3A_120, %cond3A_121 : i32
      scf.if %cond3A_122 {
        %add3A_180 = arith.constant 4 : i32
        %add3A_181 = arith.addi %add3A_106, %add3A_180 : i32
        %mul3A_182 = arith.constant 10000 : i32
        %mul3A_183 = arith.muli %add3A, %mul3A_182 : i32
        %mul3A_184 = arith.constant 64 : i32
        %mul3A_185 = arith.muli %add3A_181, %mul3A_184 : i32
        %add3A_186 = arith.addi %mul3A_183, %mul3A_185 : i32
        %dma_start3A_187 = tpu.memref_slice %arg4[%add3A_186] : memref<320000xi32, #tpu.memory_space<hbm>> -> memref<64xi32, #tpu.memory_space<hbm>>
        %dma_start3A_188 = tpu.memref_slice %arg4[%add3A_186] : memref<320000xi32, #tpu.memory_space<hbm>> -> memref<64xi32, #tpu.memory_space<hbm>>
        tpu.enqueue_dma source(%dma_start3A_188 : memref<64xi32, #tpu.memory_space<hbm>>) target(%arg7 : memref<64xi32, #tpu.memory_space<vmem>>) target_semaphore(%arg21 : memref<!tpu.dma_semaphore, #tpu.memory_space<semaphore_mem>>)
        %mul3A_189 = arith.constant 64 : i32
        %mul3A_190 = arith.muli %add3A_181, %mul3A_189 : i32
        %dma_start3A_191 = tpu.memref_slice %arg6[%mul3A_190] : memref<10000xi32, #tpu.memory_space<vmem>> -> memref<64xi32, #tpu.memory_space<vmem>>
        %dma_start3A_192 = arith.constant 0 : i32
        %dma_start3A_193 = arith.constant 0 : i32
        %dma_start3A_194 = tpu.memref_slice %arg2[%dma_start3A_192, %dma_start3A_193] : memref<10000x128xf32, #tpu.memory_space<hbm>> -> memref<10000x128xf32, #tpu.memory_space<hbm>>
        tpu.enqueue_indirect_dma source(%dma_start3A_194 : memref<10000x128xf32, #tpu.memory_space<hbm>>) target(%arg12 : memref<64x128xf32, #tpu.memory_space<vmem>>) offsets(%dma_start3A_191 : memref<64xi32, #tpu.memory_space<vmem>>) semaphore(%arg17 : memref<!tpu.dma_semaphore, #tpu.memory_space<semaphore_mem>>)
      } else {
      }
      %add3A_123 = arith.constant 1 : i32
      %add3A_124 = arith.addi %mul3A_104, %add3A_123 : i32
      %dma_wait3A_125 = arith.constant 0 : i32
      %dma_wait3A_126 = tpu.memref_slice %arg4[%dma_wait3A_125] : memref<320000xi32, #tpu.memory_space<hbm>> -> memref<64xi32, #tpu.memory_space<hbm>>
      %dma_wait3A_127 = arith.constant 0 : i32
      %dma_wait3A_128 = tpu.memref_slice %arg4[%dma_wait3A_127] : memref<320000xi32, #tpu.memory_space<hbm>> -> memref<64xi32, #tpu.memory_space<hbm>>
      tpu.wait_dma2 semaphore(%arg22 : memref<!tpu.dma_semaphore, #tpu.memory_space<semaphore_mem>>) src(%dma_wait3A_128 : memref<64xi32, #tpu.memory_space<hbm>>) dst(%arg8 : memref<64xi32, #tpu.memory_space<vmem>>)
      %dma_wait3A_129 = arith.constant 0 : i32
      %dma_wait3A_130 = arith.constant 0 : i32
      %dma_wait3A_131 = tpu.memref_slice %arg2[%dma_wait3A_129, %dma_wait3A_130] : memref<10000x128xf32, #tpu.memory_space<hbm>> -> memref<64x128xf32, #tpu.memory_space<hbm>>
      %dma_wait3A_132 = arith.constant 0 : i32
      %dma_wait3A_133 = arith.constant 0 : i32
      %dma_wait3A_134 = tpu.memref_slice %arg2[%dma_wait3A_132, %dma_wait3A_133] : memref<10000x128xf32, #tpu.memory_space<hbm>> -> memref<64x128xf32, #tpu.memory_space<hbm>>
      tpu.wait_dma2 semaphore(%arg18 : memref<!tpu.dma_semaphore, #tpu.memory_space<semaphore_mem>>) src(%dma_wait3A_134 : memref<64x128xf32, #tpu.memory_space<hbm>>) dst(%arg13 : memref<64x128xf32, #tpu.memory_space<vmem>>)
      "tpu.region"() ({
        %run_scoped3A = tpu.sem_alloc : memref<!tpu.dma_semaphore, #tpu.memory_space<semaphore_mem>>
        %dma_start3A_180 = arith.constant 0 : i32
        %dma_start3A_181 = arith.constant 0 : i32
        %dma_start3A_182 = tpu.memref_slice %arg16[%dma_start3A_180, %dma_start3A_181] : memref<10000x128xf32, #tpu.memory_space<vmem_shared>> -> memref<10000x128xf32, #tpu.memory_space<vmem_shared>>
        tpu.enqueue_indirect_dma source(%arg13 : memref<64x128xf32, #tpu.memory_space<vmem>>) target(%dma_start3A_182 : memref<10000x128xf32, #tpu.memory_space<vmem_shared>>) offsets(%arg8 : memref<64xi32, #tpu.memory_space<vmem>>) semaphore(%run_scoped3A : memref<!tpu.dma_semaphore, #tpu.memory_space<semaphore_mem>>) {add = true}
        %dma_wait3A_183 = arith.constant 0 : i32
        %dma_wait3A_184 = arith.constant 0 : i32
        %dma_wait3A_185 = tpu.memref_slice %arg16[%dma_wait3A_183, %dma_wait3A_184] : memref<10000x128xf32, #tpu.memory_space<vmem_shared>> -> memref<10000x128xf32, #tpu.memory_space<vmem_shared>>
        tpu.wait_indirect_dma semaphore(%run_scoped3A : memref<!tpu.dma_semaphore, #tpu.memory_space<semaphore_mem>>) src(%arg13 : memref<64x128xf32, #tpu.memory_space<vmem>>) dst(%dma_wait3A_185 : memref<10000x128xf32, #tpu.memory_space<vmem_shared>>)
        tpu.yield
      }) : () -> ()
      %add3A_135 = arith.constant 4 : i32
      %add3A_136 = arith.addi %add3A_124, %add3A_135 : i32
      %lt3A_137 = arith.constant 156 : i32
      %lt3A_138 = arith.cmpi slt, %add3A_136, %lt3A_137 : i32
      %convert_element_type3A_139 = arith.extui %lt3A_138 : i1 to i32
      %cond3A_140 = arith.constant 0 : i32
      %cond3A_141 = arith.cmpi ne, %convert_element_type3A_139, %cond3A_140 : i32
      scf.if %cond3A_141 {
        %add3A_180 = arith.constant 4 : i32
        %add3A_181 = arith.addi %add3A_124, %add3A_180 : i32
        %mul3A_182 = arith.constant 10000 : i32
        %mul3A_183 = arith.muli %add3A, %mul3A_182 : i32
        %mul3A_184 = arith.constant 64 : i32
        %mul3A_185 = arith.muli %add3A_181, %mul3A_184 : i32
        %add3A_186 = arith.addi %mul3A_183, %mul3A_185 : i32
        %dma_start3A_187 = tpu.memref_slice %arg4[%add3A_186] : memref<320000xi32, #tpu.memory_space<hbm>> -> memref<64xi32, #tpu.memory_space<hbm>>
        %dma_start3A_188 = tpu.memref_slice %arg4[%add3A_186] : memref<320000xi32, #tpu.memory_space<hbm>> -> memref<64xi32, #tpu.memory_space<hbm>>
        tpu.enqueue_dma source(%dma_start3A_188 : memref<64xi32, #tpu.memory_space<hbm>>) target(%arg8 : memref<64xi32, #tpu.memory_space<vmem>>) target_semaphore(%arg22 : memref<!tpu.dma_semaphore, #tpu.memory_space<semaphore_mem>>)
        %mul3A_189 = arith.constant 64 : i32
        %mul3A_190 = arith.muli %add3A_181, %mul3A_189 : i32
        %dma_start3A_191 = tpu.memref_slice %arg6[%mul3A_190] : memref<10000xi32, #tpu.memory_space<vmem>> -> memref<64xi32, #tpu.memory_space<vmem>>
        %dma_start3A_192 = arith.constant 0 : i32
        %dma_start3A_193 = arith.constant 0 : i32
        %dma_start3A_194 = tpu.memref_slice %arg2[%dma_start3A_192, %dma_start3A_193] : memref<10000x128xf32, #tpu.memory_space<hbm>> -> memref<10000x128xf32, #tpu.memory_space<hbm>>
        tpu.enqueue_indirect_dma source(%dma_start3A_194 : memref<10000x128xf32, #tpu.memory_space<hbm>>) target(%arg13 : memref<64x128xf32, #tpu.memory_space<vmem>>) offsets(%dma_start3A_191 : memref<64xi32, #tpu.memory_space<vmem>>) semaphore(%arg18 : memref<!tpu.dma_semaphore, #tpu.memory_space<semaphore_mem>>)
      } else {
      }
      %add3A_142 = arith.constant 2 : i32
      %add3A_143 = arith.addi %mul3A_104, %add3A_142 : i32
      %dma_wait3A_144 = arith.constant 0 : i32
      %dma_wait3A_145 = tpu.memref_slice %arg4[%dma_wait3A_144] : memref<320000xi32, #tpu.memory_space<hbm>> -> memref<64xi32, #tpu.memory_space<hbm>>
      %dma_wait3A_146 = arith.constant 0 : i32
      %dma_wait3A_147 = tpu.memref_slice %arg4[%dma_wait3A_146] : memref<320000xi32, #tpu.memory_space<hbm>> -> memref<64xi32, #tpu.memory_space<hbm>>
      tpu.wait_dma2 semaphore(%arg23 : memref<!tpu.dma_semaphore, #tpu.memory_space<semaphore_mem>>) src(%dma_wait3A_147 : memref<64xi32, #tpu.memory_space<hbm>>) dst(%arg9 : memref<64xi32, #tpu.memory_space<vmem>>)
      %dma_wait3A_148 = arith.constant 0 : i32
      %dma_wait3A_149 = arith.constant 0 : i32
      %dma_wait3A_150 = tpu.memref_slice %arg2[%dma_wait3A_148, %dma_wait3A_149] : memref<10000x128xf32, #tpu.memory_space<hbm>> -> memref<64x128xf32, #tpu.memory_space<hbm>>
      %dma_wait3A_151 = arith.constant 0 : i32
      %dma_wait3A_152 = arith.constant 0 : i32
      %dma_wait3A_153 = tpu.memref_slice %arg2[%dma_wait3A_151, %dma_wait3A_152] : memref<10000x128xf32, #tpu.memory_space<hbm>> -> memref<64x128xf32, #tpu.memory_space<hbm>>
      tpu.wait_dma2 semaphore(%arg19 : memref<!tpu.dma_semaphore, #tpu.memory_space<semaphore_mem>>) src(%dma_wait3A_153 : memref<64x128xf32, #tpu.memory_space<hbm>>) dst(%arg14 : memref<64x128xf32, #tpu.memory_space<vmem>>)
      "tpu.region"() ({
        %run_scoped3A = tpu.sem_alloc : memref<!tpu.dma_semaphore, #tpu.memory_space<semaphore_mem>>
        %dma_start3A_180 = arith.constant 0 : i32
        %dma_start3A_181 = arith.constant 0 : i32
        %dma_start3A_182 = tpu.memref_slice %arg16[%dma_start3A_180, %dma_start3A_181] : memref<10000x128xf32, #tpu.memory_space<vmem_shared>> -> memref<10000x128xf32, #tpu.memory_space<vmem_shared>>
        tpu.enqueue_indirect_dma source(%arg14 : memref<64x128xf32, #tpu.memory_space<vmem>>) target(%dma_start3A_182 : memref<10000x128xf32, #tpu.memory_space<vmem_shared>>) offsets(%arg9 : memref<64xi32, #tpu.memory_space<vmem>>) semaphore(%run_scoped3A : memref<!tpu.dma_semaphore, #tpu.memory_space<semaphore_mem>>) {add = true}
        %dma_wait3A_183 = arith.constant 0 : i32
        %dma_wait3A_184 = arith.constant 0 : i32
        %dma_wait3A_185 = tpu.memref_slice %arg16[%dma_wait3A_183, %dma_wait3A_184] : memref<10000x128xf32, #tpu.memory_space<vmem_shared>> -> memref<10000x128xf32, #tpu.memory_space<vmem_shared>>
        tpu.wait_indirect_dma semaphore(%run_scoped3A : memref<!tpu.dma_semaphore, #tpu.memory_space<semaphore_mem>>) src(%arg14 : memref<64x128xf32, #tpu.memory_space<vmem>>) dst(%dma_wait3A_185 : memref<10000x128xf32, #tpu.memory_space<vmem_shared>>)
        tpu.yield
      }) : () -> ()
      %add3A_154 = arith.constant 4 : i32
      %add3A_155 = arith.addi %add3A_143, %add3A_154 : i32
      %lt3A_156 = arith.constant 156 : i32
      %lt3A_157 = arith.cmpi slt, %add3A_155, %lt3A_156 : i32
      %convert_element_type3A_158 = arith.extui %lt3A_157 : i1 to i32
      %cond3A_159 = arith.constant 0 : i32
      %cond3A_160 = arith.cmpi ne, %convert_element_type3A_158, %cond3A_159 : i32
      scf.if %cond3A_160 {
        %add3A_180 = arith.constant 4 : i32
        %add3A_181 = arith.addi %add3A_143, %add3A_180 : i32
        %mul3A_182 = arith.constant 10000 : i32
        %mul3A_183 = arith.muli %add3A, %mul3A_182 : i32
        %mul3A_184 = arith.constant 64 : i32
        %mul3A_185 = arith.muli %add3A_181, %mul3A_184 : i32
        %add3A_186 = arith.addi %mul3A_183, %mul3A_185 : i32
        %dma_start3A_187 = tpu.memref_slice %arg4[%add3A_186] : memref<320000xi32, #tpu.memory_space<hbm>> -> memref<64xi32, #tpu.memory_space<hbm>>
        %dma_start3A_188 = tpu.memref_slice %arg4[%add3A_186] : memref<320000xi32, #tpu.memory_space<hbm>> -> memref<64xi32, #tpu.memory_space<hbm>>
        tpu.enqueue_dma source(%dma_start3A_188 : memref<64xi32, #tpu.memory_space<hbm>>) target(%arg9 : memref<64xi32, #tpu.memory_space<vmem>>) target_semaphore(%arg23 : memref<!tpu.dma_semaphore, #tpu.memory_space<semaphore_mem>>)
        %mul3A_189 = arith.constant 64 : i32
        %mul3A_190 = arith.muli %add3A_181, %mul3A_189 : i32
        %dma_start3A_191 = tpu.memref_slice %arg6[%mul3A_190] : memref<10000xi32, #tpu.memory_space<vmem>> -> memref<64xi32, #tpu.memory_space<vmem>>
        %dma_start3A_192 = arith.constant 0 : i32
        %dma_start3A_193 = arith.constant 0 : i32
        %dma_start3A_194 = tpu.memref_slice %arg2[%dma_start3A_192, %dma_start3A_193] : memref<10000x128xf32, #tpu.memory_space<hbm>> -> memref<10000x128xf32, #tpu.memory_space<hbm>>
        tpu.enqueue_indirect_dma source(%dma_start3A_194 : memref<10000x128xf32, #tpu.memory_space<hbm>>) target(%arg14 : memref<64x128xf32, #tpu.memory_space<vmem>>) offsets(%dma_start3A_191 : memref<64xi32, #tpu.memory_space<vmem>>) semaphore(%arg19 : memref<!tpu.dma_semaphore, #tpu.memory_space<semaphore_mem>>)
      } else {
      }
      %add3A_161 = arith.constant 3 : i32
      %add3A_162 = arith.addi %mul3A_104, %add3A_161 : i32
      %dma_wait3A_163 = arith.constant 0 : i32
      %dma_wait3A_164 = tpu.memref_slice %arg4[%dma_wait3A_163] : memref<320000xi32, #tpu.memory_space<hbm>> -> memref<64xi32, #tpu.memory_space<hbm>>
      %dma_wait3A_165 = arith.constant 0 : i32
      %dma_wait3A_166 = tpu.memref_slice %arg4[%dma_wait3A_165] : memref<320000xi32, #tpu.memory_space<hbm>> -> memref<64xi32, #tpu.memory_space<hbm>>
      tpu.wait_dma2 semaphore(%arg24 : memref<!tpu.dma_semaphore, #tpu.memory_space<semaphore_mem>>) src(%dma_wait3A_166 : memref<64xi32, #tpu.memory_space<hbm>>) dst(%arg10 : memref<64xi32, #tpu.memory_space<vmem>>)
      %dma_wait3A_167 = arith.constant 0 : i32
      %dma_wait3A_168 = arith.constant 0 : i32
      %dma_wait3A_169 = tpu.memref_slice %arg2[%dma_wait3A_167, %dma_wait3A_168] : memref<10000x128xf32, #tpu.memory_space<hbm>> -> memref<64x128xf32, #tpu.memory_space<hbm>>
      %dma_wait3A_170 = arith.constant 0 : i32
      %dma_wait3A_171 = arith.constant 0 : i32
      %dma_wait3A_172 = tpu.memref_slice %arg2[%dma_wait3A_170, %dma_wait3A_171] : memref<10000x128xf32, #tpu.memory_space<hbm>> -> memref<64x128xf32, #tpu.memory_space<hbm>>
      tpu.wait_dma2 semaphore(%arg20 : memref<!tpu.dma_semaphore, #tpu.memory_space<semaphore_mem>>) src(%dma_wait3A_172 : memref<64x128xf32, #tpu.memory_space<hbm>>) dst(%arg15 : memref<64x128xf32, #tpu.memory_space<vmem>>)
      "tpu.region"() ({
        %run_scoped3A = tpu.sem_alloc : memref<!tpu.dma_semaphore, #tpu.memory_space<semaphore_mem>>
        %dma_start3A_180 = arith.constant 0 : i32
        %dma_start3A_181 = arith.constant 0 : i32
        %dma_start3A_182 = tpu.memref_slice %arg16[%dma_start3A_180, %dma_start3A_181] : memref<10000x128xf32, #tpu.memory_space<vmem_shared>> -> memref<10000x128xf32, #tpu.memory_space<vmem_shared>>
        tpu.enqueue_indirect_dma source(%arg15 : memref<64x128xf32, #tpu.memory_space<vmem>>) target(%dma_start3A_182 : memref<10000x128xf32, #tpu.memory_space<vmem_shared>>) offsets(%arg10 : memref<64xi32, #tpu.memory_space<vmem>>) semaphore(%run_scoped3A : memref<!tpu.dma_semaphore, #tpu.memory_space<semaphore_mem>>) {add = true}
        %dma_wait3A_183 = arith.constant 0 : i32
        %dma_wait3A_184 = arith.constant 0 : i32
        %dma_wait3A_185 = tpu.memref_slice %arg16[%dma_wait3A_183, %dma_wait3A_184] : memref<10000x128xf32, #tpu.memory_space<vmem_shared>> -> memref<10000x128xf32, #tpu.memory_space<vmem_shared>>
        tpu.wait_indirect_dma semaphore(%run_scoped3A : memref<!tpu.dma_semaphore, #tpu.memory_space<semaphore_mem>>) src(%arg15 : memref<64x128xf32, #tpu.memory_space<vmem>>) dst(%dma_wait3A_185 : memref<10000x128xf32, #tpu.memory_space<vmem_shared>>)
        tpu.yield
      }) : () -> ()
      %add3A_173 = arith.constant 4 : i32
      %add3A_174 = arith.addi %add3A_162, %add3A_173 : i32
      %lt3A_175 = arith.constant 156 : i32
      %lt3A_176 = arith.cmpi slt, %add3A_174, %lt3A_175 : i32
      %convert_element_type3A_177 = arith.extui %lt3A_176 : i1 to i32
      %cond3A_178 = arith.constant 0 : i32
      %cond3A_179 = arith.cmpi ne, %convert_element_type3A_177, %cond3A_178 : i32
      scf.if %cond3A_179 {
        %add3A_180 = arith.constant 4 : i32
        %add3A_181 = arith.addi %add3A_162, %add3A_180 : i32
        %mul3A_182 = arith.constant 10000 : i32
        %mul3A_183 = arith.muli %add3A, %mul3A_182 : i32
        %mul3A_184 = arith.constant 64 : i32
        %mul3A_185 = arith.muli %add3A_181, %mul3A_184 : i32
        %add3A_186 = arith.addi %mul3A_183, %mul3A_185 : i32
        %dma_start3A_187 = tpu.memref_slice %arg4[%add3A_186] : memref<320000xi32, #tpu.memory_space<hbm>> -> memref<64xi32, #tpu.memory_space<hbm>>
        %dma_start3A_188 = tpu.memref_slice %arg4[%add3A_186] : memref<320000xi32, #tpu.memory_space<hbm>> -> memref<64xi32, #tpu.memory_space<hbm>>
        tpu.enqueue_dma source(%dma_start3A_188 : memref<64xi32, #tpu.memory_space<hbm>>) target(%arg10 : memref<64xi32, #tpu.memory_space<vmem>>) target_semaphore(%arg24 : memref<!tpu.dma_semaphore, #tpu.memory_space<semaphore_mem>>)
        %mul3A_189 = arith.constant 64 : i32
        %mul3A_190 = arith.muli %add3A_181, %mul3A_189 : i32
        %dma_start3A_191 = tpu.memref_slice %arg6[%mul3A_190] : memref<10000xi32, #tpu.memory_space<vmem>> -> memref<64xi32, #tpu.memory_space<vmem>>
        %dma_start3A_192 = arith.constant 0 : i32
        %dma_start3A_193 = arith.constant 0 : i32
        %dma_start3A_194 = tpu.memref_slice %arg2[%dma_start3A_192, %dma_start3A_193] : memref<10000x128xf32, #tpu.memory_space<hbm>> -> memref<10000x128xf32, #tpu.memory_space<hbm>>
        tpu.enqueue_indirect_dma source(%dma_start3A_194 : memref<10000x128xf32, #tpu.memory_space<hbm>>) target(%arg15 : memref<64x128xf32, #tpu.memory_space<vmem>>) offsets(%dma_start3A_191 : memref<64xi32, #tpu.memory_space<vmem>>) semaphore(%arg20 : memref<!tpu.dma_semaphore, #tpu.memory_space<semaphore_mem>>)
      } else {
      }
    }
    %scan3A_65 = arith.constant 39 : i32
    %mul3A_66 = arith.constant 10000 : i32
    %mul3A_67 = arith.muli %add3A, %mul3A_66 : i32
    %add3A_68 = arith.constant 9984 : i32
    %add3A_69 = arith.addi %mul3A_67, %add3A_68 : i32
    "tpu.region"() ({
      %run_scoped3A = tpu.sem_alloc : memref<!tpu.dma_semaphore, #tpu.memory_space<semaphore_mem>>
      %dma_start3A_102 = tpu.memref_slice %arg4[%add3A_69] : memref<320000xi32, #tpu.memory_space<hbm>> -> memref<16xi32, #tpu.memory_space<hbm>>
      %dma_start3A_103 = tpu.memref_slice %arg4[%add3A_69] : memref<320000xi32, #tpu.memory_space<hbm>> -> memref<16xi32, #tpu.memory_space<hbm>>
      tpu.enqueue_dma source(%dma_start3A_103 : memref<16xi32, #tpu.memory_space<hbm>>) target(%arg11 : memref<16xi32, #tpu.memory_space<vmem>>) target_semaphore(%run_scoped3A : memref<!tpu.dma_semaphore, #tpu.memory_space<semaphore_mem>>)
      %dma_wait3A_104 = tpu.memref_slice %arg4[%add3A_69] : memref<320000xi32, #tpu.memory_space<hbm>> -> memref<16xi32, #tpu.memory_space<hbm>>
      %dma_wait3A_105 = tpu.memref_slice %arg4[%add3A_69] : memref<320000xi32, #tpu.memory_space<hbm>> -> memref<16xi32, #tpu.memory_space<hbm>>
      tpu.wait_dma2 semaphore(%run_scoped3A : memref<!tpu.dma_semaphore, #tpu.memory_space<semaphore_mem>>) src(%dma_wait3A_105 : memref<16xi32, #tpu.memory_space<hbm>>) dst(%arg11 : memref<16xi32, #tpu.memory_space<vmem>>)
      tpu.yield
    }) : () -> ()
    %dma_start3A_70 = arith.constant 0 : i32
    %dma_start3A_71 = arith.constant 0 : i32
    %dma_start3A_72 = tpu.memref_slice %arg12[%dma_start3A_70, %dma_start3A_71] : memref<64x128xf32, #tpu.memory_space<vmem>> -> memref<16x128xf32, #tpu.memory_space<vmem>>
    %dma_start3A_73 = arith.constant 9984 : i32
    %dma_start3A_74 = tpu.memref_slice %arg6[%dma_start3A_73] : memref<10000xi32, #tpu.memory_space<vmem>> -> memref<16xi32, #tpu.memory_space<vmem>>
    %dma_start3A_75 = arith.constant 0 : i32
    %dma_start3A_76 = arith.constant 0 : i32
    %dma_start3A_77 = tpu.memref_slice %arg2[%dma_start3A_75, %dma_start3A_76] : memref<10000x128xf32, #tpu.memory_space<hbm>> -> memref<10000x128xf32, #tpu.memory_space<hbm>>
    tpu.enqueue_indirect_dma source(%dma_start3A_77 : memref<10000x128xf32, #tpu.memory_space<hbm>>) target(%dma_start3A_72 : memref<16x128xf32, #tpu.memory_space<vmem>>) offsets(%dma_start3A_74 : memref<16xi32, #tpu.memory_space<vmem>>) semaphore(%arg17 : memref<!tpu.dma_semaphore, #tpu.memory_space<semaphore_mem>>)
    %dma_wait3A = arith.constant 0 : i32
    %dma_wait3A_78 = arith.constant 0 : i32
    %dma_wait3A_79 = tpu.memref_slice %arg12[%dma_wait3A, %dma_wait3A_78] : memref<64x128xf32, #tpu.memory_space<vmem>> -> memref<16x128xf32, #tpu.memory_space<vmem>>
    %dma_wait3A_80 = arith.constant 0 : i32
    %dma_wait3A_81 = arith.constant 0 : i32
    %dma_wait3A_82 = tpu.memref_slice %arg2[%dma_wait3A_80, %dma_wait3A_81] : memref<10000x128xf32, #tpu.memory_space<hbm>> -> memref<16x128xf32, #tpu.memory_space<hbm>>
    %dma_wait3A_83 = arith.constant 0 : i32
    %dma_wait3A_84 = arith.constant 0 : i32
    %dma_wait3A_85 = tpu.memref_slice %arg12[%dma_wait3A_83, %dma_wait3A_84] : memref<64x128xf32, #tpu.memory_space<vmem>> -> memref<16x128xf32, #tpu.memory_space<vmem>>
    %dma_wait3A_86 = arith.constant 0 : i32
    %dma_wait3A_87 = arith.constant 0 : i32
    %dma_wait3A_88 = tpu.memref_slice %arg2[%dma_wait3A_86, %dma_wait3A_87] : memref<10000x128xf32, #tpu.memory_space<hbm>> -> memref<16x128xf32, #tpu.memory_space<hbm>>
    tpu.wait_dma2 semaphore(%arg17 : memref<!tpu.dma_semaphore, #tpu.memory_space<semaphore_mem>>) src(%dma_wait3A_88 : memref<16x128xf32, #tpu.memory_space<hbm>>) dst(%dma_wait3A_85 : memref<16x128xf32, #tpu.memory_space<vmem>>)
    "tpu.region"() ({
      %run_scoped3A = tpu.sem_alloc : memref<!tpu.dma_semaphore, #tpu.memory_space<semaphore_mem>>
      %dma_start3A_102 = arith.constant 0 : i32
      %dma_start3A_103 = arith.constant 0 : i32
      %dma_start3A_104 = tpu.memref_slice %arg12[%dma_start3A_102, %dma_start3A_103] : memref<64x128xf32, #tpu.memory_space<vmem>> -> memref<16x128xf32, #tpu.memory_space<vmem>>
      %dma_start3A_105 = arith.constant 0 : i32
      %dma_start3A_106 = arith.constant 0 : i32
      %dma_start3A_107 = tpu.memref_slice %arg16[%dma_start3A_105, %dma_start3A_106] : memref<10000x128xf32, #tpu.memory_space<vmem_shared>> -> memref<10000x128xf32, #tpu.memory_space<vmem_shared>>
      tpu.enqueue_indirect_dma source(%dma_start3A_104 : memref<16x128xf32, #tpu.memory_space<vmem>>) target(%dma_start3A_107 : memref<10000x128xf32, #tpu.memory_space<vmem_shared>>) offsets(%arg11 : memref<16xi32, #tpu.memory_space<vmem>>) semaphore(%run_scoped3A : memref<!tpu.dma_semaphore, #tpu.memory_space<semaphore_mem>>) {add = true}
      %dma_wait3A_108 = arith.constant 0 : i32
      %dma_wait3A_109 = arith.constant 0 : i32
      %dma_wait3A_110 = tpu.memref_slice %arg12[%dma_wait3A_108, %dma_wait3A_109] : memref<64x128xf32, #tpu.memory_space<vmem>> -> memref<16x128xf32, #tpu.memory_space<vmem>>
      %dma_wait3A_111 = arith.constant 0 : i32
      %dma_wait3A_112 = arith.constant 0 : i32
      %dma_wait3A_113 = tpu.memref_slice %arg16[%dma_wait3A_111, %dma_wait3A_112] : memref<10000x128xf32, #tpu.memory_space<vmem_shared>> -> memref<10000x128xf32, #tpu.memory_space<vmem_shared>>
      tpu.wait_indirect_dma semaphore(%run_scoped3A : memref<!tpu.dma_semaphore, #tpu.memory_space<semaphore_mem>>) src(%dma_wait3A_110 : memref<16x128xf32, #tpu.memory_space<vmem>>) dst(%dma_wait3A_113 : memref<10000x128xf32, #tpu.memory_space<vmem_shared>>)
      tpu.yield
    }) : () -> ()
    %barrier3A_89 = arith.constant 0 : index
    tpu.barrier barrier_id(%barrier3A_89)
    %mul3A_90 = arith.constant 624 : i32
    %mul3A_91 = arith.muli %arg1, %mul3A_90 : i32
    %mul3A_92 = arith.constant 10000 : i32
    %mul3A_93 = arith.muli %arg0, %mul3A_92 : i32
    %mul3A_94 = arith.constant 624 : i32
    %mul3A_95 = arith.muli %arg1, %mul3A_94 : i32
    %add3A_96 = arith.addi %mul3A_93, %mul3A_95 : i32
    "tpu.region"() ({
      %run_scoped3A = tpu.sem_alloc : memref<!tpu.dma_semaphore, #tpu.memory_space<semaphore_mem>>
      %dma_start3A_102 = arith.constant 0 : i32
      %dma_start3A_103 = tpu.memref_slice %arg5[%add3A_96, %dma_start3A_102] : memref<20000x128xf32, #tpu.memory_space<hbm>> -> memref<624x128xf32, #tpu.memory_space<hbm>>
      %dma_start3A_104 = arith.constant 0 : i32
      %dma_start3A_105 = tpu.memref_slice %arg16[%mul3A_91, %dma_start3A_104] : memref<10000x128xf32, #tpu.memory_space<vmem_shared>> -> memref<624x128xf32, #tpu.memory_space<vmem_shared>>
      tpu.enqueue_dma source(%dma_start3A_105 : memref<624x128xf32, #tpu.memory_space<vmem_shared>>) target(%dma_start3A_103 : memref<624x128xf32, #tpu.memory_space<hbm>>) target_semaphore(%run_scoped3A : memref<!tpu.dma_semaphore, #tpu.memory_space<semaphore_mem>>)
      %dma_wait3A_106 = arith.constant 0 : i32
      %dma_wait3A_107 = tpu.memref_slice %arg5[%add3A_96, %dma_wait3A_106] : memref<20000x128xf32, #tpu.memory_space<hbm>> -> memref<624x128xf32, #tpu.memory_space<hbm>>
      %dma_wait3A_108 = arith.constant 0 : i32
      %dma_wait3A_109 = tpu.memref_slice %arg16[%mul3A_91, %dma_wait3A_108] : memref<10000x128xf32, #tpu.memory_space<vmem_shared>> -> memref<624x128xf32, #tpu.memory_space<vmem_shared>>
      tpu.wait_dma2 semaphore(%run_scoped3A : memref<!tpu.dma_semaphore, #tpu.memory_space<semaphore_mem>>) src(%dma_wait3A_109 : memref<624x128xf32, #tpu.memory_space<vmem_shared>>) dst(%dma_wait3A_107 : memref<624x128xf32, #tpu.memory_space<hbm>>)
      tpu.yield
    }) : () -> ()
    %eq3A_97 = arith.constant 15 : i32
    %eq3A_98 = arith.cmpi eq, %arg1, %eq3A_97 : i32
    %convert_element_type3A_99 = arith.extui %eq3A_98 : i1 to i32
    %cond3A_100 = arith.constant 0 : i32
    %cond3A_101 = arith.cmpi ne, %convert_element_type3A_99, %cond3A_100 : i32
    scf.if %cond3A_101 {
      %mul3A_102 = arith.constant 10000 : i32
      %mul3A_103 = arith.muli %arg0, %mul3A_102 : i32
      %add3A_104 = arith.constant 9984 : i32
      %add3A_105 = arith.addi %mul3A_103, %add3A_104 : i32
      "tpu.region"() ({
        %run_scoped3A = tpu.sem_alloc : memref<!tpu.dma_semaphore, #tpu.memory_space<semaphore_mem>>
        %dma_start3A_106 = arith.constant 0 : i32
        %dma_start3A_107 = tpu.memref_slice %arg5[%add3A_105, %dma_start3A_106] : memref<20000x128xf32, #tpu.memory_space<hbm>> -> memref<16x128xf32, #tpu.memory_space<hbm>>
        %dma_start3A_108 = arith.constant 9984 : i32
        %dma_start3A_109 = arith.constant 0 : i32
        %dma_start3A_110 = tpu.memref_slice %arg16[%dma_start3A_108, %dma_start3A_109] : memref<10000x128xf32, #tpu.memory_space<vmem_shared>> -> memref<16x128xf32, #tpu.memory_space<vmem_shared>>
        tpu.enqueue_dma source(%dma_start3A_110 : memref<16x128xf32, #tpu.memory_space<vmem_shared>>) target(%dma_start3A_107 : memref<16x128xf32, #tpu.memory_space<hbm>>) target_semaphore(%run_scoped3A : memref<!tpu.dma_semaphore, #tpu.memory_space<semaphore_mem>>)
        %dma_wait3A_111 = arith.constant 0 : i32
        %dma_wait3A_112 = tpu.memref_slice %arg5[%add3A_105, %dma_wait3A_111] : memref<20000x128xf32, #tpu.memory_space<hbm>> -> memref<16x128xf32, #tpu.memory_space<hbm>>
        %dma_wait3A_113 = arith.constant 9984 : i32
        %dma_wait3A_114 = arith.constant 0 : i32
        %dma_wait3A_115 = tpu.memref_slice %arg16[%dma_wait3A_113, %dma_wait3A_114] : memref<10000x128xf32, #tpu.memory_space<vmem_shared>> -> memref<16x128xf32, #tpu.memory_space<vmem_shared>>
        tpu.wait_dma2 semaphore(%run_scoped3A : memref<!tpu.dma_semaphore, #tpu.memory_space<semaphore_mem>>) src(%dma_wait3A_115 : memref<16x128xf32, #tpu.memory_space<vmem_shared>>) dst(%dma_wait3A_112 : memref<16x128xf32, #tpu.memory_space<hbm>>)
        tpu.yield
      }) : () -> ()
    } else {
    }
    return
  }
}

module attributes {stable_mosaic.version = 14 : i64} {
  func.func @_mm_kernel(%arg0: i32, %arg1: memref<1000x128xf32, #tpu.memory_space<vmem>>, %arg2: memref<128x128xf32, #tpu.memory_space<vmem>>, %arg3: memref<1000x128xf32, #tpu.memory_space<vmem>>) attributes {dimension_semantics = [#tpu.dimension_semantics<arbitrary>], iteration_bounds = array<i64: 10>, scalar_prefetch = 0 : i64, scratch_operands = 0 : i64, tpu.core_type = #tpu.core_type<tc>, window_params = [{transform_indices = @transform_0, window_bounds = array<i64: 1000, 128>}, {pipeline_mode = #tpu.pipeline_mode<synchronous>, transform_indices = @transform_1, window_bounds = array<i64: 128, 128>}, {transform_indices = @transform_2, window_bounds = array<i64: 1000, 128>}]} {
    %get3A = arith.constant 0 : index
    %get3A_0 = arith.constant 0 : index
    %get3A_1 = vector.load %arg1[%get3A, %get3A_0] : memref<1000x128xf32, #tpu.memory_space<vmem>>, vector<1000x128xf32>
    %get3A_2 = arith.constant 0 : index
    %get3A_3 = arith.constant 0 : index
    %get3A_4 = vector.load %arg2[%get3A_2, %get3A_3] : memref<128x128xf32, #tpu.memory_space<vmem>>, vector<128x128xf32>
    %dot_general3A = arith.constant dense<0.000000e+00> : vector<1000x128xf32>
    %dot_general3A_5 = tpu.matmul %get3A_1, %get3A_4, %dot_general3A {dimension_numbers = #tpu.dot_dimension_numbers<[1], [0], [0], [1], [0, 0, 1, 1], [], []>, transpose_lhs_hint = false} : vector<1000x128xf32>, vector<128x128xf32>, vector<1000x128xf32> -> vector<1000x128xf32>
    %swap3A = arith.constant 0 : index
    %swap3A_6 = arith.constant 0 : index
    %swap3A_7 = vector.load %arg3[%swap3A, %swap3A_6] : memref<1000x128xf32, #tpu.memory_space<vmem>>, vector<1000x128xf32>
    tpu.vector_store %arg3[%swap3A, %swap3A_6], %dot_general3A_5 {strides = array<i32>} : memref<1000x128xf32, #tpu.memory_space<vmem>>, vector<1000x128xf32>,
    return
  }
  func.func @transform_0(%arg0: i32) -> (i32, i32) {
    %c0_i32 = arith.constant 0 : i32
    %c0_i32_0 = arith.constant 0 : i32
    return %arg0, %c0_i32 : i32, i32
  }
  func.func @transform_1(%arg0: i32) -> (i32, i32) {
    %c0_i32 = arith.constant 0 : i32
    %c0_i32_0 = arith.constant 0 : i32
    %c0_i32_1 = arith.constant 0 : i32
    return %c0_i32, %c0_i32_0 : i32, i32
  }
  func.func @transform_2(%arg0: i32) -> (i32, i32) {
    %c0_i32 = arith.constant 0 : i32
    %c0_i32_0 = arith.constant 0 : i32
    return %arg0, %c0_i32 : i32, i32
  }
}

module attributes {stable_mosaic.version = 14 : i64} {
  func.func @_gru_next_kernel(%arg0: i32, %arg1: memref<2x1000x128xf32, #tpu.memory_space<vmem>>, %arg2: memref<1000x128xf32, #tpu.memory_space<vmem>>, %arg3: memref<128x384xf32, #tpu.memory_space<vmem>>, %arg4: memref<128x384xf32, #tpu.memory_space<vmem>>, %arg5: memref<1x384xf32, #tpu.memory_space<vmem>>, %arg6: memref<1x384xf32, #tpu.memory_space<vmem>>, %arg7: memref<128x128xf32, #tpu.memory_space<vmem>>, %arg8: memref<1000x128xf32, #tpu.memory_space<vmem>>, %arg9: memref<1000x128xf32, #tpu.memory_space<vmem>>) attributes {dimension_semantics = [#tpu.dimension_semantics<arbitrary>], iteration_bounds = array<i64: 10>, scalar_prefetch = 0 : i64, scratch_operands = 0 : i64, tpu.core_type = #tpu.core_type<tc>, window_params = [{transform_indices = @transform_0, window_bounds = array<i64: 2, 1000, 128>}, {transform_indices = @transform_1, window_bounds = array<i64: 1000, 128>}, {pipeline_mode = #tpu.pipeline_mode<synchronous>, transform_indices = @transform_2, window_bounds = array<i64: 128, 384>}, {pipeline_mode = #tpu.pipeline_mode<synchronous>, transform_indices = @transform_3, window_bounds = array<i64: 128, 384>}, {pipeline_mode = #tpu.pipeline_mode<synchronous>, transform_indices = @transform_4, window_bounds = array<i64: 1, 384>}, {pipeline_mode = #tpu.pipeline_mode<synchronous>, transform_indices = @transform_5, window_bounds = array<i64: 1, 384>}, {pipeline_mode = #tpu.pipeline_mode<synchronous>, transform_indices = @transform_6, window_bounds = array<i64: 128, 128>}, {transform_indices = @transform_7, window_bounds = array<i64: 1000, 128>}, {transform_indices = @transform_8, window_bounds = array<i64: 1000, 128>}]} {
    %get3A = arith.constant 0 : index
    %get3A_0 = arith.constant 0 : index
    %get3A_1 = arith.constant 0 : index
    %get3A_2 = vector.load %arg1[%get3A, %get3A_0, %get3A_1] : memref<2x1000x128xf32, #tpu.memory_space<vmem>>, vector<1x1000x128xf32>
    %get3A_3 = vector.shape_cast %get3A_2 : vector<1x1000x128xf32> to vector<1000x128xf32>
    %get3A_4 = arith.constant 1 : index
    %get3A_5 = arith.constant 0 : index
    %get3A_6 = arith.constant 0 : index
    %get3A_7 = vector.load %arg1[%get3A_4, %get3A_5, %get3A_6] : memref<2x1000x128xf32, #tpu.memory_space<vmem>>, vector<1x1000x128xf32>
    %get3A_8 = vector.shape_cast %get3A_7 : vector<1x1000x128xf32> to vector<1000x128xf32>
    %add3A = arith.addf %get3A_3, %get3A_8 : vector<1000x128xf32>
    %get3A_9 = arith.constant 0 : index
    %get3A_10 = arith.constant 0 : index
    %get3A_11 = vector.load %arg2[%get3A_9, %get3A_10] : memref<1000x128xf32, #tpu.memory_space<vmem>>, vector<1000x128xf32>
    %get3A_12 = arith.constant 0 : index
    %get3A_13 = arith.constant 0 : index
    %get3A_14 = vector.load %arg3[%get3A_12, %get3A_13] : memref<128x384xf32, #tpu.memory_space<vmem>>, vector<128x384xf32>
    %dot_general3A = arith.constant dense<0.000000e+00> : vector<1000x384xf32>
    %dot_general3A_15 = tpu.matmul %add3A, %get3A_14, %dot_general3A {dimension_numbers = #tpu.dot_dimension_numbers<[1], [0], [0], [1], [0, 0, 1, 1], [], []>, transpose_lhs_hint = false} : vector<1000x128xf32>, vector<128x384xf32>, vector<1000x384xf32> -> vector<1000x384xf32>
    %get3A_16 = arith.constant 0 : index
    %get3A_17 = arith.constant 0 : index
    %get3A_18 = vector.load %arg5[%get3A_16, %get3A_17] : memref<1x384xf32, #tpu.memory_space<vmem>>, vector<1x384xf32>
    %add3A_19 = vector.broadcast %get3A_18 : vector<1x384xf32> to vector<1000x384xf32>
    %add3A_20 = arith.addf %dot_general3A_15, %add3A_19 : vector<1000x384xf32>
    %get3A_21 = arith.constant 0 : index
    %get3A_22 = arith.constant 0 : index
    %get3A_23 = vector.load %arg4[%get3A_21, %get3A_22] : memref<128x384xf32, #tpu.memory_space<vmem>>, vector<128x384xf32>
    %dot_general3A_24 = arith.constant dense<0.000000e+00> : vector<1000x384xf32>
    %dot_general3A_25 = tpu.matmul %get3A_11, %get3A_23, %dot_general3A_24 {dimension_numbers = #tpu.dot_dimension_numbers<[1], [0], [0], [1], [0, 0, 1, 1], [], []>, transpose_lhs_hint = false} : vector<1000x128xf32>, vector<128x384xf32>, vector<1000x384xf32> -> vector<1000x384xf32>
    %get3A_26 = arith.constant 0 : index
    %get3A_27 = arith.constant 0 : index
    %get3A_28 = vector.load %arg6[%get3A_26, %get3A_27] : memref<1x384xf32, #tpu.memory_space<vmem>>, vector<1x384xf32>
    %add3A_29 = vector.broadcast %get3A_28 : vector<1x384xf32> to vector<1000x384xf32>
    %add3A_30 = arith.addf %dot_general3A_25, %add3A_29 : vector<1000x384xf32>
    %slice3A = vector.extract_strided_slice %add3A_20 {offsets = [0, 0], sizes = [1000, 128], strides = [1, 1]} : vector<1000x384xf32> to vector<1000x128xf32>
    %slice3A_31 = vector.extract_strided_slice %add3A_30 {offsets = [0, 0], sizes = [1000, 128], strides = [1, 1]} : vector<1000x384xf32> to vector<1000x128xf32>
    %add3A_32 = arith.addf %slice3A, %slice3A_31 : vector<1000x128xf32>
    %logistic3A = arith.negf %add3A_32 : vector<1000x128xf32>
    %logistic3A_33 = math.exp %logistic3A : vector<1000x128xf32>
    %logistic3A_34 = arith.constant 1.000000e+00 : f32
    %logistic3A_35 = vector.broadcast %logistic3A_34 : f32 to vector<1000x128xf32>
    %logistic3A_36 = arith.addf %logistic3A_35, %logistic3A_33 : vector<1000x128xf32>
    %logistic3A_37 = arith.divf %logistic3A_35, %logistic3A_36 : vector<1000x128xf32>
    %slice3A_38 = vector.extract_strided_slice %add3A_20 {offsets = [0, 128], sizes = [1000, 128], strides = [1, 1]} : vector<1000x384xf32> to vector<1000x128xf32>
    %slice3A_39 = vector.extract_strided_slice %add3A_30 {offsets = [0, 128], sizes = [1000, 128], strides = [1, 1]} : vector<1000x384xf32> to vector<1000x128xf32>
    %add3A_40 = arith.addf %slice3A_38, %slice3A_39 : vector<1000x128xf32>
    %logistic3A_41 = arith.negf %add3A_40 : vector<1000x128xf32>
    %logistic3A_42 = math.exp %logistic3A_41 : vector<1000x128xf32>
    %logistic3A_43 = arith.constant 1.000000e+00 : f32
    %logistic3A_44 = vector.broadcast %logistic3A_43 : f32 to vector<1000x128xf32>
    %logistic3A_45 = arith.addf %logistic3A_44, %logistic3A_42 : vector<1000x128xf32>
    %logistic3A_46 = arith.divf %logistic3A_44, %logistic3A_45 : vector<1000x128xf32>
    %slice3A_47 = vector.extract_strided_slice %add3A_20 {offsets = [0, 256], sizes = [1000, 128], strides = [1, 1]} : vector<1000x384xf32> to vector<1000x128xf32>
    %slice3A_48 = vector.extract_strided_slice %add3A_30 {offsets = [0, 256], sizes = [1000, 128], strides = [1, 1]} : vector<1000x384xf32> to vector<1000x128xf32>
    %mul3A = arith.mulf %logistic3A_37, %slice3A_48 : vector<1000x128xf32>
    %add3A_49 = arith.addf %slice3A_47, %mul3A : vector<1000x128xf32>
    %tanh3A = math.tanh %add3A_49 : vector<1000x128xf32>
    %sub3A = arith.constant 1.000000e+00 : f32
    %sub3A_50 = vector.broadcast %sub3A : f32 to vector<1000x128xf32>
    %sub3A_51 = arith.subf %sub3A_50, %logistic3A_46 : vector<1000x128xf32>
    %mul3A_52 = arith.mulf %sub3A_51, %tanh3A : vector<1000x128xf32>
    %mul3A_53 = arith.mulf %logistic3A_46, %get3A_11 : vector<1000x128xf32>
    %add3A_54 = arith.addf %mul3A_52, %mul3A_53 : vector<1000x128xf32>
    %swap3A = arith.constant 0 : index
    %swap3A_55 = arith.constant 0 : index
    %swap3A_56 = vector.load %arg8[%swap3A, %swap3A_55] : memref<1000x128xf32, #tpu.memory_space<vmem>>, vector<1000x128xf32>
    tpu.vector_store %arg8[%swap3A, %swap3A_55], %add3A_54 {strides = array<i32>} : memref<1000x128xf32, #tpu.memory_space<vmem>>, vector<1000x128xf32>,
    %get3A_57 = arith.constant 0 : index
    %get3A_58 = arith.constant 0 : index
    %get3A_59 = vector.load %arg7[%get3A_57, %get3A_58] : memref<128x128xf32, #tpu.memory_space<vmem>>, vector<128x128xf32>
    %dot_general3A_60 = arith.constant dense<0.000000e+00> : vector<1000x128xf32>
    %dot_general3A_61 = tpu.matmul %add3A_54, %get3A_59, %dot_general3A_60 {dimension_numbers = #tpu.dot_dimension_numbers<[1], [0], [0], [1], [0, 0, 1, 1], [], []>, transpose_lhs_hint = false} : vector<1000x128xf32>, vector<128x128xf32>, vector<1000x128xf32> -> vector<1000x128xf32>
    %swap3A_62 = arith.constant 0 : index
    %swap3A_63 = arith.constant 0 : index
    %swap3A_64 = vector.load %arg9[%swap3A_62, %swap3A_63] : memref<1000x128xf32, #tpu.memory_space<vmem>>, vector<1000x128xf32>
    tpu.vector_store %arg9[%swap3A_62, %swap3A_63], %dot_general3A_61 {strides = array<i32>} : memref<1000x128xf32, #tpu.memory_space<vmem>>, vector<1000x128xf32>,
    return
  }
  func.func @transform_0(%arg0: i32) -> (i32, i32, i32) {
    %c0_i32 = arith.constant 0 : i32
    %c0_i32_0 = arith.constant 0 : i32
    %c0_i32_1 = arith.constant 0 : i32
    return %c0_i32, %arg0, %c0_i32_0 : i32, i32, i32
  }
  func.func @transform_1(%arg0: i32) -> (i32, i32) {
    %c0_i32 = arith.constant 0 : i32
    %c0_i32_0 = arith.constant 0 : i32
    return %arg0, %c0_i32 : i32, i32
  }
  func.func @transform_2(%arg0: i32) -> (i32, i32) {
    %c0_i32 = arith.constant 0 : i32
    %c0_i32_0 = arith.constant 0 : i32
    %c0_i32_1 = arith.constant 0 : i32
    return %c0_i32, %c0_i32_0 : i32, i32
  }
  func.func @transform_3(%arg0: i32) -> (i32, i32) {
    %c0_i32 = arith.constant 0 : i32
    %c0_i32_0 = arith.constant 0 : i32
    %c0_i32_1 = arith.constant 0 : i32
    return %c0_i32, %c0_i32_0 : i32, i32
  }
  func.func @transform_4(%arg0: i32) -> (i32, i32) {
    %c0_i32 = arith.constant 0 : i32
    %c0_i32_0 = arith.constant 0 : i32
    %c0_i32_1 = arith.constant 0 : i32
    return %c0_i32, %c0_i32_0 : i32, i32
  }
  func.func @transform_5(%arg0: i32) -> (i32, i32) {
    %c0_i32 = arith.constant 0 : i32
    %c0_i32_0 = arith.constant 0 : i32
    %c0_i32_1 = arith.constant 0 : i32
    return %c0_i32, %c0_i32_0 : i32, i32
  }
  func.func @transform_6(%arg0: i32) -> (i32, i32) {
    %c0_i32 = arith.constant 0 : i32
    %c0_i32_0 = arith.constant 0 : i32
    %c0_i32_1 = arith.constant 0 : i32
    return %c0_i32, %c0_i32_0 : i32, i32
  }
  func.func @transform_7(%arg0: i32) -> (i32, i32) {
    %c0_i32 = arith.constant 0 : i32
    %c0_i32_0 = arith.constant 0 : i32
    return %arg0, %c0_i32 : i32, i32
  }
  func.func @transform_8(%arg0: i32) -> (i32, i32) {
    %c0_i32 = arith.constant 0 : i32
    %c0_i32_0 = arith.constant 0 : i32
    return %arg0, %c0_i32 : i32, i32
  }
}

module attributes {stable_mosaic.version = 14 : i64} {
  func.func @_gru_last_kernel(%arg0: i32, %arg1: memref<2x1000x128xf32, #tpu.memory_space<vmem>>, %arg2: memref<1000x128xf32, #tpu.memory_space<vmem>>, %arg3: memref<128x384xf32, #tpu.memory_space<vmem>>, %arg4: memref<128x384xf32, #tpu.memory_space<vmem>>, %arg5: memref<1x384xf32, #tpu.memory_space<vmem>>, %arg6: memref<1x384xf32, #tpu.memory_space<vmem>>, %arg7: memref<1000x128xf32, #tpu.memory_space<vmem>>) attributes {dimension_semantics = [#tpu.dimension_semantics<arbitrary>], iteration_bounds = array<i64: 10>, scalar_prefetch = 0 : i64, scratch_operands = 0 : i64, tpu.core_type = #tpu.core_type<tc>, window_params = [{transform_indices = @transform_0, window_bounds = array<i64: 2, 1000, 128>}, {transform_indices = @transform_1, window_bounds = array<i64: 1000, 128>}, {pipeline_mode = #tpu.pipeline_mode<synchronous>, transform_indices = @transform_2, window_bounds = array<i64: 128, 384>}, {pipeline_mode = #tpu.pipeline_mode<synchronous>, transform_indices = @transform_3, window_bounds = array<i64: 128, 384>}, {pipeline_mode = #tpu.pipeline_mode<synchronous>, transform_indices = @transform_4, window_bounds = array<i64: 1, 384>}, {pipeline_mode = #tpu.pipeline_mode<synchronous>, transform_indices = @transform_5, window_bounds = array<i64: 1, 384>}, {transform_indices = @transform_6, window_bounds = array<i64: 1000, 128>}]} {
    %get3A = arith.constant 0 : index
    %get3A_0 = arith.constant 0 : index
    %get3A_1 = arith.constant 0 : index
    %get3A_2 = vector.load %arg1[%get3A, %get3A_0, %get3A_1] : memref<2x1000x128xf32, #tpu.memory_space<vmem>>, vector<1x1000x128xf32>
    %get3A_3 = vector.shape_cast %get3A_2 : vector<1x1000x128xf32> to vector<1000x128xf32>
    %get3A_4 = arith.constant 1 : index
    %get3A_5 = arith.constant 0 : index
    %get3A_6 = arith.constant 0 : index
    %get3A_7 = vector.load %arg1[%get3A_4, %get3A_5, %get3A_6] : memref<2x1000x128xf32, #tpu.memory_space<vmem>>, vector<1x1000x128xf32>
    %get3A_8 = vector.shape_cast %get3A_7 : vector<1x1000x128xf32> to vector<1000x128xf32>
    %add3A = arith.addf %get3A_3, %get3A_8 : vector<1000x128xf32>
    %get3A_9 = arith.constant 0 : index
    %get3A_10 = arith.constant 0 : index
    %get3A_11 = vector.load %arg2[%get3A_9, %get3A_10] : memref<1000x128xf32, #tpu.memory_space<vmem>>, vector<1000x128xf32>
    %get3A_12 = arith.constant 0 : index
    %get3A_13 = arith.constant 0 : index
    %get3A_14 = vector.load %arg3[%get3A_12, %get3A_13] : memref<128x384xf32, #tpu.memory_space<vmem>>, vector<128x384xf32>
    %dot_general3A = arith.constant dense<0.000000e+00> : vector<1000x384xf32>
    %dot_general3A_15 = tpu.matmul %add3A, %get3A_14, %dot_general3A {dimension_numbers = #tpu.dot_dimension_numbers<[1], [0], [0], [1], [0, 0, 1, 1], [], []>, transpose_lhs_hint = false} : vector<1000x128xf32>, vector<128x384xf32>, vector<1000x384xf32> -> vector<1000x384xf32>
    %get3A_16 = arith.constant 0 : index
    %get3A_17 = arith.constant 0 : index
    %get3A_18 = vector.load %arg5[%get3A_16, %get3A_17] : memref<1x384xf32, #tpu.memory_space<vmem>>, vector<1x384xf32>
    %add3A_19 = vector.broadcast %get3A_18 : vector<1x384xf32> to vector<1000x384xf32>
    %add3A_20 = arith.addf %dot_general3A_15, %add3A_19 : vector<1000x384xf32>
    %get3A_21 = arith.constant 0 : index
    %get3A_22 = arith.constant 0 : index
    %get3A_23 = vector.load %arg4[%get3A_21, %get3A_22] : memref<128x384xf32, #tpu.memory_space<vmem>>, vector<128x384xf32>
    %dot_general3A_24 = arith.constant dense<0.000000e+00> : vector<1000x384xf32>
    %dot_general3A_25 = tpu.matmul %get3A_11, %get3A_23, %dot_general3A_24 {dimension_numbers = #tpu.dot_dimension_numbers<[1], [0], [0], [1], [0, 0, 1, 1], [], []>, transpose_lhs_hint = false} : vector<1000x128xf32>, vector<128x384xf32>, vector<1000x384xf32> -> vector<1000x384xf32>
    %get3A_26 = arith.constant 0 : index
    %get3A_27 = arith.constant 0 : index
    %get3A_28 = vector.load %arg6[%get3A_26, %get3A_27] : memref<1x384xf32, #tpu.memory_space<vmem>>, vector<1x384xf32>
    %add3A_29 = vector.broadcast %get3A_28 : vector<1x384xf32> to vector<1000x384xf32>
    %add3A_30 = arith.addf %dot_general3A_25, %add3A_29 : vector<1000x384xf32>
    %slice3A = vector.extract_strided_slice %add3A_20 {offsets = [0, 0], sizes = [1000, 128], strides = [1, 1]} : vector<1000x384xf32> to vector<1000x128xf32>
    %slice3A_31 = vector.extract_strided_slice %add3A_30 {offsets = [0, 0], sizes = [1000, 128], strides = [1, 1]} : vector<1000x384xf32> to vector<1000x128xf32>
    %add3A_32 = arith.addf %slice3A, %slice3A_31 : vector<1000x128xf32>
    %logistic3A = arith.negf %add3A_32 : vector<1000x128xf32>
    %logistic3A_33 = math.exp %logistic3A : vector<1000x128xf32>
    %logistic3A_34 = arith.constant 1.000000e+00 : f32
    %logistic3A_35 = vector.broadcast %logistic3A_34 : f32 to vector<1000x128xf32>
    %logistic3A_36 = arith.addf %logistic3A_35, %logistic3A_33 : vector<1000x128xf32>
    %logistic3A_37 = arith.divf %logistic3A_35, %logistic3A_36 : vector<1000x128xf32>
    %slice3A_38 = vector.extract_strided_slice %add3A_20 {offsets = [0, 128], sizes = [1000, 128], strides = [1, 1]} : vector<1000x384xf32> to vector<1000x128xf32>
    %slice3A_39 = vector.extract_strided_slice %add3A_30 {offsets = [0, 128], sizes = [1000, 128], strides = [1, 1]} : vector<1000x384xf32> to vector<1000x128xf32>
    %add3A_40 = arith.addf %slice3A_38, %slice3A_39 : vector<1000x128xf32>
    %logistic3A_41 = arith.negf %add3A_40 : vector<1000x128xf32>
    %logistic3A_42 = math.exp %logistic3A_41 : vector<1000x128xf32>
    %logistic3A_43 = arith.constant 1.000000e+00 : f32
    %logistic3A_44 = vector.broadcast %logistic3A_43 : f32 to vector<1000x128xf32>
    %logistic3A_45 = arith.addf %logistic3A_44, %logistic3A_42 : vector<1000x128xf32>
    %logistic3A_46 = arith.divf %logistic3A_44, %logistic3A_45 : vector<1000x128xf32>
    %slice3A_47 = vector.extract_strided_slice %add3A_20 {offsets = [0, 256], sizes = [1000, 128], strides = [1, 1]} : vector<1000x384xf32> to vector<1000x128xf32>
    %slice3A_48 = vector.extract_strided_slice %add3A_30 {offsets = [0, 256], sizes = [1000, 128], strides = [1, 1]} : vector<1000x384xf32> to vector<1000x128xf32>
    %mul3A = arith.mulf %logistic3A_37, %slice3A_48 : vector<1000x128xf32>
    %add3A_49 = arith.addf %slice3A_47, %mul3A : vector<1000x128xf32>
    %tanh3A = math.tanh %add3A_49 : vector<1000x128xf32>
    %sub3A = arith.constant 1.000000e+00 : f32
    %sub3A_50 = vector.broadcast %sub3A : f32 to vector<1000x128xf32>
    %sub3A_51 = arith.subf %sub3A_50, %logistic3A_46 : vector<1000x128xf32>
    %mul3A_52 = arith.mulf %sub3A_51, %tanh3A : vector<1000x128xf32>
    %mul3A_53 = arith.mulf %logistic3A_46, %get3A_11 : vector<1000x128xf32>
    %add3A_54 = arith.addf %mul3A_52, %mul3A_53 : vector<1000x128xf32>
    %swap3A = arith.constant 0 : index
    %swap3A_55 = arith.constant 0 : index
    %swap3A_56 = vector.load %arg7[%swap3A, %swap3A_55] : memref<1000x128xf32, #tpu.memory_space<vmem>>, vector<1000x128xf32>
    tpu.vector_store %arg7[%swap3A, %swap3A_55], %add3A_54 {strides = array<i32>} : memref<1000x128xf32, #tpu.memory_space<vmem>>, vector<1000x128xf32>,
    return
  }
  func.func @transform_0(%arg0: i32) -> (i32, i32, i32) {
    %c0_i32 = arith.constant 0 : i32
    %c0_i32_0 = arith.constant 0 : i32
    %c0_i32_1 = arith.constant 0 : i32
    return %c0_i32, %arg0, %c0_i32_0 : i32, i32, i32
  }
  func.func @transform_1(%arg0: i32) -> (i32, i32) {
    %c0_i32 = arith.constant 0 : i32
    %c0_i32_0 = arith.constant 0 : i32
    return %arg0, %c0_i32 : i32, i32
  }
  func.func @transform_2(%arg0: i32) -> (i32, i32) {
    %c0_i32 = arith.constant 0 : i32
    %c0_i32_0 = arith.constant 0 : i32
    %c0_i32_1 = arith.constant 0 : i32
    return %c0_i32, %c0_i32_0 : i32, i32
  }
  func.func @transform_3(%arg0: i32) -> (i32, i32) {
    %c0_i32 = arith.constant 0 : i32
    %c0_i32_0 = arith.constant 0 : i32
    %c0_i32_1 = arith.constant 0 : i32
    return %c0_i32, %c0_i32_0 : i32, i32
  }
  func.func @transform_4(%arg0: i32) -> (i32, i32) {
    %c0_i32 = arith.constant 0 : i32
    %c0_i32_0 = arith.constant 0 : i32
    %c0_i32_1 = arith.constant 0 : i32
    return %c0_i32, %c0_i32_0 : i32, i32
  }
  func.func @transform_5(%arg0: i32) -> (i32, i32) {
    %c0_i32 = arith.constant 0 : i32
    %c0_i32_0 = arith.constant 0 : i32
    %c0_i32_1 = arith.constant 0 : i32
    return %c0_i32, %c0_i32_0 : i32, i32
  }
  func.func @transform_6(%arg0: i32) -> (i32, i32) {
    %c0_i32 = arith.constant 0 : i32
    %c0_i32_0 = arith.constant 0 : i32
    return %arg0, %c0_i32 : i32, i32
  }
}

module attributes {stable_mosaic.version = 14 : i64} {
  func.func @_readout_kernel(%arg0: i32, %arg1: memref<1000x128xf32, #tpu.memory_space<vmem>>, %arg2: memref<1000x128xf32, #tpu.memory_space<vmem>>, %arg3: memref<1x1x1000xi32, #tpu.memory_space<vmem>>, %arg4: memref<256x256xf32, #tpu.memory_space<vmem>>, %arg5: memref<1x256xf32, #tpu.memory_space<vmem>>, %arg6: memref<256x64xf32, #tpu.memory_space<vmem>>, %arg7: memref<1x64xf32, #tpu.memory_space<vmem>>, %arg8: memref<64x1xf32, #tpu.memory_space<vmem>>, %arg9: memref<1x1xf32, #tpu.memory_space<vmem>>, %arg10: memref<64x1xf32, #tpu.memory_space<vmem>>, %arg11: memref<64x64xf32, #tpu.memory_space<vmem>>) attributes {dimension_semantics = [#tpu.dimension_semantics<arbitrary>], iteration_bounds = array<i64: 10>, scalar_prefetch = 0 : i64, scratch_operands = 1 : i64, tpu.core_type = #tpu.core_type<tc>, window_params = [{transform_indices = @transform_0, window_bounds = array<i64: 1000, 128>}, {transform_indices = @transform_1, window_bounds = array<i64: 1000, 128>}, {transform_indices = @transform_2, window_bounds = array<i64: 1, 1, 1000>}, {pipeline_mode = #tpu.pipeline_mode<synchronous>, transform_indices = @transform_3, window_bounds = array<i64: 256, 256>}, {pipeline_mode = #tpu.pipeline_mode<synchronous>, transform_indices = @transform_4, window_bounds = array<i64: 1, 256>}, {pipeline_mode = #tpu.pipeline_mode<synchronous>, transform_indices = @transform_5, window_bounds = array<i64: 256, 64>}, {pipeline_mode = #tpu.pipeline_mode<synchronous>, transform_indices = @transform_6, window_bounds = array<i64: 1, 64>}, {pipeline_mode = #tpu.pipeline_mode<synchronous>, transform_indices = @transform_7, window_bounds = array<i64: 64, 1>}, {pipeline_mode = #tpu.pipeline_mode<synchronous>, transform_indices = @transform_8, window_bounds = array<i64: 1, 1>}, {pipeline_mode = #tpu.pipeline_mode<synchronous>, transform_indices = @transform_9, window_bounds = array<i64: 64, 1>}]} {
    %eq3A = arith.constant 0 : i32
    %eq3A_0 = arith.cmpi eq, %arg0, %eq3A : i32
    %convert_element_type3A = arith.extui %eq3A_0 : i1 to i32
    %cond3A = arith.constant 0 : i32
    %cond3A_1 = arith.cmpi ne, %convert_element_type3A, %cond3A : i32
    scf.if %cond3A_1 {
      %broadcast_in_dim3A_58 = arith.constant 0.000000e+00 : f32
      %broadcast_in_dim3A_59 = vector.broadcast %broadcast_in_dim3A_58 : f32 to vector<64x64xf32>
      %swap3A_60 = arith.constant 0 : index
      %swap3A_61 = arith.constant 0 : index
      %swap3A_62 = vector.load %arg11[%swap3A_60, %swap3A_61] : memref<64x64xf32, #tpu.memory_space<vmem>>, vector<64x64xf32>
      tpu.vector_store %arg11[%swap3A_60, %swap3A_61], %broadcast_in_dim3A_59 {strides = array<i32>} : memref<64x64xf32, #tpu.memory_space<vmem>>, vector<64x64xf32>,
    } else {
    }
    %get3A = arith.constant 0 : index
    %get3A_2 = arith.constant 0 : index
    %get3A_3 = vector.load %arg1[%get3A, %get3A_2] : memref<1000x128xf32, #tpu.memory_space<vmem>>, vector<1000x128xf32>
    %get3A_4 = arith.constant 0 : index
    %get3A_5 = arith.constant 0 : index
    %get3A_6 = vector.load %arg4[%get3A_4, %get3A_5] : memref<256x256xf32, #tpu.memory_space<vmem>>, vector<128x256xf32>
    %dot_general3A = arith.constant dense<0.000000e+00> : vector<1000x256xf32>
    %dot_general3A_7 = tpu.matmul %get3A_3, %get3A_6, %dot_general3A {dimension_numbers = #tpu.dot_dimension_numbers<[1], [0], [0], [1], [0, 0, 1, 1], [], []>, transpose_lhs_hint = false} : vector<1000x128xf32>, vector<128x256xf32>, vector<1000x256xf32> -> vector<1000x256xf32>
    %get3A_8 = arith.constant 0 : index
    %get3A_9 = arith.constant 0 : index
    %get3A_10 = vector.load %arg2[%get3A_8, %get3A_9] : memref<1000x128xf32, #tpu.memory_space<vmem>>, vector<1000x128xf32>
    %get3A_11 = arith.constant 128 : index
    %get3A_12 = arith.constant 0 : index
    %get3A_13 = vector.load %arg4[%get3A_11, %get3A_12] : memref<256x256xf32, #tpu.memory_space<vmem>>, vector<128x256xf32>
    %dot_general3A_14 = arith.constant dense<0.000000e+00> : vector<1000x256xf32>
    %dot_general3A_15 = tpu.matmul %get3A_10, %get3A_13, %dot_general3A_14 {dimension_numbers = #tpu.dot_dimension_numbers<[1], [0], [0], [1], [0, 0, 1, 1], [], []>, transpose_lhs_hint = false} : vector<1000x128xf32>, vector<128x256xf32>, vector<1000x256xf32> -> vector<1000x256xf32>
    %add3A = arith.addf %dot_general3A_7, %dot_general3A_15 : vector<1000x256xf32>
    %get3A_16 = arith.constant 0 : index
    %get3A_17 = arith.constant 0 : index
    %get3A_18 = vector.load %arg5[%get3A_16, %get3A_17] : memref<1x256xf32, #tpu.memory_space<vmem>>, vector<1x256xf32>
    %add3A_19 = vector.broadcast %get3A_18 : vector<1x256xf32> to vector<1000x256xf32>
    %add3A_20 = arith.addf %add3A, %add3A_19 : vector<1000x256xf32>
    %max3A = arith.constant 0.000000e+00 : f32
    %max3A_21 = vector.broadcast %max3A : f32 to vector<1000x256xf32>
    %max3A_22 = arith.maximumf %add3A_20, %max3A_21 : vector<1000x256xf32>
    %get3A_23 = arith.constant 0 : index
    %get3A_24 = arith.constant 0 : index
    %get3A_25 = vector.load %arg6[%get3A_23, %get3A_24] : memref<256x64xf32, #tpu.memory_space<vmem>>, vector<256x64xf32>
    %dot_general3A_26 = arith.constant dense<0.000000e+00> : vector<1000x64xf32>
    %dot_general3A_27 = tpu.matmul %max3A_22, %get3A_25, %dot_general3A_26 {dimension_numbers = #tpu.dot_dimension_numbers<[1], [0], [0], [1], [0, 0, 1, 1], [], []>, transpose_lhs_hint = false} : vector<1000x256xf32>, vector<256x64xf32>, vector<1000x64xf32> -> vector<1000x64xf32>
    %get3A_28 = arith.constant 0 : index
    %get3A_29 = arith.constant 0 : index
    %get3A_30 = vector.load %arg7[%get3A_28, %get3A_29] : memref<1x64xf32, #tpu.memory_space<vmem>>, vector<1x64xf32>
    %add3A_31 = vector.broadcast %get3A_30 : vector<1x64xf32> to vector<1000x64xf32>
    %add3A_32 = arith.addf %dot_general3A_27, %add3A_31 : vector<1000x64xf32>
    %max3A_33 = arith.constant 0.000000e+00 : f32
    %max3A_34 = vector.broadcast %max3A_33 : f32 to vector<1000x64xf32>
    %max3A_35 = arith.maximumf %add3A_32, %max3A_34 : vector<1000x64xf32>
    %get3A_36 = arith.constant 0 : index
    %get3A_37 = arith.constant 0 : index
    %get3A_38 = arith.constant 0 : index
    %get3A_39 = vector.load %arg3[%get3A_36, %get3A_37, %get3A_38] : memref<1x1x1000xi32, #tpu.memory_space<vmem>>, vector<1x1x1000xi32>
    %get3A_40 = vector.shape_cast %get3A_39 : vector<1x1x1000xi32> to vector<1000xi32>
    %iota3A = tpu.iota {dimensions = array<i32: 1>} : vector<1000x64xi32>
    %broadcast_in_dim3A = vector.shape_cast %get3A_40 : vector<1000xi32> to vector<1000x1xi32>
    %eq3A_41 = vector.broadcast %broadcast_in_dim3A : vector<1000x1xi32> to vector<1000x64xi32>
    %eq3A_42 = arith.cmpi eq, %eq3A_41, %iota3A : vector<1000x64xi32>
    %convert_element_type3A_43 = arith.extui %eq3A_42 : vector<1000x64xi1> to vector<1000x64xi32>
    %convert_element_type3A_44 = arith.sitofp %convert_element_type3A_43 : vector<1000x64xi32> to vector<1000x64xf32>
    %get3A_45 = arith.constant 0 : index
    %get3A_46 = arith.constant 0 : index
    %get3A_47 = vector.load %arg11[%get3A_45, %get3A_46] : memref<64x64xf32, #tpu.memory_space<vmem>>, vector<64x64xf32>
    %dot_general3A_48 = arith.constant dense<0.000000e+00> : vector<64x64xf32>
    %dot_general3A_49 = tpu.matmul %convert_element_type3A_44, %max3A_35, %dot_general3A_48 {dimension_numbers = #tpu.dot_dimension_numbers<[0], [0], [1], [1], [0, 1, 1, 1], [], []>, transpose_lhs_hint = false} : vector<1000x64xf32>, vector<1000x64xf32>, vector<64x64xf32> -> vector<64x64xf32>
    %add3A_50 = arith.addf %get3A_47, %dot_general3A_49 : vector<64x64xf32>
    %swap3A = arith.constant 0 : index
    %swap3A_51 = arith.constant 0 : index
    %swap3A_52 = vector.load %arg11[%swap3A, %swap3A_51] : memref<64x64xf32, #tpu.memory_space<vmem>>, vector<64x64xf32>
    tpu.vector_store %arg11[%swap3A, %swap3A_51], %add3A_50 {strides = array<i32>} : memref<64x64xf32, #tpu.memory_space<vmem>>, vector<64x64xf32>,
    %eq3A_53 = arith.constant 9 : i32
    %eq3A_54 = arith.cmpi eq, %arg0, %eq3A_53 : i32
    %convert_element_type3A_55 = arith.extui %eq3A_54 : i1 to i32
    %cond3A_56 = arith.constant 0 : i32
    %cond3A_57 = arith.cmpi ne, %convert_element_type3A_55, %cond3A_56 : i32
    scf.if %cond3A_57 {
      %get3A_58 = arith.constant 0 : index
      %get3A_59 = arith.constant 0 : index
      %get3A_60 = vector.load %arg11[%get3A_58, %get3A_59] : memref<64x64xf32, #tpu.memory_space<vmem>>, vector<64x64xf32>
      %get3A_61 = arith.constant 0 : index
      %get3A_62 = arith.constant 0 : index
      %get3A_63 = vector.load %arg8[%get3A_61, %get3A_62] : memref<64x1xf32, #tpu.memory_space<vmem>>, vector<64x1xf32>
      %dot_general3A_64 = arith.constant dense<0.000000e+00> : vector<64x1xf32>
      %dot_general3A_65 = tpu.matmul %get3A_60, %get3A_63, %dot_general3A_64 {dimension_numbers = #tpu.dot_dimension_numbers<[1], [0], [0], [1], [0, 0, 1, 1], [], []>, transpose_lhs_hint = false} : vector<64x64xf32>, vector<64x1xf32>, vector<64x1xf32> -> vector<64x1xf32>
      %get3A_66 = arith.constant 0 : index
      %get3A_67 = arith.constant 0 : index
      %get3A_68 = vector.load %arg9[%get3A_66, %get3A_67] : memref<1x1xf32, #tpu.memory_space<vmem>>, vector<1x1xf32>
      %add3A_69 = vector.broadcast %get3A_68 : vector<1x1xf32> to vector<64x1xf32>
      %add3A_70 = arith.addf %dot_general3A_65, %add3A_69 : vector<64x1xf32>
      %logistic3A = arith.negf %add3A_70 : vector<64x1xf32>
      %logistic3A_71 = math.exp %logistic3A : vector<64x1xf32>
      %logistic3A_72 = arith.constant 1.000000e+00 : f32
      %logistic3A_73 = vector.broadcast %logistic3A_72 : f32 to vector<64x1xf32>
      %logistic3A_74 = arith.addf %logistic3A_73, %logistic3A_71 : vector<64x1xf32>
      %logistic3A_75 = arith.divf %logistic3A_73, %logistic3A_74 : vector<64x1xf32>
      %swap3A_76 = arith.constant 0 : index
      %swap3A_77 = arith.constant 0 : index
      %swap3A_78 = vector.load %arg10[%swap3A_76, %swap3A_77] : memref<64x1xf32, #tpu.memory_space<vmem>>, vector<64x1xf32>
      tpu.vector_store %arg10[%swap3A_76, %swap3A_77], %logistic3A_75 {strides = array<i32>} : memref<64x1xf32, #tpu.memory_space<vmem>>, vector<64x1xf32>,
    } else {
    }
    return
  }
  func.func @transform_0(%arg0: i32) -> (i32, i32) {
    %c0_i32 = arith.constant 0 : i32
    %c0_i32_0 = arith.constant 0 : i32
    return %arg0, %c0_i32 : i32, i32
  }
  func.func @transform_1(%arg0: i32) -> (i32, i32) {
    %c0_i32 = arith.constant 0 : i32
    %c0_i32_0 = arith.constant 0 : i32
    return %arg0, %c0_i32 : i32, i32
  }
  func.func @transform_2(%arg0: i32) -> (i32, i32, i32) {
    %c0_i32 = arith.constant 0 : i32
    %c0_i32_0 = arith.constant 0 : i32
    %c0_i32_1 = arith.constant 0 : i32
    return %arg0, %c0_i32, %c0_i32_0 : i32, i32, i32
  }
  func.func @transform_3(%arg0: i32) -> (i32, i32) {
    %c0_i32 = arith.constant 0 : i32
    %c0_i32_0 = arith.constant 0 : i32
    %c0_i32_1 = arith.constant 0 : i32
    return %c0_i32, %c0_i32_0 : i32, i32
  }
  func.func @transform_4(%arg0: i32) -> (i32, i32) {
    %c0_i32 = arith.constant 0 : i32
    %c0_i32_0 = arith.constant 0 : i32
    %c0_i32_1 = arith.constant 0 : i32
    return %c0_i32, %c0_i32_0 : i32, i32
  }
  func.func @transform_5(%arg0: i32) -> (i32, i32) {
    %c0_i32 = arith.constant 0 : i32
    %c0_i32_0 = arith.constant 0 : i32
    %c0_i32_1 = arith.constant 0 : i32
    return %c0_i32, %c0_i32_0 : i32, i32
  }
  func.func @transform_6(%arg0: i32) -> (i32, i32) {
    %c0_i32 = arith.constant 0 : i32
    %c0_i32_0 = arith.constant 0 : i32
    %c0_i32_1 = arith.constant 0 : i32
    return %c0_i32, %c0_i32_0 : i32, i32
  }
  func.func @transform_7(%arg0: i32) -> (i32, i32) {
    %c0_i32 = arith.constant 0 : i32
    %c0_i32_0 = arith.constant 0 : i32
    %c0_i32_1 = arith.constant 0 : i32
    return %c0_i32, %c0_i32_0 : i32, i32
  }
  func.func @transform_8(%arg0: i32) -> (i32, i32) {
    %c0_i32 = arith.constant 0 : i32
    %c0_i32_0 = arith.constant 0 : i32
    %c0_i32_1 = arith.constant 0 : i32
    return %c0_i32, %c0_i32_0 : i32, i32
  }
  func.func @transform_9(%arg0: i32) -> (i32, i32) {
    %c0_i32 = arith.constant 0 : i32
    %c0_i32_0 = arith.constant 0 : i32
    %c0_i32_1 = arith.constant 0 : i32
    return %c0_i32, %c0_i32_0 : i32, i32
  }
}

</mosaic_0001>

<sc_bundles>
// kernel: kernel.10.cloned.1.call-start
scs
__scs_entry_jumppad:
0x0: {  	(pc) =	sbr.rel $0x88, $3  }
0x1: {  	(tag) =	ssettag $0x0;
	lr =	simm.s32 $0x1  }
0x2: {  	[smem:$0x3F93] =	sst lr;
	_ =	strace $0xD0000000  }
0x3: {  	_ = 	snop  }
0x4: {  	_ = 	snop  }
0x5: {  	_ = 	snop  }
0x6: {  	_ = 	snop  }
0x7: {  	_ = 	snop  }
__scs_overlays_trampoline_lowered:
0x8: {  	[smem:$0x3FA2] =	sst s0  }
0x9: {  	[smem:$0x3FA3] =	sst s1  }
0xa: {  	[smem:$0x3FA4] =	sst s2  }
0xb: {  	[smem:$0x3FA5] =	sst s3  }
0xc: {  	[smem:$0x3FA6] =	sst s4  }
0xd: {  	[smem:$0x3FA7] =	sst s5  }
0xe: {  	[smem:$0x3FA8] =	sst s6  }
0xf: {  	[smem:$0x3FA9] =	sst s7  }
0x10: {  	[smem:$0x3FAA] =	sst s8  }
0x11: {  	[smem:$0x3FAB] =	sst s9;
	s0 =	simm.s32 @!p0 $0x0  }
0x12: {  	s1 =	sld [smem:$0x3F91];
	s0 =	simm.s32 @p0 $0x1  }
0x13: {  	[smem:$0x3FAC] =	sst s0;
	s0 =	simm.s32 @!p1 $0x0  }
0x14: {  	s2 =	sld [smem:$0x3F90];
	s0 =	simm.s32 @p1 $0x1  }
0x15: {  	[smem:$0x3FAD] =	sst s0;
	s0 =	simm.s32 @!p2 $0x0  }
0x16: {  	s3 =	sld [smem:$0x3FDB];
	s0 =	simm.s32 @p2 $0x1  }
0x17: {  	s4 =	simm.s32 $0x1BF5;
	[smem:$0x3FAF] =	sst s0  }
0x18: {  	s0 =	sld [smem:$0x3F92];
	_ =	swait.ge [sflag:s4], $0x0  }
0x19: {  	s7 =	sld [smem:$0x3F93]  }
0x1a: {  	s8 =	sadd.s32 $0xFFFFE003, lr  }
0x1b: {  	s9 =	sadd.s32 $0xFFFFFEF7, lr;
	s5 =	simm.s32 $0xFFFFFFFF;
	p2 =	slt.u32 s8, $0xFFFFF086  }
0x1c: {  	p1 =	slt.u32 s9, $0xF7A;
	s5 =	simm.s32 @!p2 $0x0  }
0x1d: {  	s5 =	simm.s32 @p1 $0x1;
	p0 =	seq.s32 s7, s2  }
0x1e: {  	s7 =	smul.u32 @!p0 $0xF7A, s2;
	p2 =	seq.s32 @!p0 s5, $0x0  }
0x1f: {  	s9 =	smul.u32 $0xF7A, s1;
	s8 =	simm.s32 @!p0 $0x1BF5;
	p2 =	por !p2, p0  }
0x20: {  	[sflag:s8] =	ssyncset.s32 @!p0 $0xFFFFF086;
	s6 =	sadd.s32 @!p0 s3, s7;
	s7 =	simm.s32 @!p0 $0x108  }
0x21: {  	s3 =	sadd.s32 s3, s9;
	s6 =	sadd.s32 @!p0 $0x88, s6;
	s7 =	simm.s32 @p2 $0x1082  }
0x22: {  	[simem:s7], [sflag:s8] =	dma.local @!p0 [hbm:s6], $0xF7A  }
0x23: {  	s9 =	sor.u32 $0xD0000000, s2;
	s6 =	simm.s32 $0x108;
	_ =	swait.ge @!p0 [sflag:s8], $0x0  }
0x24: {  	s3 =	sadd.s32 $0x88, s3;
	s6 =	simm.s32 @!p1 $0x1082;
	[sflag:s4] =	ssyncset.s32 $0xFFFFF086  }
0x25: {  	[simem:s6], [sflag:s4] =	dma.local [hbm:s3], $0xF7A  }
0x26: {  	[smem:$0x3F93] =	sst s1;
	(tag) =	ssettag s2;
	_ =	strace s9  }
0x27: {  	s1 =	sld [smem:$0x3FA3]  }
0x28: {  	s2 =	sld [smem:$0x3FA4]  }
0x29: {  	s4 =	sld [smem:$0x3FA6]  }
0x2a: {  	p0 =	seq.s32 s5, $0x0;
	s5 =	sld [smem:$0x3FA7]  }
0x2b: {  	s6 =	sld [smem:$0x3FA8]  }
0x2c: {  	s7 =	sld [smem:$0x3FA9]  }
0x2d: {  	s3 =	simm.s32 $0x108;
	s8 =	sld [smem:$0x3FAA]  }
0x2e: {  	s3 =	simm.s32 @!p0 $0x1082;
	s9 =	sld [smem:$0x3FAB]  }
0x2f: {  	lr =	sadd.s32 s0, s3;
	s0 =	sld [smem:$0x3FA2]  }
0x30: {  	s3 =	sld [smem:$0x3FA5]  }
0x31: {  	[smem:$0x3FAE] =	sst s10  }
0x32: {  	s10 =	sld [smem:$0x3FAC];
	_ =	sdelay $0x3  }
0x33: {  	p0 =	seq.s32 s10, $0x1;
	s10 =	sld [smem:$0x3FAE];
	_ =	sdelay $0x3  }
0x34: {  	[smem:$0x3FAE] =	sst s10  }
0x35: {  	s10 =	sld [smem:$0x3FAD];
	_ =	sdelay $0x3  }
0x36: {  	p1 =	seq.s32 s10, $0x1;
	s10 =	sld [smem:$0x3FAE];
	_ =	sdelay $0x3  }
0x37: {  	[smem:$0x3FAE] =	sst s10  }
0x38: {  	s10 =	sld [smem:$0x3FAF]  }
0x39: {  	_ = 	snop;
	(pc) =	sbr.ind lr, $3  }
0x3a: {  	_ = 	snop  }
0x3b: {  	_ = 	snop  }
0x3c: {  	p2 =	seq.s32 s10, $0x1;
	s10 =	sld [smem:$0x3FAE]  }
0x3d: {  	_ =	shalt  }
0x3e: {  	_ =	shalt  }
0x3f: {  	_ =	shalt  }
0x40: {  	_ =	shalt  }
0x41: {  	_ =	shalt  }
0x42: {  	_ =	shalt  }
0x43: {  	_ =	shalt  }
0x44: {  	_ =	shalt  }
0x45: {  	_ =	shalt  }
0x46: {  	_ =	shalt  }
0x47: {  	_ =	shalt  }
0x48: {  	_ =	shalt  }
0x49: {  	_ =	shalt  }
0x4a: {  	_ =	shalt  }
0x4b: {  	_ =	shalt  }
0x4c: {  	_ =	shalt  }
0x4d: {  	_ =	shalt  }
0x4e: {  	_ =	shalt  }
0x4f: {  	_ =	shalt  }
0x50: {  	_ =	shalt  }
0x51: {  	_ =	shalt  }
0x52: {  	_ =	shalt  }
0x53: {  	_ =	shalt  }
0x54: {  	_ =	shalt  }
0x55: {  	_ =	shalt  }
0x56: {  	_ =	shalt  }
0x57: {  	_ =	shalt  }
0x58: {  	_ =	shalt  }
0x59: {  	_ =	shalt  }
0x5a: {  	_ =	shalt  }
0x5b: {  	_ =	shalt  }
0x5c: {  	_ =	shalt  }
0x5d: {  	_ =	shalt  }
0x5e: {  	_ =	shalt  }
0x5f: {  	_ =	shalt  }
0x60: {  	_ =	shalt  }
0x61: {  	_ =	shalt  }
0x62: {  	_ =	shalt  }
0x63: {  	_ =	shalt  }
0x64: {  	_ =	shalt  }
0x65: {  	_ =	shalt  }
0x66: {  	_ =	shalt  }
0x67: {  	_ =	shalt  }
0x68: {  	_ =	shalt  }
0x69: {  	_ =	shalt  }
0x6a: {  	_ =	shalt  }
0x6b: {  	_ =	shalt  }
0x6c: {  	_ =	shalt  }
0x6d: {  	_ =	shalt  }
0x6e: {  	_ =	shalt  }
0x6f: {  	_ =	shalt  }
0x70: {  	_ =	shalt  }
0x71: {  	_ =	shalt  }
0x72: {  	_ =	shalt  }
0x73: {  	_ =	shalt  }
0x74: {  	_ =	shalt  }
0x75: {  	_ =	shalt  }
0x76: {  	_ =	shalt  }
0x77: {  	_ =	shalt  }
0x78: {  	_ =	shalt  }
0x79: {  	_ =	shalt  }
0x7a: {  	_ =	shalt  }
0x7b: {  	_ =	shalt  }
0x7c: {  	_ =	shalt  }
0x7d: {  	_ =	shalt  }
0x7e: {  	_ =	shalt  }
0x7f: {  	_ =	shalt  }
0x80: {  	_ =	shalt  }
0x81: {  	_ =	shalt  }
0x82: {  	_ =	shalt  }
0x83: {  	_ =	shalt  }
0x84: {  	_ =	shalt  }
0x85: {  	_ =	shalt  }
0x86: {  	_ =	shalt  }
0x87: {  	_ =	shalt  }
.Lfunc_end0:
.L_simem_size_0:
called_computation_lowered:
.L_overlay_start_0:
0x88: {  	s2 =	sld [smem:$0x3FD9]  }
0x89: {  	s3 =	sld [smem:$0x3FFE];
	_ =	sdelay $0x1  }
0x8a: {  	s1 =	srdreg.scid  }
0x8b: {  	s0 =	sand.u32 $0x1, s1  }
0x8c: {  	s16 =	sshll.u32 s0, $0xA;
	s2 =	sadd.s32 s3, s2  }
0x8d: {  	s2 =	sadd.s32 s2, s16  }
0x8e: {  	[smem:$0x3FBA] =	sst s2  }
0x8f: {  	_ = 	snop  }
0x90: {  	(tm) =	ssettm $0x1  }
0x91: {  	s17 =	sld [smem:$0x3FFB];
	_ =	sdelay $0x3  }
0x92: {  	_ =	strace s17  }
0x93: {  	s2 =	sld [smem:$0x3FFC];
	_ =	sdelay $0x3  }
0x94: {  	_ =	strace s2  }
0x95: {  	s2 =	sld [smem:$0x3FFD];
	_ =	sdelay $0x3  }
0x96: {  	_ =	strace s2  }
0x97: {  	_ =	strace $0x8FFFFFFF  }
0x98: {  	s18 =	sld [smem:$0x3FDB];
	_ =	sdelay $0x1  }
0x99: {  	s19 =	simm.s32 $_scs_section_size  }
0x9a: {  	s4 =	simm.s32 $_size__tile_overlayer_lowered;
	s5 =	simm.s32 $_tile_overlayer_lowered  }
0x9b: {  	s22 =	simm.s32 $0x1BFF;
	s21 =	sshll.u32 s5, $0x1;
	s2 =	sadd.s32 s19, s18  }
0x9c: {  	s6 =	simm.s32 $0x0;
	s20 =	sshll.u32 s4, $0x1;
	s4 =	sadd.s32 s21, s2  }
0x9d: {  	[timem:s6], [sflag:s22] =	dma.local [hbm:s4], s20  }
0x9e: {  	_ =	swait.ge [sflag:s22], s20  }
0x9f: {  	s3 =	ssub.s32 $0x0, s20;
	[sflag:s22] =	ssyncset.done $0x0  }
0xa0: {  	[sflag:s22] =	ssyncadd.s32 s3;
	_ =	sdelay $0x1  }
0xa1: {  	s23 =	simm.s32 $0x1B8B  }
0xa2: {  	_ =	swait.ge [sflag:s23], $0x1  }
0xa3: {  	[sflag:s23] =	ssyncset.done $0x0  }
0xa4: {  	s25 =	simm.s32 $0x1B8E;
	s24 =	sld [smem:$0x3FFE];
	[sflag:s23] =	ssyncadd.s32 $0xFFFFFFFF  }
0xa5: {  	s26 =	simm.s32 $execute0_lowered;
	[smem:$0x3FD2] =	sst s25  }
0xa6: {  	s4 =	sshll.u32 s26, $0x1;
	_ =	strace $0x80000046;
	[dreg:$0x1] =	wrdreg $0xFFFFFFFF  }
0xa7: {  	s28 =	simm.s32 $_size_execute0_lowered;
	s2 =	sadd.s32 s2, s4;
	[dreg:$0x0] =	wrdreg $0x0  }
0xa8: {  	s4 =	sshll.u32 s28, $0x1;
	[dreg:$0x2] =	wrdreg s2  }
0xa9: {  	[dreg:$0x3] =	wrdreg s4  }
0xaa: {  	[dreg:$0x4] =	wrdreg $0xC0  }
0xab: {  	_ =	task [dreg:s6], $0x5FFFF  }
0xac: {  	[dreg:$0x1] =	wrdreg $0xFFFFFFFF  }
0xad: {  	[dreg:$0x0] =	wrdreg $0x60  }
0xae: {  	[dreg:$0x2] =	wrdreg s24  }
0xaf: {  	[dreg:$0x3] =	wrdreg $0xAA000  }
0xb0: {  	[dreg:$0x4] =	wrdreg $0x9  }
0xb1: {  	_ =	task.clear_ibuf [dreg:s6], $0x5FFFF;
	_ =	strace $0x90000046  }
0xb2: {  	s29 =	simm.s32 $0x9;
	_ =	strace $0x80000048  }
0xb3: {  	_ =	swait.ge [sflag:s29], $0x1  }
0xb4: {  	[sflag:s29] =	ssyncadd.s32 $0xFFFFFFFF  }
0xb5: {  	_ =	strace $0x90000048  }
0xb6: {  	_ =	sfence  }
0xb7: {  	s30 =	sld [smem:$0x0];
	_ =	sdelay $0x2  }
0xb8: {  	s31 =	sshll.u32 s1, $0xD;
	s1 =	sshrl.u32 s1, $0x2  }
0xb9: {  	s3 =	sand.u32 $0x4000, s31;
	s1 =	sadd.s32 s1, s30  }
0xba: {  	s0 =	sor.u32 s3, s0;
	s1 =	sshll.u32 s1, $0x11  }
0xbb: {  	s0 =	sor.u32 s1, s0  }
0xbc: {  	s0 =	sadd.s32 $0x8F2B, s0  }
0xbd: {  	[sflag:s0] =	ssyncadd.remote.s32 $0x1  }
0xbe: {  	_ =	sfence.sel $0xFFFF  }
0xbf: {  	[dreg:$0x0] =	wrdreg $0xFFFFFFFF;
	(pc) =	sbr.abs _section_cstart, $3  }
0xc0: {  	[dreg:$0x1] =	wrdreg $0xFFFFFFFF  }
0xc1: {  	_ =	task.clear_ibuf [dreg:s6], $0x2FFFF;
	_ =	strace $0x9FFFFFFF  }
0xc2: {  	(tm) =	ssettm $0x7FFFFFFF  }
0xc3: {  	_ =	shalt  }
tec
execute0_lowered:
.L_overlay_start_1:
0x0: {  	(tag) =	ssettag $0x1  }
0x1: {  	s0 =	srdreg.scid  }
0x2: {  	s1 =	rddreg [dreg:$0x0];
	s13 =	stileid.u32  }
0x3: {  	s2 =	rddreg [dreg:$0x1];
	s28 =	simm.s32 $0x2880;
	s7 =	smul.u32 $0x4E000, s13  }
0x4: {  	s30 =	simm.s32 $0x6A00;
	s31 =	simm.s32 $0x2900;
	s12 =	smul.u32 $0x2700, s13  }
0x5: {  	s29 =	simm.s32 $0x7;
	s0 =	sand.u32 $0x1, s0;
	s19 =	smul.u32 $0x2710, s13  }
0x6: {  	s15 =	sadd.s32 $0x138000, s2;
	p0 =	sne.s32 s13, $0xF;
	s11 =	smul.u32 $0x27100, s0  }
0x7: {  	s3 =	sshll.u32 s0, $0x4;
	s6 =	ssub.s32 $0x2, s0;
	s0 =	smul.u32 $0x138800, s0  }
0x8: {  	s4 =	sor.u32 s13, s3;
	s3 =	simm.s32 $0x0;
	s10 =	sshrl.u32 s6, $0x1  }
0x9: {  	s7 =	sshrl.u32 s7, $0x2;
	s13 =	simm.s32 $0x0;
	s5 =	smul.u32 $0x2710, s4  }
0xa: {  	[smem:$0x7FF] =	sst s3;
	s4 =	sadd.s32 $0x16400, s1;
	s10 =	ssub.s32 s6, s10  }
0xb: {  	s6 =	sadd.s32 s7, s2;
	s18 =	sadd.s32 s12, s11;
	s0 =	sshrl.u32 s0, $0x3  }
0xc: {  	s22 =	sadd.s32 s19, s11;
	_ =	strace $0x80000047;
	s21 =	smax.u32 s10, $0x1  }
0xd: {  	s23 =	sadd.s32 $0x100, s22;
	s24 =	sadd.s32 $0x140, s22;
	[dreg:$0x3] =	wrdreg s15  }
0xe: {  	s8 =	sshrl.u32 s5, $0x3;
	s5 =	sadd.s32 $0x2800, s1;
	[dreg:$0xc] =	wrdreg s21  }
0xf: {  	[dreg:$0xd] =	wrdreg s23;
	s9 =	sadd.s32 s8, s1;
	s14 =	sadd.s32 s5, s8  }
0x10: {  	s25 =	sadd.s32 $0x180, s22;
	s9 =	sadd.s32 $0xC600, s9;
	[dreg:$0x5] =	wrdreg s14  }
0x11: {  	s10 =	simm.s32 $0x4;
	s8 =	sadd.s32 $0x8, s14;
	[dreg:$0x4] =	wrdreg s9  }
0x12: {  	s21 =	simm.s32 $0x2A00;
	s16 =	sadd.s32 $0x10, s14;
	[dreg:$0x6] =	wrdreg s8  }
0x13: {  	s23 =	simm.s32 $0x2780;
	s17 =	sadd.s32 $0x18, s14;
	[dreg:$0x7] =	wrdreg s16  }
0x14: {  	s1 =	sadd.s32 $0x3D600, s1;
	s7 =	sadd.s32 $0x4E0, s14;
	[dreg:$0x8] =	wrdreg s17  }
0x15: {  	s20 =	sadd.s32 s1, s18;
	s0 =	sadd.s32 s1, s0;
	[dreg:$0x9] =	wrdreg s7  }
0x16: {  	s1 =	sshrl.u32 s24, $0x3;
	s24 =	simm.s32 $0x40;
	[dreg:$0xa] =	wrdreg s20  }
0x17: {  	s0 =	sadd.s32 $0x27000, s0;
	s8 =	sshrl.u32 s25, $0x3;
	s1 =	sadd.s32 s1, s5  }
.Ltmp0:
0x18: {  	s25 =	simm.s32 $0x5;
	[dreg:$0xb] =	wrdreg s0;
	(pc) =	sbr.rel .LBB2_1-.Ltmp0, $4  }
0x19: {  	s0 =	sadd.s32 $0x1C0, s22;
	[dreg:$0xe] =	wrdreg s1;
	s26 =	sadd.s32 s8, s5  }
0x1a: {  	s22 =	simm.s32 $0x9;
	s1 =	simm.s32 $0x3;
	s0 =	sshrl.u32 s0, $0x3  }
0x1b: {  	s8 =	simm.s32 $0x8;
	[dreg:$0xf] =	wrdreg s26;
	s0 =	sadd.s32 s0, s5  }
0x1c: {  	v0 =	vimm.f32 $0.0e+00;
	s26 =	simm.s32 $0x1;
	[dreg:$0x10] =	wrdreg s0;
	s0 =	simm.s32 $0x8A00  }
.LBB2_8:
0x1d: {  	_ =	swait.ge [sflag:s8], $0x40  }
0x1e: {  	[sflag:s8] =	ssyncset.done $0x0  }
0x1f: {  	[sflag:s8] =	ssyncadd.s32 $0xFFFFFFC0  }
0x20: {  	_ =	swait.ge [sflag:s10], $0x2000  }
0x21: {  	[sflag:s10] =	ssyncset.done $0x0  }
0x22: {  	[sflag:s10] =	ssyncadd.s32 $0xFFFFE000  }
0x23: {  	[spmem:s2] =	stream.indirect.scatter.add.f32 [tilespmem:s0], [sflag:$0x9], $0x80, s31, s24, $0xb8;
	[tilespmem:$0x1E280] =	vst v63  }
0x24: {  	_ =	swait.ge [sflag:s22], $0x2000  }
0x25: {  	[sflag:s22] =	ssyncset.done $0x0  }
0x26: {  	s9 =	simm.s32 $0x2980;
	s7 =	rddreg [dreg:$0x9];
	[sflag:s22] =	ssyncadd.s32 $0xFFFFE000  }
0x27: {  	[tilespmem:s9], [sflag:$0x9] =	stream.linear.gather [hbm4b:s7+s3], $0x10, $0x38;
	[tilespmem:$0x1E280] =	vst v63  }
0x28: {  	_ =	swait.ge [sflag:s22], $0x10  }
0x29: {  	[sflag:s22] =	ssyncset.done $0x0  }
0x2a: {  	s16 =	simm.s32 $0x10;
	s11 =	simm.s32 $0x2700;
	[sflag:s22] =	ssyncadd.s32 $0xFFFFFFF0  }
0x2b: {  	[tilespmem:s21], [sflag:$0x1] =	stream.indirect.gather [hbm4b:s4+s16], $0x80, s11, s16, $0xb8;
	[tilespmem:$0x1E280] =	vst v63  }
0x2c: {  	_ =	swait.ge [sflag:s26], $0x800  }
0x2d: {  	[sflag:s26] =	ssyncset.done $0x0  }
0x2e: {  	[sflag:s26] =	ssyncadd.s32 $0xFFFFF800  }
0x2f: {  	[spmem:s2] =	stream.indirect.scatter.add.f32 [tilespmem:s21], [sflag:$0x9], $0x80, s9, s16, $0xb8;
	[tilespmem:$0x1E280] =	vst v63  }
0x30: {  	_ =	swait.ge [sflag:s22], $0x800  }
0x31: {  	[sflag:s22] =	ssyncset.done $0x0  }
0x32: {  	s17 =	stileid.u32;
	[sflag:s22] =	ssyncadd.s32 $0xFFFFF800  }
0x33: {  	s7 =	sshll.u32 s17, $0x6;
	[bflag:$0x0] =	sbarrier.arrive $0xFFFF  }
0x34: {  	s18 =	sshrl.u32 s6, $0x3;
	s7 =	sor.u32 $0x1C09, s7;
	s19 =	rddreg [dreg:$0xa]  }
0x35: {  	[hbm:s19], [sflag:s7] =	dma.local [spmem:s18], $0x2700  }
0x36: {  	_ =	swait.ge [sflag:s22], $0x2700  }
0x37: {  	[sflag:s22] =	ssyncset.done $0x0;
	s15 =	rddreg [dreg:$0x3]  }
0x38: {  	s11 =	rddreg [dreg:$0xb];
	[sflag:s22] =	ssyncadd.s32 $0xFFFFD900;
	s9 =	sshrl.u32 @!p0 s15, $0x3  }
0x39: {  	[hbm:s11], [sflag:s7] =	dma.local @!p0 [spmem:s9], $0x100  }
0x3a: {  	s7 =	simm.s32 @!p0 $0x9  }
0x3b: {  	_ =	swait.ge @!p0 [sflag:s7], $0x100  }
0x3c: {  	s13 =	sadd.s32 $0x1, s13;
	s20 =	rddreg [dreg:$0xc]  }
0x3d: {  	p1 =	sne.s32 s13, s20  }
.Ltmp1:
0x3e: {  	_ = 	snop;
	(pc) =	sbr.rel @!p1 .LBB2_9-.Ltmp1, $3  }
0x3f: {  	_ =	sdelay $0x1  }
0x40: {  	[sflag:s7] =	ssyncset.done @!p0 $0x0  }
0x41: {  	[sflag:s7] =	ssyncadd.s32 @!p0 $0xFFFFFF00  }
.LBB2_1:
0x42: {  	s14 =	simm.s32 $0x0;
	s17 =	simm.s32 $0x200  }
.LBB2_2:
0x43: {  	p1 =	sne.s32 s17, $0x1E00;
	[tilespmem:s14+$0x2A70] =	vst v0  }
0x44: {  	[tilespmem:s14+$0x2A00] =	vst v0  }
0x45: {  	[tilespmem:s14+$0x2A10] =	vst v0  }
.Ltmp2:
0x46: {  	[tilespmem:s14+$0x2A20] =	vst v0;
	(pc) =	sbr.rel @p1 .LBB2_2-.Ltmp2, $4  }
0x47: {  	[tilespmem:s14+$0x2A30] =	vst v0  }
0x48: {  	[tilespmem:s14+$0x2A40] =	vst v0  }
0x49: {  	[tilespmem:s14+$0x2A50] =	vst v0  }
0x4a: {  	[tilespmem:s14+$0x2A60] =	vst v0;
	s14 =	sshra.s32 s17, $0x2;
	s17 =	sadd.s32 $0x200, s17  }
0x4b: {  	[tilespmem:s14+$0x2A70] =	vst v0  }
0x4c: {  	[tilespmem:s14+$0x2A00] =	vst v0  }
0x4d: {  	[tilespmem:s14+$0x2A10] =	vst v0  }
0x4e: {  	[tilespmem:s14+$0x2A20] =	vst v0  }
0x4f: {  	[tilespmem:s14+$0x2A30] =	vst v0  }
0x50: {  	[tilespmem:s14+$0x2A40] =	vst v0  }
0x51: {  	[tilespmem:s14+$0x2A50] =	vst v0  }
0x52: {  	[tilespmem:s14+$0x2A60] =	vst v0;
	s20 =	sadd.s32 $0x0, s6  }
0x53: {  	[spmem:s20] =	stream.linear.scatter [tilespmem:s21], [sflag:$0x9], $0x800, $0x38;
	[tilespmem:$0x1E280] =	vst v63  }
0x54: {  	s14 =	simm.s32 $0x2000;
	_ =	swait.ge [sflag:s22], $0x800  }
.LBB2_4:
0x55: {  	s17 =	sshra.s32 s14, $0x2;
	[sflag:s22] =	ssyncset.done $0x0;
	p1 =	sne.s32 s14, $0x4C000  }
.Ltmp3:
0x56: {  	s17 =	sadd.s32 s17, s6;
	[sflag:s22] =	ssyncadd.s32 $0xFFFFF800;
	(pc) =	sbr.rel @p1 .LBB2_4-.Ltmp3, $3  }
0x57: {  	[spmem:s17] =	stream.linear.scatter [tilespmem:s21], [sflag:$0x9], $0x800, $0x38;
	[tilespmem:$0x1E280] =	vst v63  }
0x58: {  	s14 =	sadd.s32 $0x2000, s14;
	_ =	sdelay $0x1  }
0x59: {  	_ =	swait.ge [sflag:s22], $0x800  }
0x5a: {  	[sflag:s22] =	ssyncset.done $0x0  }
0x5b: {  	s14 =	simm.s32 @!p0 $0x2A00;
	[sflag:s22] =	ssyncadd.s32 $0xFFFFF800  }
0x5c: {  	[spmem:s15] =	stream.linear.scatter @!p0 [tilespmem:s14], [sflag:$0x9], $0x800, $0x38;
	[tilespmem:$0x1E280] =	vst v63  }
0x5d: {  	s14 =	simm.s32 @!p0 $0x9  }
0x5e: {  	_ =	swait.ge @!p0 [sflag:s14], $0x800  }
0x5f: {  	[sflag:s14] =	ssyncset.done @!p0 $0x0  }
0x60: {  	[sflag:s14] =	ssyncadd.s32 @!p0 $0xFFFFF800  }
0x61: {  	[bflag:$0x0] =	sbarrier.arrive $0xFFFF  }
0x62: {  	s14 =	simm.s32 $0x0;
	s7 =	rddreg [dreg:$0x4]  }
0x63: {  	[tilespmem:s14], [sflag:$0x9] =	stream.linear.gather [hbm4b:s7+s14], $0x2710, $0x38;
	[tilespmem:$0x1E280] =	vst v63  }
0x64: {  	_ =	swait.ge [sflag:s22], $0x2710  }
0x65: {  	[sflag:s22] =	ssyncset.done $0x0  }
0x66: {  	s12 =	rddreg [dreg:$0x5];
	[sflag:s22] =	ssyncadd.s32 $0xFFFFD8F0  }
0x67: {  	[tilespmem:s23], [sflag:$0x5] =	stream.linear.gather [hbm4b:s12+s14], $0x40, $0x38;
	[tilespmem:$0x1E280] =	vst v63  }
0x68: {  	_ = 	snop  }
0x69: {  	[tilespmem:s21], [sflag:$0x1] =	stream.indirect.gather [hbm4b:s4+s24], $0x80, s14, s24, $0xb8;
	[tilespmem:$0x1E280] =	vst v63  }
0x6a: {  	s9 =	simm.s32 $0x2800;
	s15 =	rddreg [dreg:$0x6]  }
0x6b: {  	[tilespmem:s9], [sflag:$0x6] =	stream.linear.gather [hbm4b:s15+s14], $0x40, $0x38;
	[tilespmem:$0x1E280] =	vst v63  }
0x6c: {  	s16 =	simm.s32 $0x4A00;
	s17 =	rddreg [dreg:$0x7]  }
0x6d: {  	[tilespmem:s16], [sflag:$0x2] =	stream.indirect.gather [hbm4b:s4+s24], $0x80, s24, s24, $0xb8;
	[tilespmem:$0x1E280] =	vst v63  }
0x6e: {  	s19 =	rddreg [dreg:$0x8]  }
0x6f: {  	[tilespmem:s28], [sflag:$0x7] =	stream.linear.gather [hbm4b:s17+s14], $0x40, $0x38;
	[tilespmem:$0x1E280] =	vst v63  }
0x70: {  	s18 =	simm.s32 $0x80;
	s17 =	rddreg [dreg:$0xd]  }
0x71: {  	[tilespmem:s30], [sflag:$0x3] =	stream.indirect.gather [hbm4b:s4+s24], $0x80, s18, s24, $0xb8;
	[tilespmem:$0x1E280] =	vst v63  }
0x72: {  	s18 =	rddreg [dreg:$0xe]  }
0x73: {  	[tilespmem:s31], [sflag:$0x8] =	stream.linear.gather [hbm4b:s19+s14], $0x40, $0x38;
	[tilespmem:$0x1E280] =	vst v63  }
0x74: {  	s20 =	simm.s32 $0xC0;
	s19 =	rddreg [dreg:$0xf]  }
0x75: {  	[tilespmem:s0], [sflag:$0x4] =	stream.indirect.gather [hbm4b:s4+s24], $0x80, s20, s24, $0xb8;
	[tilespmem:$0x1E280] =	vst v63  }
0x76: {  	s20 =	rddreg [dreg:$0x10]  }
.LBB2_6:
0x77: {  	_ =	swait.ge [sflag:s25], $0x40  }
0x78: {  	[sflag:s25] =	ssyncset.done $0x0  }
0x79: {  	[sflag:s25] =	ssyncadd.s32 $0xFFFFFFC0  }
0x7a: {  	_ =	swait.ge [sflag:s26], $0x2000  }
0x7b: {  	[sflag:s26] =	ssyncset.done $0x0  }
0x7c: {  	[sflag:s26] =	ssyncadd.s32 $0xFFFFE000  }
0x7d: {  	[spmem:s2] =	stream.indirect.scatter.add.f32 [tilespmem:s21], [sflag:$0x9], $0x80, s23, s24, $0xb8;
	[tilespmem:$0x1E280] =	vst v63  }
0x7e: {  	_ =	swait.ge [sflag:s22], $0x2000  }
0x7f: {  	p1 =	seq.s32 s14, $0x9800;
	[sflag:s22] =	ssyncset.done $0x0  }
0x80: {  	s16 =	simm.s32 @p1 $0x6;
	[sflag:s22] =	ssyncadd.s32 $0xFFFFE000  }
0x81: {  	_ =	swait.ge @p1 [sflag:s16], $0x40  }
0x82: {  	[sflag:s16] =	ssyncset.done @p1 $0x0  }
0x83: {  	[sflag:s16] =	ssyncadd.s32 @p1 $0xFFFFFFC0;
	s16 =	simm.s32 @p1 $0x2  }
0x84: {  	_ =	swait.ge @p1 [sflag:s16], $0x2000  }
0x85: {  	s15 =	simm.s32 @p1 $0x2800;
	[sflag:s16] =	ssyncset.done @p1 $0x0  }
0x86: {  	s9 =	simm.s32 @p1 $0x4A00;
	[sflag:s16] =	ssyncadd.s32 @p1 $0xFFFFE000;
	s16 =	simm.s32 @p1 $0x40  }
0x87: {  	[spmem:s2] =	stream.indirect.scatter.add.f32 @p1 [tilespmem:s9], [sflag:$0x9], $0x80, s15, s16, $0xb8;
	[tilespmem:$0x1E280] =	vst v63  }
0x88: {  	s9 =	simm.s32 @p1 $0x9  }
0x89: {  	_ =	swait.ge @p1 [sflag:s9], $0x2000  }
0x8a: {  	[sflag:s9] =	ssyncset.done @p1 $0x0  }
0x8b: {  	[sflag:s9] =	ssyncadd.s32 @p1 $0xFFFFE000;
	s9 =	sshrl.u32 @!p1 s17, $0x3  }
0x8c: {  	s15 =	simm.s32 @!p1 $0x0;
	s16 =	simm.s32 @!p1 $0x2780;
	s9 =	sadd.s32 @!p1 s5, s9  }
0x8d: {  	[tilespmem:s16], [sflag:$0x5] =	stream.linear.gather @!p1 [hbm4b:s9+s15], $0x40, $0x38;
	[tilespmem:$0x1E280] =	vst v63  }
0x8e: {  	s9 =	sshra.s32 @!p1 s14, $0x2  }
0x8f: {  	s11 =	simm.s32 @!p1 $0x40;
	s12 =	simm.s32 @!p1 $0x2A00;
	s16 =	sadd.s32 @!p1 $0x100, s9  }
0x90: {  	[tilespmem:s12], [sflag:$0x1] =	stream.indirect.gather @!p1 [hbm4b:s4+s11], $0x80, s16, s11, $0xb8;
	[tilespmem:$0x1E280] =	vst v63  }
0x91: {  	s12 =	simm.s32 @!p1 $0x6  }
0x92: {  	_ =	swait.ge @!p1 [sflag:s12], $0x40  }
0x93: {  	[sflag:s12] =	ssyncset.done @!p1 $0x0  }
0x94: {  	[sflag:s12] =	ssyncadd.s32 @!p1 $0xFFFFFFC0;
	s12 =	simm.s32 @!p1 $0x2  }
0x95: {  	_ =	swait.ge @!p1 [sflag:s12], $0x2000  }
0x96: {  	s7 =	simm.s32 @!p1 $0x9;
	[sflag:s12] =	ssyncset.done @!p1 $0x0  }
0x97: {  	s16 =	simm.s32 @!p1 $0x4A00;
	[sflag:s12] =	ssyncadd.s32 @!p1 $0xFFFFE000;
	s12 =	simm.s32 @!p1 $0x2800  }
0x98: {  	[spmem:s2] =	stream.indirect.scatter.add.f32 @!p1 [tilespmem:s16], [sflag:$0x9], $0x80, s12, s11, $0xb8;
	[tilespmem:$0x1E280] =	vst v63  }
0x99: {  	_ =	swait.ge @!p1 [sflag:s7], $0x2000  }
0x9a: {  	[sflag:s7] =	ssyncset.done @!p1 $0x0  }
0x9b: {  	[sflag:s7] =	ssyncadd.s32 @!p1 $0xFFFFE000  }
0x9c: {  	[tilespmem:s12], [sflag:$0x6] =	stream.linear.gather @!p1 [hbm4b:s18+s15], $0x40, $0x38;
	[tilespmem:$0x1E280] =	vst v63  }
0x9d: {  	s7 =	sadd.s32 @!p1 $0x140, s9  }
0x9e: {  	[tilespmem:s16], [sflag:$0x2] =	stream.indirect.gather @!p1 [hbm4b:s4+s11], $0x80, s7, s11, $0xb8;
	[tilespmem:$0x1E280] =	vst v63  }
0x9f: {  	_ =	swait.ge [sflag:s29], $0x40  }
0xa0: {  	[sflag:s29] =	ssyncset.done $0x0  }
0xa1: {  	[sflag:s29] =	ssyncadd.s32 $0xFFFFFFC0  }
0xa2: {  	_ =	swait.ge [sflag:s1], $0x2000  }
0xa3: {  	[sflag:s1] =	ssyncset.done $0x0  }
.Ltmp4:
0xa4: {  	[sflag:s1] =	ssyncadd.s32 $0xFFFFE000;
	(pc) =	sbr.rel @p1 .LBB2_8-.Ltmp4, $4  }
0xa5: {  	[spmem:s2] =	stream.indirect.scatter.add.f32 [tilespmem:s30], [sflag:$0x9], $0x80, s28, s24, $0xb8;
	[tilespmem:$0x1E280] =	vst v63  }
0xa6: {  	_ =	swait.ge [sflag:s22], $0x2000  }
0xa7: {  	[sflag:s22] =	ssyncset.done $0x0  }
0xa8: {  	[sflag:s22] =	ssyncadd.s32 $0xFFFFE000  }
0xa9: {  	[tilespmem:s28], [sflag:$0x7] =	stream.linear.gather [hbm4b:s19+s3], $0x40, $0x38;
	[tilespmem:$0x1E280] =	vst v63  }
0xaa: {  	s7 =	sshra.s32 s14, $0x2  }
0xab: {  	s9 =	sadd.s32 $0x180, s7  }
0xac: {  	[tilespmem:s30], [sflag:$0x3] =	stream.indirect.gather [hbm4b:s4+s24], $0x80, s9, s24, $0xb8;
	[tilespmem:$0x1E280] =	vst v63  }
0xad: {  	_ =	swait.ge [sflag:s8], $0x40  }
0xae: {  	[sflag:s8] =	ssyncset.done $0x0  }
0xaf: {  	[sflag:s8] =	ssyncadd.s32 $0xFFFFFFC0  }
0xb0: {  	_ =	swait.ge [sflag:s10], $0x2000  }
0xb1: {  	[sflag:s10] =	ssyncset.done $0x0  }
0xb2: {  	[sflag:s10] =	ssyncadd.s32 $0xFFFFE000  }
0xb3: {  	[spmem:s2] =	stream.indirect.scatter.add.f32 [tilespmem:s0], [sflag:$0x9], $0x80, s31, s24, $0xb8;
	[tilespmem:$0x1E280] =	vst v63  }
0xb4: {  	_ =	swait.ge [sflag:s22], $0x2000  }
.Ltmp5:
0xb5: {  	s14 =	sadd.s32 $0x400, s14;
	[sflag:s22] =	ssyncset.done $0x0;
	(pc) =	sbr.rel .LBB2_6-.Ltmp5, $4  }
0xb6: {  	s17 =	sadd.s32 $0x100, s17;
	s18 =	sadd.s32 $0x20, s18;
	[sflag:s22] =	ssyncadd.s32 $0xFFFFE000  }
0xb7: {  	[tilespmem:s31], [sflag:$0x8] =	stream.linear.gather [hbm4b:s20+s3], $0x40, $0x38;
	[tilespmem:$0x1E280] =	vst v63  }
0xb8: {  	s19 =	sadd.s32 $0x20, s19;
	s7 =	sadd.s32 $0x1C0, s7;
	s20 =	sadd.s32 $0x20, s20  }
0xb9: {  	[tilespmem:s0], [sflag:$0x4] =	stream.indirect.gather [hbm4b:s4+s24], $0x80, s7, s24, $0xb8;
	[tilespmem:$0x1E280] =	vst v63  }
.LBB2_9:
0xba: {  	_ =	sfence.sel $0x180000  }
0xbb: {  	[bflag:$0x0] =	sbarrier.arrive $0xFFFF  }
0xbc: {  	_ =	strace $0x90000047  }
0xbd: {  	s0 =	stileid.u32;
	[bflag:$0x2] =	sbarrier.arrive $0xFFFF  }
0xbe: {  	p0 =	sne.s32 s0, $0x0;
	s0 =	rddreg [dreg:$0x2]  }
0xbf: {  	s0 =	sadd.s32 @!p0 $0x100000, s0  }
0xc0: {  	[sflag:s0] =	ssyncadd.tile.s32 @!p0 $0x1;
	_ =	shalt  }
.Lfunc_end2:
_tile_overlayer_lowered:
.L_overlay_start_2:
0xc1: {  	(tag) =	ssettag $0x2  }
0xc2: {  	s0 =	rddreg [dreg:$0x0];
	s2 =	stileid.u32  }
0xc3: {  	s1 =	rddreg [dreg:$0x1];
	p0 =	sne.s32 s2, $0x0  }
0xc4: {  	s3 =	rddreg [dreg:$0x2];
	[bflag:$0x3] =	sbarrier.arrive $0xFFFF;
	s2 =	simm.s32 @!p0 $0x1C09  }
0xc5: {  	[timem:s3], [sflag:s2] =	dma.local @!p0 [hbm:s0], s1  }
0xc6: {  	s0 =	simm.s32 @!p0 $0x9  }
0xc7: {  	_ =	swait.ge @!p0 [sflag:s0], s1  }
0xc8: {  	s1 =	ssub.s32 @!p0 $0x0, s1;
	[sflag:s0] =	ssyncset.done @!p0 $0x0  }
0xc9: {  	[sflag:s0] =	ssyncadd.s32 @!p0 s1  }
0xca: {  	[bflag:$0x3] =	sbarrier.arrive $0xFFFF  }
0xcb: {  	_ =	shalt  }

// kernel: kernel.13.cloned.1.call-start
scs
__scs_entry_jumppad:
0x0: {  	(pc) =	sbr.rel $0x88, $3  }
0x1: {  	(tag) =	ssettag $0x0;
	lr =	simm.s32 $0x1  }
0x2: {  	[smem:$0x3F93] =	sst lr;
	_ =	strace $0xD0000000  }
0x3: {  	_ = 	snop  }
0x4: {  	_ = 	snop  }
0x5: {  	_ = 	snop  }
0x6: {  	_ = 	snop  }
0x7: {  	_ = 	snop  }
__scs_overlays_trampoline_lowered:
0x8: {  	[smem:$0x3FA2] =	sst s0  }
0x9: {  	[smem:$0x3FA3] =	sst s1  }
0xa: {  	[smem:$0x3FA4] =	sst s2  }
0xb: {  	[smem:$0x3FA5] =	sst s3  }
0xc: {  	[smem:$0x3FA6] =	sst s4  }
0xd: {  	[smem:$0x3FA7] =	sst s5  }
0xe: {  	[smem:$0x3FA8] =	sst s6  }
0xf: {  	[smem:$0x3FA9] =	sst s7  }
0x10: {  	[smem:$0x3FAA] =	sst s8  }
0x11: {  	[smem:$0x3FAB] =	sst s9;
	s0 =	simm.s32 @!p0 $0x0  }
0x12: {  	s1 =	sld [smem:$0x3F91];
	s0 =	simm.s32 @p0 $0x1  }
0x13: {  	[smem:$0x3FAC] =	sst s0;
	s0 =	simm.s32 @!p1 $0x0  }
0x14: {  	s2 =	sld [smem:$0x3F90];
	s0 =	simm.s32 @p1 $0x1  }
0x15: {  	[smem:$0x3FAD] =	sst s0;
	s0 =	simm.s32 @!p2 $0x0  }
0x16: {  	s3 =	sld [smem:$0x3FDB];
	s0 =	simm.s32 @p2 $0x1  }
0x17: {  	s4 =	simm.s32 $0x1BF5;
	[smem:$0x3FAF] =	sst s0  }
0x18: {  	s0 =	sld [smem:$0x3F92];
	_ =	swait.ge [sflag:s4], $0x0  }
0x19: {  	s7 =	sld [smem:$0x3F93]  }
0x1a: {  	s8 =	sadd.s32 $0xFFFFE003, lr  }
0x1b: {  	s9 =	sadd.s32 $0xFFFFFEF7, lr;
	s5 =	simm.s32 $0xFFFFFFFF;
	p2 =	slt.u32 s8, $0xFFFFF086  }
0x1c: {  	p1 =	slt.u32 s9, $0xF7A;
	s5 =	simm.s32 @!p2 $0x0  }
0x1d: {  	s5 =	simm.s32 @p1 $0x1;
	p0 =	seq.s32 s7, s2  }
0x1e: {  	s7 =	smul.u32 @!p0 $0xF7A, s2;
	p2 =	seq.s32 @!p0 s5, $0x0  }
0x1f: {  	s9 =	smul.u32 $0xF7A, s1;
	s8 =	simm.s32 @!p0 $0x1BF5;
	p2 =	por !p2, p0  }
0x20: {  	[sflag:s8] =	ssyncset.s32 @!p0 $0xFFFFF086;
	s6 =	sadd.s32 @!p0 s3, s7;
	s7 =	simm.s32 @!p0 $0x108  }
0x21: {  	s3 =	sadd.s32 s3, s9;
	s6 =	sadd.s32 @!p0 $0x88, s6;
	s7 =	simm.s32 @p2 $0x1082  }
0x22: {  	[simem:s7], [sflag:s8] =	dma.local @!p0 [hbm:s6], $0xF7A  }
0x23: {  	s9 =	sor.u32 $0xD0000000, s2;
	s6 =	simm.s32 $0x108;
	_ =	swait.ge @!p0 [sflag:s8], $0x0  }
0x24: {  	s3 =	sadd.s32 $0x88, s3;
	s6 =	simm.s32 @!p1 $0x1082;
	[sflag:s4] =	ssyncset.s32 $0xFFFFF086  }
0x25: {  	[simem:s6], [sflag:s4] =	dma.local [hbm:s3], $0xF7A  }
0x26: {  	[smem:$0x3F93] =	sst s1;
	(tag) =	ssettag s2;
	_ =	strace s9  }
0x27: {  	s1 =	sld [smem:$0x3FA3]  }
0x28: {  	s2 =	sld [smem:$0x3FA4]  }
0x29: {  	s4 =	sld [smem:$0x3FA6]  }
0x2a: {  	p0 =	seq.s32 s5, $0x0;
	s5 =	sld [smem:$0x3FA7]  }
0x2b: {  	s6 =	sld [smem:$0x3FA8]  }
0x2c: {  	s7 =	sld [smem:$0x3FA9]  }
0x2d: {  	s3 =	simm.s32 $0x108;
	s8 =	sld [smem:$0x3FAA]  }
0x2e: {  	s3 =	simm.s32 @!p0 $0x1082;
	s9 =	sld [smem:$0x3FAB]  }
0x2f: {  	lr =	sadd.s32 s0, s3;
	s0 =	sld [smem:$0x3FA2]  }
0x30: {  	s3 =	sld [smem:$0x3FA5]  }
0x31: {  	[smem:$0x3FAE] =	sst s10  }
0x32: {  	s10 =	sld [smem:$0x3FAC];
	_ =	sdelay $0x3  }
0x33: {  	p0 =	seq.s32 s10, $0x1;
	s10 =	sld [smem:$0x3FAE];
	_ =	sdelay $0x3  }
0x34: {  	[smem:$0x3FAE] =	sst s10  }
0x35: {  	s10 =	sld [smem:$0x3FAD];
	_ =	sdelay $0x3  }
0x36: {  	p1 =	seq.s32 s10, $0x1;
	s10 =	sld [smem:$0x3FAE];
	_ =	sdelay $0x3  }
0x37: {  	[smem:$0x3FAE] =	sst s10  }
0x38: {  	s10 =	sld [smem:$0x3FAF]  }
0x39: {  	_ = 	snop;
	(pc) =	sbr.ind lr, $3  }
0x3a: {  	_ = 	snop  }
0x3b: {  	_ = 	snop  }
0x3c: {  	p2 =	seq.s32 s10, $0x1;
	s10 =	sld [smem:$0x3FAE]  }
0x3d: {  	_ =	shalt  }
0x3e: {  	_ =	shalt  }
0x3f: {  	_ =	shalt  }
0x40: {  	_ =	shalt  }
0x41: {  	_ =	shalt  }
0x42: {  	_ =	shalt  }
0x43: {  	_ =	shalt  }
0x44: {  	_ =	shalt  }
0x45: {  	_ =	shalt  }
0x46: {  	_ =	shalt  }
0x47: {  	_ =	shalt  }
0x48: {  	_ =	shalt  }
0x49: {  	_ =	shalt  }
0x4a: {  	_ =	shalt  }
0x4b: {  	_ =	shalt  }
0x4c: {  	_ =	shalt  }
0x4d: {  	_ =	shalt  }
0x4e: {  	_ =	shalt  }
0x4f: {  	_ =	shalt  }
0x50: {  	_ =	shalt  }
0x51: {  	_ =	shalt  }
0x52: {  	_ =	shalt  }
0x53: {  	_ =	shalt  }
0x54: {  	_ =	shalt  }
0x55: {  	_ =	shalt  }
0x56: {  	_ =	shalt  }
0x57: {  	_ =	shalt  }
0x58: {  	_ =	shalt  }
0x59: {  	_ =	shalt  }
0x5a: {  	_ =	shalt  }
0x5b: {  	_ =	shalt  }
0x5c: {  	_ =	shalt  }
0x5d: {  	_ =	shalt  }
0x5e: {  	_ =	shalt  }
0x5f: {  	_ =	shalt  }
0x60: {  	_ =	shalt  }
0x61: {  	_ =	shalt  }
0x62: {  	_ =	shalt  }
0x63: {  	_ =	shalt  }
0x64: {  	_ =	shalt  }
0x65: {  	_ =	shalt  }
0x66: {  	_ =	shalt  }
0x67: {  	_ =	shalt  }
0x68: {  	_ =	shalt  }
0x69: {  	_ =	shalt  }
0x6a: {  	_ =	shalt  }
0x6b: {  	_ =	shalt  }
0x6c: {  	_ =	shalt  }
0x6d: {  	_ =	shalt  }
0x6e: {  	_ =	shalt  }
0x6f: {  	_ =	shalt  }
0x70: {  	_ =	shalt  }
0x71: {  	_ =	shalt  }
0x72: {  	_ =	shalt  }
0x73: {  	_ =	shalt  }
0x74: {  	_ =	shalt  }
0x75: {  	_ =	shalt  }
0x76: {  	_ =	shalt  }
0x77: {  	_ =	shalt  }
0x78: {  	_ =	shalt  }
0x79: {  	_ =	shalt  }
0x7a: {  	_ =	shalt  }
0x7b: {  	_ =	shalt  }
0x7c: {  	_ =	shalt  }
0x7d: {  	_ =	shalt  }
0x7e: {  	_ =	shalt  }
0x7f: {  	_ =	shalt  }
0x80: {  	_ =	shalt  }
0x81: {  	_ =	shalt  }
0x82: {  	_ =	shalt  }
0x83: {  	_ =	shalt  }
0x84: {  	_ =	shalt  }
0x85: {  	_ =	shalt  }
0x86: {  	_ =	shalt  }
0x87: {  	_ =	shalt  }
.Lfunc_end0:
.L_simem_size_0:
called_computation.1_lowered:
.L_overlay_start_0:
0x88: {  	s2 =	sld [smem:$0x3FD9]  }
0x89: {  	s3 =	sld [smem:$0x3FFE];
	_ =	sdelay $0x1  }
0x8a: {  	s1 =	srdreg.scid  }
0x8b: {  	s0 =	sand.u32 $0x1, s1  }
0x8c: {  	s16 =	sshll.u32 s0, $0xA;
	s2 =	sadd.s32 s3, s2  }
0x8d: {  	s2 =	sadd.s32 s2, s16  }
0x8e: {  	[smem:$0x3FBA] =	sst s2  }
0x8f: {  	_ = 	snop  }
0x90: {  	(tm) =	ssettm $0x1  }
0x91: {  	s17 =	sld [smem:$0x3FFB];
	_ =	sdelay $0x3  }
0x92: {  	_ =	strace s17  }
0x93: {  	s2 =	sld [smem:$0x3FFC];
	_ =	sdelay $0x3  }
0x94: {  	_ =	strace s2  }
0x95: {  	s2 =	sld [smem:$0x3FFD];
	_ =	sdelay $0x3  }
0x96: {  	_ =	strace s2  }
0x97: {  	_ =	strace $0x8FFFFFFF  }
0x98: {  	s18 =	sld [smem:$0x3FDB];
	_ =	sdelay $0x1  }
0x99: {  	s19 =	simm.s32 $_scs_section_size  }
0x9a: {  	s4 =	simm.s32 $_size__tile_overlayer_lowered;
	s5 =	simm.s32 $_tile_overlayer_lowered  }
0x9b: {  	s22 =	simm.s32 $0x1BFF;
	s21 =	sshll.u32 s5, $0x1;
	s2 =	sadd.s32 s19, s18  }
0x9c: {  	s6 =	simm.s32 $0x0;
	s20 =	sshll.u32 s4, $0x1;
	s4 =	sadd.s32 s21, s2  }
0x9d: {  	[timem:s6], [sflag:s22] =	dma.local [hbm:s4], s20  }
0x9e: {  	_ =	swait.ge [sflag:s22], s20  }
0x9f: {  	s3 =	ssub.s32 $0x0, s20;
	[sflag:s22] =	ssyncset.done $0x0  }
0xa0: {  	[sflag:s22] =	ssyncadd.s32 s3;
	_ =	sdelay $0x1  }
0xa1: {  	s23 =	simm.s32 $0x1B8B  }
0xa2: {  	_ =	swait.ge [sflag:s23], $0x1  }
0xa3: {  	[sflag:s23] =	ssyncset.done $0x0  }
0xa4: {  	s25 =	simm.s32 $0x1B8E;
	s24 =	sld [smem:$0x3FFE];
	[sflag:s23] =	ssyncadd.s32 $0xFFFFFFFF  }
0xa5: {  	s26 =	simm.s32 $execute0_lowered;
	[smem:$0x3FD2] =	sst s25  }
0xa6: {  	s4 =	sshll.u32 s26, $0x1;
	_ =	strace $0x80000049;
	[dreg:$0x1] =	wrdreg $0xFFFFFFFF  }
0xa7: {  	s28 =	simm.s32 $_size_execute0_lowered;
	s2 =	sadd.s32 s2, s4;
	[dreg:$0x0] =	wrdreg $0x0  }
0xa8: {  	s4 =	sshll.u32 s28, $0x1;
	[dreg:$0x2] =	wrdreg s2  }
0xa9: {  	[dreg:$0x3] =	wrdreg s4  }
0xaa: {  	[dreg:$0x4] =	wrdreg $0xC0  }
0xab: {  	_ =	task [dreg:s6], $0x5FFFF  }
0xac: {  	[dreg:$0x1] =	wrdreg $0xFFFFFFFF  }
0xad: {  	[dreg:$0x0] =	wrdreg $0x60  }
0xae: {  	[dreg:$0x2] =	wrdreg s24  }
0xaf: {  	[dreg:$0x3] =	wrdreg $0xAA000  }
0xb0: {  	[dreg:$0x4] =	wrdreg $0x9  }
0xb1: {  	_ =	task.clear_ibuf [dreg:s6], $0x5FFFF;
	_ =	strace $0x90000049  }
0xb2: {  	s29 =	simm.s32 $0x9;
	_ =	strace $0x8000004B  }
0xb3: {  	_ =	swait.ge [sflag:s29], $0x1  }
0xb4: {  	[sflag:s29] =	ssyncadd.s32 $0xFFFFFFFF  }
0xb5: {  	_ =	strace $0x9000004B  }
0xb6: {  	_ =	sfence  }
0xb7: {  	s30 =	sld [smem:$0x0];
	_ =	sdelay $0x2  }
0xb8: {  	s31 =	sshll.u32 s1, $0xD;
	s1 =	sshrl.u32 s1, $0x2  }
0xb9: {  	s3 =	sand.u32 $0x4000, s31;
	s1 =	sadd.s32 s1, s30  }
0xba: {  	s0 =	sor.u32 s3, s0;
	s1 =	sshll.u32 s1, $0x11  }
0xbb: {  	s0 =	sor.u32 s1, s0  }
0xbc: {  	s0 =	sadd.s32 $0x8F2B, s0  }
0xbd: {  	[sflag:s0] =	ssyncadd.remote.s32 $0x1  }
0xbe: {  	_ =	sfence.sel $0xFFFF  }
0xbf: {  	[dreg:$0x0] =	wrdreg $0xFFFFFFFF;
	(pc) =	sbr.abs _section_cstart, $3  }
0xc0: {  	[dreg:$0x1] =	wrdreg $0xFFFFFFFF  }
0xc1: {  	_ =	task.clear_ibuf [dreg:s6], $0x2FFFF;
	_ =	strace $0x9FFFFFFF  }
0xc2: {  	(tm) =	ssettm $0x7FFFFFFF  }
0xc3: {  	_ =	shalt  }
tec
execute0_lowered:
.L_overlay_start_1:
0x0: {  	(tag) =	ssettag $0x1  }
0x1: {  	s0 =	srdreg.scid  }
0x2: {  	s1 =	rddreg [dreg:$0x0];
	s13 =	stileid.u32  }
0x3: {  	s2 =	rddreg [dreg:$0x1];
	s28 =	simm.s32 $0x2880;
	s7 =	smul.u32 $0x4E000, s13  }
0x4: {  	s30 =	simm.s32 $0x6A00;
	s31 =	simm.s32 $0x2900;
	s12 =	smul.u32 $0x2700, s13  }
0x5: {  	s29 =	simm.s32 $0x7;
	s0 =	sand.u32 $0x1, s0;
	s19 =	smul.u32 $0x2710, s13  }
0x6: {  	s15 =	sadd.s32 $0x138000, s2;
	p0 =	sne.s32 s13, $0xF;
	s11 =	smul.u32 $0x27100, s0  }
0x7: {  	s3 =	sshll.u32 s0, $0x4;
	s6 =	ssub.s32 $0x2, s0;
	s0 =	smul.u32 $0x138800, s0  }
0x8: {  	s4 =	sor.u32 s13, s3;
	s3 =	simm.s32 $0x0;
	s10 =	sshrl.u32 s6, $0x1  }
0x9: {  	s7 =	sshrl.u32 s7, $0x2;
	s13 =	simm.s32 $0x0;
	s5 =	smul.u32 $0x2710, s4  }
0xa: {  	[smem:$0x7FF] =	sst s3;
	s4 =	sadd.s32 $0x16400, s1;
	s10 =	ssub.s32 s6, s10  }
0xb: {  	s6 =	sadd.s32 s7, s2;
	s18 =	sadd.s32 s12, s11;
	s0 =	sshrl.u32 s0, $0x3  }
0xc: {  	s22 =	sadd.s32 s19, s11;
	_ =	strace $0x8000004A;
	s21 =	smax.u32 s10, $0x1  }
0xd: {  	s23 =	sadd.s32 $0x100, s22;
	s24 =	sadd.s32 $0x140, s22;
	[dreg:$0x3] =	wrdreg s15  }
0xe: {  	s8 =	sshrl.u32 s5, $0x3;
	s5 =	sadd.s32 $0x2800, s1;
	[dreg:$0xc] =	wrdreg s21  }
0xf: {  	[dreg:$0xd] =	wrdreg s23;
	s9 =	sadd.s32 s8, s1;
	s14 =	sadd.s32 s5, s8  }
0x10: {  	s25 =	sadd.s32 $0x180, s22;
	s9 =	sadd.s32 $0xC600, s9;
	[dreg:$0x5] =	wrdreg s14  }
0x11: {  	s10 =	simm.s32 $0x4;
	s8 =	sadd.s32 $0x8, s14;
	[dreg:$0x4] =	wrdreg s9  }
0x12: {  	s21 =	simm.s32 $0x2A00;
	s16 =	sadd.s32 $0x10, s14;
	[dreg:$0x6] =	wrdreg s8  }
0x13: {  	s23 =	simm.s32 $0x2780;
	s17 =	sadd.s32 $0x18, s14;
	[dreg:$0x7] =	wrdreg s16  }
0x14: {  	s1 =	sadd.s32 $0x3D600, s1;
	s7 =	sadd.s32 $0x4E0, s14;
	[dreg:$0x8] =	wrdreg s17  }
0x15: {  	s20 =	sadd.s32 s1, s18;
	s0 =	sadd.s32 s1, s0;
	[dreg:$0x9] =	wrdreg s7  }
0x16: {  	s1 =	sshrl.u32 s24, $0x3;
	s24 =	simm.s32 $0x40;
	[dreg:$0xa] =	wrdreg s20  }
0x17: {  	s0 =	sadd.s32 $0x27000, s0;
	s8 =	sshrl.u32 s25, $0x3;
	s1 =	sadd.s32 s1, s5  }
.Ltmp0:
0x18: {  	s25 =	simm.s32 $0x5;
	[dreg:$0xb] =	wrdreg s0;
	(pc) =	sbr.rel .LBB2_1-.Ltmp0, $4  }
0x19: {  	s0 =	sadd.s32 $0x1C0, s22;
	[dreg:$0xe] =	wrdreg s1;
	s26 =	sadd.s32 s8, s5  }
0x1a: {  	s22 =	simm.s32 $0x9;
	s1 =	simm.s32 $0x3;
	s0 =	sshrl.u32 s0, $0x3  }
0x1b: {  	s8 =	simm.s32 $0x8;
	[dreg:$0xf] =	wrdreg s26;
	s0 =	sadd.s32 s0, s5  }
0x1c: {  	v0 =	vimm.f32 $0.0e+00;
	s26 =	simm.s32 $0x1;
	[dreg:$0x10] =	wrdreg s0;
	s0 =	simm.s32 $0x8A00  }
.LBB2_8:
0x1d: {  	_ =	swait.ge [sflag:s8], $0x40  }
0x1e: {  	[sflag:s8] =	ssyncset.done $0x0  }
0x1f: {  	[sflag:s8] =	ssyncadd.s32 $0xFFFFFFC0  }
0x20: {  	_ =	swait.ge [sflag:s10], $0x2000  }
0x21: {  	[sflag:s10] =	ssyncset.done $0x0  }
0x22: {  	[sflag:s10] =	ssyncadd.s32 $0xFFFFE000  }
0x23: {  	[spmem:s2] =	stream.indirect.scatter.add.f32 [tilespmem:s0], [sflag:$0x9], $0x80, s31, s24, $0xb8;
	[tilespmem:$0x1E280] =	vst v63  }
0x24: {  	_ =	swait.ge [sflag:s22], $0x2000  }
0x25: {  	[sflag:s22] =	ssyncset.done $0x0  }
0x26: {  	s9 =	simm.s32 $0x2980;
	s7 =	rddreg [dreg:$0x9];
	[sflag:s22] =	ssyncadd.s32 $0xFFFFE000  }
0x27: {  	[tilespmem:s9], [sflag:$0x9] =	stream.linear.gather [hbm4b:s7+s3], $0x10, $0x38;
	[tilespmem:$0x1E280] =	vst v63  }
0x28: {  	_ =	swait.ge [sflag:s22], $0x10  }
0x29: {  	[sflag:s22] =	ssyncset.done $0x0  }
0x2a: {  	s16 =	simm.s32 $0x10;
	s11 =	simm.s32 $0x2700;
	[sflag:s22] =	ssyncadd.s32 $0xFFFFFFF0  }
0x2b: {  	[tilespmem:s21], [sflag:$0x1] =	stream.indirect.gather [hbm4b:s4+s16], $0x80, s11, s16, $0xb8;
	[tilespmem:$0x1E280] =	vst v63  }
0x2c: {  	_ =	swait.ge [sflag:s26], $0x800  }
0x2d: {  	[sflag:s26] =	ssyncset.done $0x0  }
0x2e: {  	[sflag:s26] =	ssyncadd.s32 $0xFFFFF800  }
0x2f: {  	[spmem:s2] =	stream.indirect.scatter.add.f32 [tilespmem:s21], [sflag:$0x9], $0x80, s9, s16, $0xb8;
	[tilespmem:$0x1E280] =	vst v63  }
0x30: {  	_ =	swait.ge [sflag:s22], $0x800  }
0x31: {  	[sflag:s22] =	ssyncset.done $0x0  }
0x32: {  	s17 =	stileid.u32;
	[sflag:s22] =	ssyncadd.s32 $0xFFFFF800  }
0x33: {  	s7 =	sshll.u32 s17, $0x6;
	[bflag:$0x0] =	sbarrier.arrive $0xFFFF  }
0x34: {  	s18 =	sshrl.u32 s6, $0x3;
	s7 =	sor.u32 $0x1C09, s7;
	s19 =	rddreg [dreg:$0xa]  }
0x35: {  	[hbm:s19], [sflag:s7] =	dma.local [spmem:s18], $0x2700  }
0x36: {  	_ =	swait.ge [sflag:s22], $0x2700  }
0x37: {  	[sflag:s22] =	ssyncset.done $0x0;
	s15 =	rddreg [dreg:$0x3]  }
0x38: {  	s11 =	rddreg [dreg:$0xb];
	[sflag:s22] =	ssyncadd.s32 $0xFFFFD900;
	s9 =	sshrl.u32 @!p0 s15, $0x3  }
0x39: {  	[hbm:s11], [sflag:s7] =	dma.local @!p0 [spmem:s9], $0x100  }
0x3a: {  	s7 =	simm.s32 @!p0 $0x9  }
0x3b: {  	_ =	swait.ge @!p0 [sflag:s7], $0x100  }
0x3c: {  	s13 =	sadd.s32 $0x1, s13;
	s20 =	rddreg [dreg:$0xc]  }
0x3d: {  	p1 =	sne.s32 s13, s20  }
.Ltmp1:
0x3e: {  	_ = 	snop;
	(pc) =	sbr.rel @!p1 .LBB2_9-.Ltmp1, $3  }
0x3f: {  	_ =	sdelay $0x1  }
0x40: {  	[sflag:s7] =	ssyncset.done @!p0 $0x0  }
0x41: {  	[sflag:s7] =	ssyncadd.s32 @!p0 $0xFFFFFF00  }
.LBB2_1:
0x42: {  	s14 =	simm.s32 $0x0;
	s17 =	simm.s32 $0x200  }
.LBB2_2:
0x43: {  	p1 =	sne.s32 s17, $0x1E00;
	[tilespmem:s14+$0x2A70] =	vst v0  }
0x44: {  	[tilespmem:s14+$0x2A00] =	vst v0  }
0x45: {  	[tilespmem:s14+$0x2A10] =	vst v0  }
.Ltmp2:
0x46: {  	[tilespmem:s14+$0x2A20] =	vst v0;
	(pc) =	sbr.rel @p1 .LBB2_2-.Ltmp2, $4  }
0x47: {  	[tilespmem:s14+$0x2A30] =	vst v0  }
0x48: {  	[tilespmem:s14+$0x2A40] =	vst v0  }
0x49: {  	[tilespmem:s14+$0x2A50] =	vst v0  }
0x4a: {  	[tilespmem:s14+$0x2A60] =	vst v0;
	s14 =	sshra.s32 s17, $0x2;
	s17 =	sadd.s32 $0x200, s17  }
0x4b: {  	[tilespmem:s14+$0x2A70] =	vst v0  }
0x4c: {  	[tilespmem:s14+$0x2A00] =	vst v0  }
0x4d: {  	[tilespmem:s14+$0x2A10] =	vst v0  }
0x4e: {  	[tilespmem:s14+$0x2A20] =	vst v0  }
0x4f: {  	[tilespmem:s14+$0x2A30] =	vst v0  }
0x50: {  	[tilespmem:s14+$0x2A40] =	vst v0  }
0x51: {  	[tilespmem:s14+$0x2A50] =	vst v0  }
0x52: {  	[tilespmem:s14+$0x2A60] =	vst v0;
	s20 =	sadd.s32 $0x0, s6  }
0x53: {  	[spmem:s20] =	stream.linear.scatter [tilespmem:s21], [sflag:$0x9], $0x800, $0x38;
	[tilespmem:$0x1E280] =	vst v63  }
0x54: {  	s14 =	simm.s32 $0x2000;
	_ =	swait.ge [sflag:s22], $0x800  }
.LBB2_4:
0x55: {  	s17 =	sshra.s32 s14, $0x2;
	[sflag:s22] =	ssyncset.done $0x0;
	p1 =	sne.s32 s14, $0x4C000  }
.Ltmp3:
0x56: {  	s17 =	sadd.s32 s17, s6;
	[sflag:s22] =	ssyncadd.s32 $0xFFFFF800;
	(pc) =	sbr.rel @p1 .LBB2_4-.Ltmp3, $3  }
0x57: {  	[spmem:s17] =	stream.linear.scatter [tilespmem:s21], [sflag:$0x9], $0x800, $0x38;
	[tilespmem:$0x1E280] =	vst v63  }
0x58: {  	s14 =	sadd.s32 $0x2000, s14;
	_ =	sdelay $0x1  }
0x59: {  	_ =	swait.ge [sflag:s22], $0x800  }
0x5a: {  	[sflag:s22] =	ssyncset.done $0x0  }
0x5b: {  	s14 =	simm.s32 @!p0 $0x2A00;
	[sflag:s22] =	ssyncadd.s32 $0xFFFFF800  }
0x5c: {  	[spmem:s15] =	stream.linear.scatter @!p0 [tilespmem:s14], [sflag:$0x9], $0x800, $0x38;
	[tilespmem:$0x1E280] =	vst v63  }
0x5d: {  	s14 =	simm.s32 @!p0 $0x9  }
0x5e: {  	_ =	swait.ge @!p0 [sflag:s14], $0x800  }
0x5f: {  	[sflag:s14] =	ssyncset.done @!p0 $0x0  }
0x60: {  	[sflag:s14] =	ssyncadd.s32 @!p0 $0xFFFFF800  }
0x61: {  	[bflag:$0x0] =	sbarrier.arrive $0xFFFF  }
0x62: {  	s14 =	simm.s32 $0x0;
	s7 =	rddreg [dreg:$0x4]  }
0x63: {  	[tilespmem:s14], [sflag:$0x9] =	stream.linear.gather [hbm4b:s7+s14], $0x2710, $0x38;
	[tilespmem:$0x1E280] =	vst v63  }
0x64: {  	_ =	swait.ge [sflag:s22], $0x2710  }
0x65: {  	[sflag:s22] =	ssyncset.done $0x0  }
0x66: {  	s12 =	rddreg [dreg:$0x5];
	[sflag:s22] =	ssyncadd.s32 $0xFFFFD8F0  }
0x67: {  	[tilespmem:s23], [sflag:$0x5] =	stream.linear.gather [hbm4b:s12+s14], $0x40, $0x38;
	[tilespmem:$0x1E280] =	vst v63  }
0x68: {  	_ = 	snop  }
0x69: {  	[tilespmem:s21], [sflag:$0x1] =	stream.indirect.gather [hbm4b:s4+s24], $0x80, s14, s24, $0xb8;
	[tilespmem:$0x1E280] =	vst v63  }
0x6a: {  	s9 =	simm.s32 $0x2800;
	s15 =	rddreg [dreg:$0x6]  }
0x6b: {  	[tilespmem:s9], [sflag:$0x6] =	stream.linear.gather [hbm4b:s15+s14], $0x40, $0x38;
	[tilespmem:$0x1E280] =	vst v63  }
0x6c: {  	s16 =	simm.s32 $0x4A00;
	s17 =	rddreg [dreg:$0x7]  }
0x6d: {  	[tilespmem:s16], [sflag:$0x2] =	stream.indirect.gather [hbm4b:s4+s24], $0x80, s24, s24, $0xb8;
	[tilespmem:$0x1E280] =	vst v63  }
0x6e: {  	s19 =	rddreg [dreg:$0x8]  }
0x6f: {  	[tilespmem:s28], [sflag:$0x7] =	stream.linear.gather [hbm4b:s17+s14], $0x40, $0x38;
	[tilespmem:$0x1E280] =	vst v63  }
0x70: {  	s18 =	simm.s32 $0x80;
	s17 =	rddreg [dreg:$0xd]  }
0x71: {  	[tilespmem:s30], [sflag:$0x3] =	stream.indirect.gather [hbm4b:s4+s24], $0x80, s18, s24, $0xb8;
	[tilespmem:$0x1E280] =	vst v63  }
0x72: {  	s18 =	rddreg [dreg:$0xe]  }
0x73: {  	[tilespmem:s31], [sflag:$0x8] =	stream.linear.gather [hbm4b:s19+s14], $0x40, $0x38;
	[tilespmem:$0x1E280] =	vst v63  }
0x74: {  	s20 =	simm.s32 $0xC0;
	s19 =	rddreg [dreg:$0xf]  }
0x75: {  	[tilespmem:s0], [sflag:$0x4] =	stream.indirect.gather [hbm4b:s4+s24], $0x80, s20, s24, $0xb8;
	[tilespmem:$0x1E280] =	vst v63  }
0x76: {  	s20 =	rddreg [dreg:$0x10]  }
.LBB2_6:
0x77: {  	_ =	swait.ge [sflag:s25], $0x40  }
0x78: {  	[sflag:s25] =	ssyncset.done $0x0  }
0x79: {  	[sflag:s25] =	ssyncadd.s32 $0xFFFFFFC0  }
0x7a: {  	_ =	swait.ge [sflag:s26], $0x2000  }
0x7b: {  	[sflag:s26] =	ssyncset.done $0x0  }
0x7c: {  	[sflag:s26] =	ssyncadd.s32 $0xFFFFE000  }
0x7d: {  	[spmem:s2] =	stream.indirect.scatter.add.f32 [tilespmem:s21], [sflag:$0x9], $0x80, s23, s24, $0xb8;
	[tilespmem:$0x1E280] =	vst v63  }
0x7e: {  	_ =	swait.ge [sflag:s22], $0x2000  }
0x7f: {  	p1 =	seq.s32 s14, $0x9800;
	[sflag:s22] =	ssyncset.done $0x0  }
0x80: {  	s16 =	simm.s32 @p1 $0x6;
	[sflag:s22] =	ssyncadd.s32 $0xFFFFE000  }
0x81: {  	_ =	swait.ge @p1 [sflag:s16], $0x40  }
0x82: {  	[sflag:s16] =	ssyncset.done @p1 $0x0  }
0x83: {  	[sflag:s16] =	ssyncadd.s32 @p1 $0xFFFFFFC0;
	s16 =	simm.s32 @p1 $0x2  }
0x84: {  	_ =	swait.ge @p1 [sflag:s16], $0x2000  }
0x85: {  	s15 =	simm.s32 @p1 $0x2800;
	[sflag:s16] =	ssyncset.done @p1 $0x0  }
0x86: {  	s9 =	simm.s32 @p1 $0x4A00;
	[sflag:s16] =	ssyncadd.s32 @p1 $0xFFFFE000;
	s16 =	simm.s32 @p1 $0x40  }
0x87: {  	[spmem:s2] =	stream.indirect.scatter.add.f32 @p1 [tilespmem:s9], [sflag:$0x9], $0x80, s15, s16, $0xb8;
	[tilespmem:$0x1E280] =	vst v63  }
0x88: {  	s9 =	simm.s32 @p1 $0x9  }
0x89: {  	_ =	swait.ge @p1 [sflag:s9], $0x2000  }
0x8a: {  	[sflag:s9] =	ssyncset.done @p1 $0x0  }
0x8b: {  	[sflag:s9] =	ssyncadd.s32 @p1 $0xFFFFE000;
	s9 =	sshrl.u32 @!p1 s17, $0x3  }
0x8c: {  	s15 =	simm.s32 @!p1 $0x0;
	s16 =	simm.s32 @!p1 $0x2780;
	s9 =	sadd.s32 @!p1 s5, s9  }
0x8d: {  	[tilespmem:s16], [sflag:$0x5] =	stream.linear.gather @!p1 [hbm4b:s9+s15], $0x40, $0x38;
	[tilespmem:$0x1E280] =	vst v63  }
0x8e: {  	s9 =	sshra.s32 @!p1 s14, $0x2  }
0x8f: {  	s11 =	simm.s32 @!p1 $0x40;
	s12 =	simm.s32 @!p1 $0x2A00;
	s16 =	sadd.s32 @!p1 $0x100, s9  }
0x90: {  	[tilespmem:s12], [sflag:$0x1] =	stream.indirect.gather @!p1 [hbm4b:s4+s11], $0x80, s16, s11, $0xb8;
	[tilespmem:$0x1E280] =	vst v63  }
0x91: {  	s12 =	simm.s32 @!p1 $0x6  }
0x92: {  	_ =	swait.ge @!p1 [sflag:s12], $0x40  }
0x93: {  	[sflag:s12] =	ssyncset.done @!p1 $0x0  }
0x94: {  	[sflag:s12] =	ssyncadd.s32 @!p1 $0xFFFFFFC0;
	s12 =	simm.s32 @!p1 $0x2  }
0x95: {  	_ =	swait.ge @!p1 [sflag:s12], $0x2000  }
0x96: {  	s7 =	simm.s32 @!p1 $0x9;
	[sflag:s12] =	ssyncset.done @!p1 $0x0  }
0x97: {  	s16 =	simm.s32 @!p1 $0x4A00;
	[sflag:s12] =	ssyncadd.s32 @!p1 $0xFFFFE000;
	s12 =	simm.s32 @!p1 $0x2800  }
0x98: {  	[spmem:s2] =	stream.indirect.scatter.add.f32 @!p1 [tilespmem:s16], [sflag:$0x9], $0x80, s12, s11, $0xb8;
	[tilespmem:$0x1E280] =	vst v63  }
0x99: {  	_ =	swait.ge @!p1 [sflag:s7], $0x2000  }
0x9a: {  	[sflag:s7] =	ssyncset.done @!p1 $0x0  }
0x9b: {  	[sflag:s7] =	ssyncadd.s32 @!p1 $0xFFFFE000  }
0x9c: {  	[tilespmem:s12], [sflag:$0x6] =	stream.linear.gather @!p1 [hbm4b:s18+s15], $0x40, $0x38;
	[tilespmem:$0x1E280] =	vst v63  }
0x9d: {  	s7 =	sadd.s32 @!p1 $0x140, s9  }
0x9e: {  	[tilespmem:s16], [sflag:$0x2] =	stream.indirect.gather @!p1 [hbm4b:s4+s11], $0x80, s7, s11, $0xb8;
	[tilespmem:$0x1E280] =	vst v63  }
0x9f: {  	_ =	swait.ge [sflag:s29], $0x40  }
0xa0: {  	[sflag:s29] =	ssyncset.done $0x0  }
0xa1: {  	[sflag:s29] =	ssyncadd.s32 $0xFFFFFFC0  }
0xa2: {  	_ =	swait.ge [sflag:s1], $0x2000  }
0xa3: {  	[sflag:s1] =	ssyncset.done $0x0  }
.Ltmp4:
0xa4: {  	[sflag:s1] =	ssyncadd.s32 $0xFFFFE000;
	(pc) =	sbr.rel @p1 .LBB2_8-.Ltmp4, $4  }
0xa5: {  	[spmem:s2] =	stream.indirect.scatter.add.f32 [tilespmem:s30], [sflag:$0x9], $0x80, s28, s24, $0xb8;
	[tilespmem:$0x1E280] =	vst v63  }
0xa6: {  	_ =	swait.ge [sflag:s22], $0x2000  }
0xa7: {  	[sflag:s22] =	ssyncset.done $0x0  }
0xa8: {  	[sflag:s22] =	ssyncadd.s32 $0xFFFFE000  }
0xa9: {  	[tilespmem:s28], [sflag:$0x7] =	stream.linear.gather [hbm4b:s19+s3], $0x40, $0x38;
	[tilespmem:$0x1E280] =	vst v63  }
0xaa: {  	s7 =	sshra.s32 s14, $0x2  }
0xab: {  	s9 =	sadd.s32 $0x180, s7  }
0xac: {  	[tilespmem:s30], [sflag:$0x3] =	stream.indirect.gather [hbm4b:s4+s24], $0x80, s9, s24, $0xb8;
	[tilespmem:$0x1E280] =	vst v63  }
0xad: {  	_ =	swait.ge [sflag:s8], $0x40  }
0xae: {  	[sflag:s8] =	ssyncset.done $0x0  }
0xaf: {  	[sflag:s8] =	ssyncadd.s32 $0xFFFFFFC0  }
0xb0: {  	_ =	swait.ge [sflag:s10], $0x2000  }
0xb1: {  	[sflag:s10] =	ssyncset.done $0x0  }
0xb2: {  	[sflag:s10] =	ssyncadd.s32 $0xFFFFE000  }
0xb3: {  	[spmem:s2] =	stream.indirect.scatter.add.f32 [tilespmem:s0], [sflag:$0x9], $0x80, s31, s24, $0xb8;
	[tilespmem:$0x1E280] =	vst v63  }
0xb4: {  	_ =	swait.ge [sflag:s22], $0x2000  }
.Ltmp5:
0xb5: {  	s14 =	sadd.s32 $0x400, s14;
	[sflag:s22] =	ssyncset.done $0x0;
	(pc) =	sbr.rel .LBB2_6-.Ltmp5, $4  }
0xb6: {  	s17 =	sadd.s32 $0x100, s17;
	s18 =	sadd.s32 $0x20, s18;
	[sflag:s22] =	ssyncadd.s32 $0xFFFFE000  }
0xb7: {  	[tilespmem:s31], [sflag:$0x8] =	stream.linear.gather [hbm4b:s20+s3], $0x40, $0x38;
	[tilespmem:$0x1E280] =	vst v63  }
0xb8: {  	s19 =	sadd.s32 $0x20, s19;
	s7 =	sadd.s32 $0x1C0, s7;
	s20 =	sadd.s32 $0x20, s20  }
0xb9: {  	[tilespmem:s0], [sflag:$0x4] =	stream.indirect.gather [hbm4b:s4+s24], $0x80, s7, s24, $0xb8;
	[tilespmem:$0x1E280] =	vst v63  }
.LBB2_9:
0xba: {  	_ =	sfence.sel $0x180000  }
0xbb: {  	[bflag:$0x0] =	sbarrier.arrive $0xFFFF  }
0xbc: {  	_ =	strace $0x9000004A  }
0xbd: {  	s0 =	stileid.u32;
	[bflag:$0x2] =	sbarrier.arrive $0xFFFF  }
0xbe: {  	p0 =	sne.s32 s0, $0x0;
	s0 =	rddreg [dreg:$0x2]  }
0xbf: {  	s0 =	sadd.s32 @!p0 $0x100000, s0  }
0xc0: {  	[sflag:s0] =	ssyncadd.tile.s32 @!p0 $0x1;
	_ =	shalt  }
.Lfunc_end2:
_tile_overlayer_lowered:
.L_overlay_start_2:
0xc1: {  	(tag) =	ssettag $0x2  }
0xc2: {  	s0 =	rddreg [dreg:$0x0];
	s2 =	stileid.u32  }
0xc3: {  	s1 =	rddreg [dreg:$0x1];
	p0 =	sne.s32 s2, $0x0  }
0xc4: {  	s3 =	rddreg [dreg:$0x2];
	[bflag:$0x3] =	sbarrier.arrive $0xFFFF;
	s2 =	simm.s32 @!p0 $0x1C09  }
0xc5: {  	[timem:s3], [sflag:s2] =	dma.local @!p0 [hbm:s0], s1  }
0xc6: {  	s0 =	simm.s32 @!p0 $0x9  }
0xc7: {  	_ =	swait.ge @!p0 [sflag:s0], s1  }
0xc8: {  	s1 =	ssub.s32 @!p0 $0x0, s1;
	[sflag:s0] =	ssyncset.done @!p0 $0x0  }
0xc9: {  	[sflag:s0] =	ssyncadd.s32 @!p0 s1  }
0xca: {  	[bflag:$0x3] =	sbarrier.arrive $0xFFFF  }
0xcb: {  	_ =	shalt  }

// kernel: kernel.16.cloned.1.call-start
scs
__scs_entry_jumppad:
0x0: {  	(pc) =	sbr.rel $0x88, $3  }
0x1: {  	(tag) =	ssettag $0x0;
	lr =	simm.s32 $0x1  }
0x2: {  	[smem:$0x3F93] =	sst lr;
	_ =	strace $0xD0000000  }
0x3: {  	_ = 	snop  }
0x4: {  	_ = 	snop  }
0x5: {  	_ = 	snop  }
0x6: {  	_ = 	snop  }
0x7: {  	_ = 	snop  }
__scs_overlays_trampoline_lowered:
0x8: {  	[smem:$0x3FA2] =	sst s0  }
0x9: {  	[smem:$0x3FA3] =	sst s1  }
0xa: {  	[smem:$0x3FA4] =	sst s2  }
0xb: {  	[smem:$0x3FA5] =	sst s3  }
0xc: {  	[smem:$0x3FA6] =	sst s4  }
0xd: {  	[smem:$0x3FA7] =	sst s5  }
0xe: {  	[smem:$0x3FA8] =	sst s6  }
0xf: {  	[smem:$0x3FA9] =	sst s7  }
0x10: {  	[smem:$0x3FAA] =	sst s8  }
0x11: {  	[smem:$0x3FAB] =	sst s9;
	s0 =	simm.s32 @!p0 $0x0  }
0x12: {  	s1 =	sld [smem:$0x3F91];
	s0 =	simm.s32 @p0 $0x1  }
0x13: {  	[smem:$0x3FAC] =	sst s0;
	s0 =	simm.s32 @!p1 $0x0  }
0x14: {  	s2 =	sld [smem:$0x3F90];
	s0 =	simm.s32 @p1 $0x1  }
0x15: {  	[smem:$0x3FAD] =	sst s0;
	s0 =	simm.s32 @!p2 $0x0  }
0x16: {  	s3 =	sld [smem:$0x3FDB];
	s0 =	simm.s32 @p2 $0x1  }
0x17: {  	s4 =	simm.s32 $0x1BF5;
	[smem:$0x3FAF] =	sst s0  }
0x18: {  	s0 =	sld [smem:$0x3F92];
	_ =	swait.ge [sflag:s4], $0x0  }
0x19: {  	s7 =	sld [smem:$0x3F93]  }
0x1a: {  	s8 =	sadd.s32 $0xFFFFE003, lr  }
0x1b: {  	s9 =	sadd.s32 $0xFFFFFEF7, lr;
	s5 =	simm.s32 $0xFFFFFFFF;
	p2 =	slt.u32 s8, $0xFFFFF086  }
0x1c: {  	p1 =	slt.u32 s9, $0xF7A;
	s5 =	simm.s32 @!p2 $0x0  }
0x1d: {  	s5 =	simm.s32 @p1 $0x1;
	p0 =	seq.s32 s7, s2  }
0x1e: {  	s7 =	smul.u32 @!p0 $0xF7A, s2;
	p2 =	seq.s32 @!p0 s5, $0x0  }
0x1f: {  	s9 =	smul.u32 $0xF7A, s1;
	s8 =	simm.s32 @!p0 $0x1BF5;
	p2 =	por !p2, p0  }
0x20: {  	[sflag:s8] =	ssyncset.s32 @!p0 $0xFFFFF086;
	s6 =	sadd.s32 @!p0 s3, s7;
	s7 =	simm.s32 @!p0 $0x108  }
0x21: {  	s3 =	sadd.s32 s3, s9;
	s6 =	sadd.s32 @!p0 $0x88, s6;
	s7 =	simm.s32 @p2 $0x1082  }
0x22: {  	[simem:s7], [sflag:s8] =	dma.local @!p0 [hbm:s6], $0xF7A  }
0x23: {  	s9 =	sor.u32 $0xD0000000, s2;
	s6 =	simm.s32 $0x108;
	_ =	swait.ge @!p0 [sflag:s8], $0x0  }
0x24: {  	s3 =	sadd.s32 $0x88, s3;
	s6 =	simm.s32 @!p1 $0x1082;
	[sflag:s4] =	ssyncset.s32 $0xFFFFF086  }
0x25: {  	[simem:s6], [sflag:s4] =	dma.local [hbm:s3], $0xF7A  }
0x26: {  	[smem:$0x3F93] =	sst s1;
	(tag) =	ssettag s2;
	_ =	strace s9  }
0x27: {  	s1 =	sld [smem:$0x3FA3]  }
0x28: {  	s2 =	sld [smem:$0x3FA4]  }
0x29: {  	s4 =	sld [smem:$0x3FA6]  }
0x2a: {  	p0 =	seq.s32 s5, $0x0;
	s5 =	sld [smem:$0x3FA7]  }
0x2b: {  	s6 =	sld [smem:$0x3FA8]  }
0x2c: {  	s7 =	sld [smem:$0x3FA9]  }
0x2d: {  	s3 =	simm.s32 $0x108;
	s8 =	sld [smem:$0x3FAA]  }
0x2e: {  	s3 =	simm.s32 @!p0 $0x1082;
	s9 =	sld [smem:$0x3FAB]  }
0x2f: {  	lr =	sadd.s32 s0, s3;
	s0 =	sld [smem:$0x3FA2]  }
0x30: {  	s3 =	sld [smem:$0x3FA5]  }
0x31: {  	[smem:$0x3FAE] =	sst s10  }
0x32: {  	s10 =	sld [smem:$0x3FAC];
	_ =	sdelay $0x3  }
0x33: {  	p0 =	seq.s32 s10, $0x1;
	s10 =	sld [smem:$0x3FAE];
	_ =	sdelay $0x3  }
0x34: {  	[smem:$0x3FAE] =	sst s10  }
0x35: {  	s10 =	sld [smem:$0x3FAD];
	_ =	sdelay $0x3  }
0x36: {  	p1 =	seq.s32 s10, $0x1;
	s10 =	sld [smem:$0x3FAE];
	_ =	sdelay $0x3  }
0x37: {  	[smem:$0x3FAE] =	sst s10  }
0x38: {  	s10 =	sld [smem:$0x3FAF]  }
0x39: {  	_ = 	snop;
	(pc) =	sbr.ind lr, $3  }
0x3a: {  	_ = 	snop  }
0x3b: {  	_ = 	snop  }
0x3c: {  	p2 =	seq.s32 s10, $0x1;
	s10 =	sld [smem:$0x3FAE]  }
0x3d: {  	_ =	shalt  }
0x3e: {  	_ =	shalt  }
0x3f: {  	_ =	shalt  }
0x40: {  	_ =	shalt  }
0x41: {  	_ =	shalt  }
0x42: {  	_ =	shalt  }
0x43: {  	_ =	shalt  }
0x44: {  	_ =	shalt  }
0x45: {  	_ =	shalt  }
0x46: {  	_ =	shalt  }
0x47: {  	_ =	shalt  }
0x48: {  	_ =	shalt  }
0x49: {  	_ =	shalt  }
0x4a: {  	_ =	shalt  }
0x4b: {  	_ =	shalt  }
0x4c: {  	_ =	shalt  }
0x4d: {  	_ =	shalt  }
0x4e: {  	_ =	shalt  }
0x4f: {  	_ =	shalt  }
0x50: {  	_ =	shalt  }
0x51: {  	_ =	shalt  }
0x52: {  	_ =	shalt  }
0x53: {  	_ =	shalt  }
0x54: {  	_ =	shalt  }
0x55: {  	_ =	shalt  }
0x56: {  	_ =	shalt  }
0x57: {  	_ =	shalt  }
0x58: {  	_ =	shalt  }
0x59: {  	_ =	shalt  }
0x5a: {  	_ =	shalt  }
0x5b: {  	_ =	shalt  }
0x5c: {  	_ =	shalt  }
0x5d: {  	_ =	shalt  }
0x5e: {  	_ =	shalt  }
0x5f: {  	_ =	shalt  }
0x60: {  	_ =	shalt  }
0x61: {  	_ =	shalt  }
0x62: {  	_ =	shalt  }
0x63: {  	_ =	shalt  }
0x64: {  	_ =	shalt  }
0x65: {  	_ =	shalt  }
0x66: {  	_ =	shalt  }
0x67: {  	_ =	shalt  }
0x68: {  	_ =	shalt  }
0x69: {  	_ =	shalt  }
0x6a: {  	_ =	shalt  }
0x6b: {  	_ =	shalt  }
0x6c: {  	_ =	shalt  }
0x6d: {  	_ =	shalt  }
0x6e: {  	_ =	shalt  }
0x6f: {  	_ =	shalt  }
0x70: {  	_ =	shalt  }
0x71: {  	_ =	shalt  }
0x72: {  	_ =	shalt  }
0x73: {  	_ =	shalt  }
0x74: {  	_ =	shalt  }
0x75: {  	_ =	shalt  }
0x76: {  	_ =	shalt  }
0x77: {  	_ =	shalt  }
0x78: {  	_ =	shalt  }
0x79: {  	_ =	shalt  }
0x7a: {  	_ =	shalt  }
0x7b: {  	_ =	shalt  }
0x7c: {  	_ =	shalt  }
0x7d: {  	_ =	shalt  }
0x7e: {  	_ =	shalt  }
0x7f: {  	_ =	shalt  }
0x80: {  	_ =	shalt  }
0x81: {  	_ =	shalt  }
0x82: {  	_ =	shalt  }
0x83: {  	_ =	shalt  }
0x84: {  	_ =	shalt  }
0x85: {  	_ =	shalt  }
0x86: {  	_ =	shalt  }
0x87: {  	_ =	shalt  }
.Lfunc_end0:
.L_simem_size_0:
called_computation.2_lowered:
.L_overlay_start_0:
0x88: {  	s2 =	sld [smem:$0x3FD9]  }
0x89: {  	s3 =	sld [smem:$0x3FFE];
	_ =	sdelay $0x1  }
0x8a: {  	s1 =	srdreg.scid  }
0x8b: {  	s0 =	sand.u32 $0x1, s1  }
0x8c: {  	s16 =	sshll.u32 s0, $0xA;
	s2 =	sadd.s32 s3, s2  }
0x8d: {  	s2 =	sadd.s32 s2, s16  }
0x8e: {  	[smem:$0x3FBA] =	sst s2  }
0x8f: {  	_ = 	snop  }
0x90: {  	(tm) =	ssettm $0x1  }
0x91: {  	s17 =	sld [smem:$0x3FFB];
	_ =	sdelay $0x3  }
0x92: {  	_ =	strace s17  }
0x93: {  	s2 =	sld [smem:$0x3FFC];
	_ =	sdelay $0x3  }
0x94: {  	_ =	strace s2  }
0x95: {  	s2 =	sld [smem:$0x3FFD];
	_ =	sdelay $0x3  }
0x96: {  	_ =	strace s2  }
0x97: {  	_ =	strace $0x8FFFFFFF  }
0x98: {  	s18 =	sld [smem:$0x3FDB];
	_ =	sdelay $0x1  }
0x99: {  	s19 =	simm.s32 $_scs_section_size  }
0x9a: {  	s4 =	simm.s32 $_size__tile_overlayer_lowered;
	s5 =	simm.s32 $_tile_overlayer_lowered  }
0x9b: {  	s22 =	simm.s32 $0x1BFF;
	s21 =	sshll.u32 s5, $0x1;
	s2 =	sadd.s32 s19, s18  }
0x9c: {  	s6 =	simm.s32 $0x0;
	s20 =	sshll.u32 s4, $0x1;
	s4 =	sadd.s32 s21, s2  }
0x9d: {  	[timem:s6], [sflag:s22] =	dma.local [hbm:s4], s20  }
0x9e: {  	_ =	swait.ge [sflag:s22], s20  }
0x9f: {  	s3 =	ssub.s32 $0x0, s20;
	[sflag:s22] =	ssyncset.done $0x0  }
0xa0: {  	[sflag:s22] =	ssyncadd.s32 s3;
	_ =	sdelay $0x1  }
0xa1: {  	s23 =	simm.s32 $0x1B8B  }
0xa2: {  	_ =	swait.ge [sflag:s23], $0x1  }
0xa3: {  	[sflag:s23] =	ssyncset.done $0x0  }
0xa4: {  	s25 =	simm.s32 $0x1B8E;
	s24 =	sld [smem:$0x3FFE];
	[sflag:s23] =	ssyncadd.s32 $0xFFFFFFFF  }
0xa5: {  	s26 =	simm.s32 $execute0_lowered;
	[smem:$0x3FD2] =	sst s25  }
0xa6: {  	s4 =	sshll.u32 s26, $0x1;
	_ =	strace $0x8000004C;
	[dreg:$0x1] =	wrdreg $0xFFFFFFFF  }
0xa7: {  	s28 =	simm.s32 $_size_execute0_lowered;
	s2 =	sadd.s32 s2, s4;
	[dreg:$0x0] =	wrdreg $0x0  }
0xa8: {  	s4 =	sshll.u32 s28, $0x1;
	[dreg:$0x2] =	wrdreg s2  }
0xa9: {  	[dreg:$0x3] =	wrdreg s4  }
0xaa: {  	[dreg:$0x4] =	wrdreg $0xC0  }
0xab: {  	_ =	task [dreg:s6], $0x5FFFF  }
0xac: {  	[dreg:$0x1] =	wrdreg $0xFFFFFFFF  }
0xad: {  	[dreg:$0x0] =	wrdreg $0x60  }
0xae: {  	[dreg:$0x2] =	wrdreg s24  }
0xaf: {  	[dreg:$0x3] =	wrdreg $0xAA000  }
0xb0: {  	[dreg:$0x4] =	wrdreg $0x9  }
0xb1: {  	_ =	task.clear_ibuf [dreg:s6], $0x5FFFF;
	_ =	strace $0x9000004C  }
0xb2: {  	s29 =	simm.s32 $0x9;
	_ =	strace $0x8000004E  }
0xb3: {  	_ =	swait.ge [sflag:s29], $0x1  }
0xb4: {  	[sflag:s29] =	ssyncadd.s32 $0xFFFFFFFF  }
0xb5: {  	_ =	strace $0x9000004E  }
0xb6: {  	_ =	sfence  }
0xb7: {  	s30 =	sld [smem:$0x0];
	_ =	sdelay $0x2  }
0xb8: {  	s31 =	sshll.u32 s1, $0xD;
	s1 =	sshrl.u32 s1, $0x2  }
0xb9: {  	s3 =	sand.u32 $0x4000, s31;
	s1 =	sadd.s32 s1, s30  }
0xba: {  	s0 =	sor.u32 s3, s0;
	s1 =	sshll.u32 s1, $0x11  }
0xbb: {  	s0 =	sor.u32 s1, s0  }
0xbc: {  	s0 =	sadd.s32 $0x8F2B, s0  }
0xbd: {  	[sflag:s0] =	ssyncadd.remote.s32 $0x1  }
0xbe: {  	_ =	sfence.sel $0xFFFF  }
0xbf: {  	[dreg:$0x0] =	wrdreg $0xFFFFFFFF;
	(pc) =	sbr.abs _section_cstart, $3  }
0xc0: {  	[dreg:$0x1] =	wrdreg $0xFFFFFFFF  }
0xc1: {  	_ =	task.clear_ibuf [dreg:s6], $0x2FFFF;
	_ =	strace $0x9FFFFFFF  }
0xc2: {  	(tm) =	ssettm $0x7FFFFFFF  }
0xc3: {  	_ =	shalt  }
tec
execute0_lowered:
.L_overlay_start_1:
0x0: {  	(tag) =	ssettag $0x1  }
0x1: {  	s0 =	srdreg.scid  }
0x2: {  	s1 =	rddreg [dreg:$0x0];
	s13 =	stileid.u32  }
0x3: {  	s2 =	rddreg [dreg:$0x1];
	s28 =	simm.s32 $0x2880;
	s7 =	smul.u32 $0x4E000, s13  }
0x4: {  	s30 =	simm.s32 $0x6A00;
	s31 =	simm.s32 $0x2900;
	s12 =	smul.u32 $0x2700, s13  }
0x5: {  	s29 =	simm.s32 $0x7;
	s0 =	sand.u32 $0x1, s0;
	s19 =	smul.u32 $0x2710, s13  }
0x6: {  	s15 =	sadd.s32 $0x138000, s2;
	p0 =	sne.s32 s13, $0xF;
	s11 =	smul.u32 $0x27100, s0  }
0x7: {  	s3 =	sshll.u32 s0, $0x4;
	s6 =	ssub.s32 $0x2, s0;
	s0 =	smul.u32 $0x138800, s0  }
0x8: {  	s4 =	sor.u32 s13, s3;
	s3 =	simm.s32 $0x0;
	s10 =	sshrl.u32 s6, $0x1  }
0x9: {  	s7 =	sshrl.u32 s7, $0x2;
	s13 =	simm.s32 $0x0;
	s5 =	smul.u32 $0x2710, s4  }
0xa: {  	[smem:$0x7FF] =	sst s3;
	s4 =	sadd.s32 $0x16400, s1;
	s10 =	ssub.s32 s6, s10  }
0xb: {  	s6 =	sadd.s32 s7, s2;
	s18 =	sadd.s32 s12, s11;
	s0 =	sshrl.u32 s0, $0x3  }
0xc: {  	s22 =	sadd.s32 s19, s11;
	_ =	strace $0x8000004D;
	s21 =	smax.u32 s10, $0x1  }
0xd: {  	s23 =	sadd.s32 $0x100, s22;
	s24 =	sadd.s32 $0x140, s22;
	[dreg:$0x3] =	wrdreg s15  }
0xe: {  	s8 =	sshrl.u32 s5, $0x3;
	s5 =	sadd.s32 $0x2800, s1;
	[dreg:$0xc] =	wrdreg s21  }
0xf: {  	[dreg:$0xd] =	wrdreg s23;
	s9 =	sadd.s32 s8, s1;
	s14 =	sadd.s32 s5, s8  }
0x10: {  	s25 =	sadd.s32 $0x180, s22;
	s9 =	sadd.s32 $0xC600, s9;
	[dreg:$0x5] =	wrdreg s14  }
0x11: {  	s10 =	simm.s32 $0x4;
	s8 =	sadd.s32 $0x8, s14;
	[dreg:$0x4] =	wrdreg s9  }
0x12: {  	s21 =	simm.s32 $0x2A00;
	s16 =	sadd.s32 $0x10, s14;
	[dreg:$0x6] =	wrdreg s8  }
0x13: {  	s23 =	simm.s32 $0x2780;
	s17 =	sadd.s32 $0x18, s14;
	[dreg:$0x7] =	wrdreg s16  }
0x14: {  	s1 =	sadd.s32 $0x64800, s1;
	s7 =	sadd.s32 $0x4E0, s14;
	[dreg:$0x8] =	wrdreg s17  }
0x15: {  	s20 =	sadd.s32 s1, s18;
	s0 =	sadd.s32 s1, s0;
	[dreg:$0x9] =	wrdreg s7  }
0x16: {  	s1 =	sshrl.u32 s24, $0x3;
	s24 =	simm.s32 $0x40;
	[dreg:$0xa] =	wrdreg s20  }
0x17: {  	s0 =	sadd.s32 $0x27000, s0;
	s8 =	sshrl.u32 s25, $0x3;
	s1 =	sadd.s32 s1, s5  }
.Ltmp0:
0x18: {  	s25 =	simm.s32 $0x5;
	[dreg:$0xb] =	wrdreg s0;
	(pc) =	sbr.rel .LBB2_1-.Ltmp0, $4  }
0x19: {  	s0 =	sadd.s32 $0x1C0, s22;
	[dreg:$0xe] =	wrdreg s1;
	s26 =	sadd.s32 s8, s5  }
0x1a: {  	s22 =	simm.s32 $0x9;
	s1 =	simm.s32 $0x3;
	s0 =	sshrl.u32 s0, $0x3  }
0x1b: {  	s8 =	simm.s32 $0x8;
	[dreg:$0xf] =	wrdreg s26;
	s0 =	sadd.s32 s0, s5  }
0x1c: {  	v0 =	vimm.f32 $0.0e+00;
	s26 =	simm.s32 $0x1;
	[dreg:$0x10] =	wrdreg s0;
	s0 =	simm.s32 $0x8A00  }
.LBB2_8:
0x1d: {  	_ =	swait.ge [sflag:s8], $0x40  }
0x1e: {  	[sflag:s8] =	ssyncset.done $0x0  }
0x1f: {  	[sflag:s8] =	ssyncadd.s32 $0xFFFFFFC0  }
0x20: {  	_ =	swait.ge [sflag:s10], $0x2000  }
0x21: {  	[sflag:s10] =	ssyncset.done $0x0  }
0x22: {  	[sflag:s10] =	ssyncadd.s32 $0xFFFFE000  }
0x23: {  	[spmem:s2] =	stream.indirect.scatter.add.f32 [tilespmem:s0], [sflag:$0x9], $0x80, s31, s24, $0xb8;
	[tilespmem:$0x1E280] =	vst v63  }
0x24: {  	_ =	swait.ge [sflag:s22], $0x2000  }
0x25: {  	[sflag:s22] =	ssyncset.done $0x0  }
0x26: {  	s9 =	simm.s32 $0x2980;
	s7 =	rddreg [dreg:$0x9];
	[sflag:s22] =	ssyncadd.s32 $0xFFFFE000  }
0x27: {  	[tilespmem:s9], [sflag:$0x9] =	stream.linear.gather [hbm4b:s7+s3], $0x10, $0x38;
	[tilespmem:$0x1E280] =	vst v63  }
0x28: {  	_ =	swait.ge [sflag:s22], $0x10  }
0x29: {  	[sflag:s22] =	ssyncset.done $0x0  }
0x2a: {  	s16 =	simm.s32 $0x10;
	s11 =	simm.s32 $0x2700;
	[sflag:s22] =	ssyncadd.s32 $0xFFFFFFF0  }
0x2b: {  	[tilespmem:s21], [sflag:$0x1] =	stream.indirect.gather [hbm4b:s4+s16], $0x80, s11, s16, $0xb8;
	[tilespmem:$0x1E280] =	vst v63  }
0x2c: {  	_ =	swait.ge [sflag:s26], $0x800  }
0x2d: {  	[sflag:s26] =	ssyncset.done $0x0  }
0x2e: {  	[sflag:s26] =	ssyncadd.s32 $0xFFFFF800  }
0x2f: {  	[spmem:s2] =	stream.indirect.scatter.add.f32 [tilespmem:s21], [sflag:$0x9], $0x80, s9, s16, $0xb8;
	[tilespmem:$0x1E280] =	vst v63  }
0x30: {  	_ =	swait.ge [sflag:s22], $0x800  }
0x31: {  	[sflag:s22] =	ssyncset.done $0x0  }
0x32: {  	s17 =	stileid.u32;
	[sflag:s22] =	ssyncadd.s32 $0xFFFFF800  }
0x33: {  	s7 =	sshll.u32 s17, $0x6;
	[bflag:$0x0] =	sbarrier.arrive $0xFFFF  }
0x34: {  	s18 =	sshrl.u32 s6, $0x3;
	s7 =	sor.u32 $0x1C09, s7;
	s19 =	rddreg [dreg:$0xa]  }
0x35: {  	[hbm:s19], [sflag:s7] =	dma.local [spmem:s18], $0x2700  }
0x36: {  	_ =	swait.ge [sflag:s22], $0x2700  }
0x37: {  	[sflag:s22] =	ssyncset.done $0x0;
	s15 =	rddreg [dreg:$0x3]  }
0x38: {  	s11 =	rddreg [dreg:$0xb];
	[sflag:s22] =	ssyncadd.s32 $0xFFFFD900;
	s9 =	sshrl.u32 @!p0 s15, $0x3  }
0x39: {  	[hbm:s11], [sflag:s7] =	dma.local @!p0 [spmem:s9], $0x100  }
0x3a: {  	s7 =	simm.s32 @!p0 $0x9  }
0x3b: {  	_ =	swait.ge @!p0 [sflag:s7], $0x100  }
0x3c: {  	s13 =	sadd.s32 $0x1, s13;
	s20 =	rddreg [dreg:$0xc]  }
0x3d: {  	p1 =	sne.s32 s13, s20  }
.Ltmp1:
0x3e: {  	_ = 	snop;
	(pc) =	sbr.rel @!p1 .LBB2_9-.Ltmp1, $3  }
0x3f: {  	_ =	sdelay $0x1  }
0x40: {  	[sflag:s7] =	ssyncset.done @!p0 $0x0  }
0x41: {  	[sflag:s7] =	ssyncadd.s32 @!p0 $0xFFFFFF00  }
.LBB2_1:
0x42: {  	s14 =	simm.s32 $0x0;
	s17 =	simm.s32 $0x200  }
.LBB2_2:
0x43: {  	p1 =	sne.s32 s17, $0x1E00;
	[tilespmem:s14+$0x2A70] =	vst v0  }
0x44: {  	[tilespmem:s14+$0x2A00] =	vst v0  }
0x45: {  	[tilespmem:s14+$0x2A10] =	vst v0  }
.Ltmp2:
0x46: {  	[tilespmem:s14+$0x2A20] =	vst v0;
	(pc) =	sbr.rel @p1 .LBB2_2-.Ltmp2, $4  }
0x47: {  	[tilespmem:s14+$0x2A30] =	vst v0  }
0x48: {  	[tilespmem:s14+$0x2A40] =	vst v0  }
0x49: {  	[tilespmem:s14+$0x2A50] =	vst v0  }
0x4a: {  	[tilespmem:s14+$0x2A60] =	vst v0;
	s14 =	sshra.s32 s17, $0x2;
	s17 =	sadd.s32 $0x200, s17  }
0x4b: {  	[tilespmem:s14+$0x2A70] =	vst v0  }
0x4c: {  	[tilespmem:s14+$0x2A00] =	vst v0  }
0x4d: {  	[tilespmem:s14+$0x2A10] =	vst v0  }
0x4e: {  	[tilespmem:s14+$0x2A20] =	vst v0  }
0x4f: {  	[tilespmem:s14+$0x2A30] =	vst v0  }
0x50: {  	[tilespmem:s14+$0x2A40] =	vst v0  }
0x51: {  	[tilespmem:s14+$0x2A50] =	vst v0  }
0x52: {  	[tilespmem:s14+$0x2A60] =	vst v0;
	s20 =	sadd.s32 $0x0, s6  }
0x53: {  	[spmem:s20] =	stream.linear.scatter [tilespmem:s21], [sflag:$0x9], $0x800, $0x38;
	[tilespmem:$0x1E280] =	vst v63  }
0x54: {  	s14 =	simm.s32 $0x2000;
	_ =	swait.ge [sflag:s22], $0x800  }
.LBB2_4:
0x55: {  	s17 =	sshra.s32 s14, $0x2;
	[sflag:s22] =	ssyncset.done $0x0;
	p1 =	sne.s32 s14, $0x4C000  }
.Ltmp3:
0x56: {  	s17 =	sadd.s32 s17, s6;
	[sflag:s22] =	ssyncadd.s32 $0xFFFFF800;
	(pc) =	sbr.rel @p1 .LBB2_4-.Ltmp3, $3  }
0x57: {  	[spmem:s17] =	stream.linear.scatter [tilespmem:s21], [sflag:$0x9], $0x800, $0x38;
	[tilespmem:$0x1E280] =	vst v63  }
0x58: {  	s14 =	sadd.s32 $0x2000, s14;
	_ =	sdelay $0x1  }
0x59: {  	_ =	swait.ge [sflag:s22], $0x800  }
0x5a: {  	[sflag:s22] =	ssyncset.done $0x0  }
0x5b: {  	s14 =	simm.s32 @!p0 $0x2A00;
	[sflag:s22] =	ssyncadd.s32 $0xFFFFF800  }
0x5c: {  	[spmem:s15] =	stream.linear.scatter @!p0 [tilespmem:s14], [sflag:$0x9], $0x800, $0x38;
	[tilespmem:$0x1E280] =	vst v63  }
0x5d: {  	s14 =	simm.s32 @!p0 $0x9  }
0x5e: {  	_ =	swait.ge @!p0 [sflag:s14], $0x800  }
0x5f: {  	[sflag:s14] =	ssyncset.done @!p0 $0x0  }
0x60: {  	[sflag:s14] =	ssyncadd.s32 @!p0 $0xFFFFF800  }
0x61: {  	[bflag:$0x0] =	sbarrier.arrive $0xFFFF  }
0x62: {  	s14 =	simm.s32 $0x0;
	s7 =	rddreg [dreg:$0x4]  }
0x63: {  	[tilespmem:s14], [sflag:$0x9] =	stream.linear.gather [hbm4b:s7+s14], $0x2710, $0x38;
	[tilespmem:$0x1E280] =	vst v63  }
0x64: {  	_ =	swait.ge [sflag:s22], $0x2710  }
0x65: {  	[sflag:s22] =	ssyncset.done $0x0  }
0x66: {  	s12 =	rddreg [dreg:$0x5];
	[sflag:s22] =	ssyncadd.s32 $0xFFFFD8F0  }
0x67: {  	[tilespmem:s23], [sflag:$0x5] =	stream.linear.gather [hbm4b:s12+s14], $0x40, $0x38;
	[tilespmem:$0x1E280] =	vst v63  }
0x68: {  	_ = 	snop  }
0x69: {  	[tilespmem:s21], [sflag:$0x1] =	stream.indirect.gather [hbm4b:s4+s24], $0x80, s14, s24, $0xb8;
	[tilespmem:$0x1E280] =	vst v63  }
0x6a: {  	s9 =	simm.s32 $0x2800;
	s15 =	rddreg [dreg:$0x6]  }
0x6b: {  	[tilespmem:s9], [sflag:$0x6] =	stream.linear.gather [hbm4b:s15+s14], $0x40, $0x38;
	[tilespmem:$0x1E280] =	vst v63  }
0x6c: {  	s16 =	simm.s32 $0x4A00;
	s17 =	rddreg [dreg:$0x7]  }
0x6d: {  	[tilespmem:s16], [sflag:$0x2] =	stream.indirect.gather [hbm4b:s4+s24], $0x80, s24, s24, $0xb8;
	[tilespmem:$0x1E280] =	vst v63  }
0x6e: {  	s19 =	rddreg [dreg:$0x8]  }
0x6f: {  	[tilespmem:s28], [sflag:$0x7] =	stream.linear.gather [hbm4b:s17+s14], $0x40, $0x38;
	[tilespmem:$0x1E280] =	vst v63  }
0x70: {  	s18 =	simm.s32 $0x80;
	s17 =	rddreg [dreg:$0xd]  }
0x71: {  	[tilespmem:s30], [sflag:$0x3] =	stream.indirect.gather [hbm4b:s4+s24], $0x80, s18, s24, $0xb8;
	[tilespmem:$0x1E280] =	vst v63  }
0x72: {  	s18 =	rddreg [dreg:$0xe]  }
0x73: {  	[tilespmem:s31], [sflag:$0x8] =	stream.linear.gather [hbm4b:s19+s14], $0x40, $0x38;
	[tilespmem:$0x1E280] =	vst v63  }
0x74: {  	s20 =	simm.s32 $0xC0;
	s19 =	rddreg [dreg:$0xf]  }
0x75: {  	[tilespmem:s0], [sflag:$0x4] =	stream.indirect.gather [hbm4b:s4+s24], $0x80, s20, s24, $0xb8;
	[tilespmem:$0x1E280] =	vst v63  }
0x76: {  	s20 =	rddreg [dreg:$0x10]  }
.LBB2_6:
0x77: {  	_ =	swait.ge [sflag:s25], $0x40  }
0x78: {  	[sflag:s25] =	ssyncset.done $0x0  }
0x79: {  	[sflag:s25] =	ssyncadd.s32 $0xFFFFFFC0  }
0x7a: {  	_ =	swait.ge [sflag:s26], $0x2000  }
0x7b: {  	[sflag:s26] =	ssyncset.done $0x0  }
0x7c: {  	[sflag:s26] =	ssyncadd.s32 $0xFFFFE000  }
0x7d: {  	[spmem:s2] =	stream.indirect.scatter.add.f32 [tilespmem:s21], [sflag:$0x9], $0x80, s23, s24, $0xb8;
	[tilespmem:$0x1E280] =	vst v63  }
0x7e: {  	_ =	swait.ge [sflag:s22], $0x2000  }
0x7f: {  	p1 =	seq.s32 s14, $0x9800;
	[sflag:s22] =	ssyncset.done $0x0  }
0x80: {  	s16 =	simm.s32 @p1 $0x6;
	[sflag:s22] =	ssyncadd.s32 $0xFFFFE000  }
0x81: {  	_ =	swait.ge @p1 [sflag:s16], $0x40  }
0x82: {  	[sflag:s16] =	ssyncset.done @p1 $0x0  }
0x83: {  	[sflag:s16] =	ssyncadd.s32 @p1 $0xFFFFFFC0;
	s16 =	simm.s32 @p1 $0x2  }
0x84: {  	_ =	swait.ge @p1 [sflag:s16], $0x2000  }
0x85: {  	s15 =	simm.s32 @p1 $0x2800;
	[sflag:s16] =	ssyncset.done @p1 $0x0  }
0x86: {  	s9 =	simm.s32 @p1 $0x4A00;
	[sflag:s16] =	ssyncadd.s32 @p1 $0xFFFFE000;
	s16 =	simm.s32 @p1 $0x40  }
0x87: {  	[spmem:s2] =	stream.indirect.scatter.add.f32 @p1 [tilespmem:s9], [sflag:$0x9], $0x80, s15, s16, $0xb8;
	[tilespmem:$0x1E280] =	vst v63  }
0x88: {  	s9 =	simm.s32 @p1 $0x9  }
0x89: {  	_ =	swait.ge @p1 [sflag:s9], $0x2000  }
0x8a: {  	[sflag:s9] =	ssyncset.done @p1 $0x0  }
0x8b: {  	[sflag:s9] =	ssyncadd.s32 @p1 $0xFFFFE000;
	s9 =	sshrl.u32 @!p1 s17, $0x3  }
0x8c: {  	s15 =	simm.s32 @!p1 $0x0;
	s16 =	simm.s32 @!p1 $0x2780;
	s9 =	sadd.s32 @!p1 s5, s9  }
0x8d: {  	[tilespmem:s16], [sflag:$0x5] =	stream.linear.gather @!p1 [hbm4b:s9+s15], $0x40, $0x38;
	[tilespmem:$0x1E280] =	vst v63  }
0x8e: {  	s9 =	sshra.s32 @!p1 s14, $0x2  }
0x8f: {  	s11 =	simm.s32 @!p1 $0x40;
	s12 =	simm.s32 @!p1 $0x2A00;
	s16 =	sadd.s32 @!p1 $0x100, s9  }
0x90: {  	[tilespmem:s12], [sflag:$0x1] =	stream.indirect.gather @!p1 [hbm4b:s4+s11], $0x80, s16, s11, $0xb8;
	[tilespmem:$0x1E280] =	vst v63  }
0x91: {  	s12 =	simm.s32 @!p1 $0x6  }
0x92: {  	_ =	swait.ge @!p1 [sflag:s12], $0x40  }
0x93: {  	[sflag:s12] =	ssyncset.done @!p1 $0x0  }
0x94: {  	[sflag:s12] =	ssyncadd.s32 @!p1 $0xFFFFFFC0;
	s12 =	simm.s32 @!p1 $0x2  }
0x95: {  	_ =	swait.ge @!p1 [sflag:s12], $0x2000  }
0x96: {  	s7 =	simm.s32 @!p1 $0x9;
	[sflag:s12] =	ssyncset.done @!p1 $0x0  }
0x97: {  	s16 =	simm.s32 @!p1 $0x4A00;
	[sflag:s12] =	ssyncadd.s32 @!p1 $0xFFFFE000;
	s12 =	simm.s32 @!p1 $0x2800  }
0x98: {  	[spmem:s2] =	stream.indirect.scatter.add.f32 @!p1 [tilespmem:s16], [sflag:$0x9], $0x80, s12, s11, $0xb8;
	[tilespmem:$0x1E280] =	vst v63  }
0x99: {  	_ =	swait.ge @!p1 [sflag:s7], $0x2000  }
0x9a: {  	[sflag:s7] =	ssyncset.done @!p1 $0x0  }
0x9b: {  	[sflag:s7] =	ssyncadd.s32 @!p1 $0xFFFFE000  }
0x9c: {  	[tilespmem:s12], [sflag:$0x6] =	stream.linear.gather @!p1 [hbm4b:s18+s15], $0x40, $0x38;
	[tilespmem:$0x1E280] =	vst v63  }
0x9d: {  	s7 =	sadd.s32 @!p1 $0x140, s9  }
0x9e: {  	[tilespmem:s16], [sflag:$0x2] =	stream.indirect.gather @!p1 [hbm4b:s4+s11], $0x80, s7, s11, $0xb8;
	[tilespmem:$0x1E280] =	vst v63  }
0x9f: {  	_ =	swait.ge [sflag:s29], $0x40  }
0xa0: {  	[sflag:s29] =	ssyncset.done $0x0  }
0xa1: {  	[sflag:s29] =	ssyncadd.s32 $0xFFFFFFC0  }
0xa2: {  	_ =	swait.ge [sflag:s1], $0x2000  }
0xa3: {  	[sflag:s1] =	ssyncset.done $0x0  }
.Ltmp4:
0xa4: {  	[sflag:s1] =	ssyncadd.s32 $0xFFFFE000;
	(pc) =	sbr.rel @p1 .LBB2_8-.Ltmp4, $4  }
0xa5: {  	[spmem:s2] =	stream.indirect.scatter.add.f32 [tilespmem:s30], [sflag:$0x9], $0x80, s28, s24, $0xb8;
	[tilespmem:$0x1E280] =	vst v63  }
0xa6: {  	_ =	swait.ge [sflag:s22], $0x2000  }
0xa7: {  	[sflag:s22] =	ssyncset.done $0x0  }
0xa8: {  	[sflag:s22] =	ssyncadd.s32 $0xFFFFE000  }
0xa9: {  	[tilespmem:s28], [sflag:$0x7] =	stream.linear.gather [hbm4b:s19+s3], $0x40, $0x38;
	[tilespmem:$0x1E280] =	vst v63  }
0xaa: {  	s7 =	sshra.s32 s14, $0x2  }
0xab: {  	s9 =	sadd.s32 $0x180, s7  }
0xac: {  	[tilespmem:s30], [sflag:$0x3] =	stream.indirect.gather [hbm4b:s4+s24], $0x80, s9, s24, $0xb8;
	[tilespmem:$0x1E280] =	vst v63  }
0xad: {  	_ =	swait.ge [sflag:s8], $0x40  }
0xae: {  	[sflag:s8] =	ssyncset.done $0x0  }
0xaf: {  	[sflag:s8] =	ssyncadd.s32 $0xFFFFFFC0  }
0xb0: {  	_ =	swait.ge [sflag:s10], $0x2000  }
0xb1: {  	[sflag:s10] =	ssyncset.done $0x0  }
0xb2: {  	[sflag:s10] =	ssyncadd.s32 $0xFFFFE000  }
0xb3: {  	[spmem:s2] =	stream.indirect.scatter.add.f32 [tilespmem:s0], [sflag:$0x9], $0x80, s31, s24, $0xb8;
	[tilespmem:$0x1E280] =	vst v63  }
0xb4: {  	_ =	swait.ge [sflag:s22], $0x2000  }
.Ltmp5:
0xb5: {  	s14 =	sadd.s32 $0x400, s14;
	[sflag:s22] =	ssyncset.done $0x0;
	(pc) =	sbr.rel .LBB2_6-.Ltmp5, $4  }
0xb6: {  	s17 =	sadd.s32 $0x100, s17;
	s18 =	sadd.s32 $0x20, s18;
	[sflag:s22] =	ssyncadd.s32 $0xFFFFE000  }
0xb7: {  	[tilespmem:s31], [sflag:$0x8] =	stream.linear.gather [hbm4b:s20+s3], $0x40, $0x38;
	[tilespmem:$0x1E280] =	vst v63  }
0xb8: {  	s19 =	sadd.s32 $0x20, s19;
	s7 =	sadd.s32 $0x1C0, s7;
	s20 =	sadd.s32 $0x20, s20  }
0xb9: {  	[tilespmem:s0], [sflag:$0x4] =	stream.indirect.gather [hbm4b:s4+s24], $0x80, s7, s24, $0xb8;
	[tilespmem:$0x1E280] =	vst v63  }
.LBB2_9:
0xba: {  	_ =	sfence.sel $0x180000  }
0xbb: {  	[bflag:$0x0] =	sbarrier.arrive $0xFFFF  }
0xbc: {  	_ =	strace $0x9000004D  }
0xbd: {  	s0 =	stileid.u32;
	[bflag:$0x2] =	sbarrier.arrive $0xFFFF  }
0xbe: {  	p0 =	sne.s32 s0, $0x0;
	s0 =	rddreg [dreg:$0x2]  }
0xbf: {  	s0 =	sadd.s32 @!p0 $0x100000, s0  }
0xc0: {  	[sflag:s0] =	ssyncadd.tile.s32 @!p0 $0x1;
	_ =	shalt  }
.Lfunc_end2:
_tile_overlayer_lowered:
.L_overlay_start_2:
0xc1: {  	(tag) =	ssettag $0x2  }
0xc2: {  	s0 =	rddreg [dreg:$0x0];
	s2 =	stileid.u32  }
0xc3: {  	s1 =	rddreg [dreg:$0x1];
	p0 =	sne.s32 s2, $0x0  }
0xc4: {  	s3 =	rddreg [dreg:$0x2];
	[bflag:$0x3] =	sbarrier.arrive $0xFFFF;
	s2 =	simm.s32 @!p0 $0x1C09  }
0xc5: {  	[timem:s3], [sflag:s2] =	dma.local @!p0 [hbm:s0], s1  }
0xc6: {  	s0 =	simm.s32 @!p0 $0x9  }
0xc7: {  	_ =	swait.ge @!p0 [sflag:s0], s1  }
0xc8: {  	s1 =	ssub.s32 @!p0 $0x0, s1;
	[sflag:s0] =	ssyncset.done @!p0 $0x0  }
0xc9: {  	[sflag:s0] =	ssyncadd.s32 @!p0 s1  }
0xca: {  	[bflag:$0x3] =	sbarrier.arrive $0xFFFF  }
0xcb: {  	_ =	shalt  }

</sc_bundles>
